<compile_context>
chip_gen: v7x
topology: tpu7x:2x2x1
jax: 0.10.2.dev20260603
libtpu: 0.0.44.dev20260713+nightly
codegen_flags: <defaults>
</compile_context>

<pallas_src>
import functools
import math

import jax
import jax.numpy as jnp
from jax import lax
from jax.experimental import pallas as pl
from jax.experimental.pallas import tpu as pltpu
from jax.experimental.pallas import tpu_sc as plsc

_NB = 4


@functools.lru_cache(maxsize=None)
def _make_gather(bp: int, s: int, vocab: int, d: int):
    info = plsc.get_sparse_core_info()
    nc, ns, nl = info.num_cores, info.num_subcores, info.num_lanes
    nw = nc * ns
    assert d % nl == 0
    assert bp % (nw * _NB) == 0
    rows_per_w = bp // nw
    n_chunks = rows_per_w // _NB
    assert n_chunks % 2 == 0
    scale = jnp.float32(math.sqrt(float(d)))
    mesh = plsc.VectorSubcoreMesh(core_axis_name="c", subcore_axis_name="s")

    @functools.partial(
        pl.kernel,
        mesh=mesh,
        out_type=jax.ShapeDtypeStruct((bp, s, d), jnp.float32),
        scratch_types=[
            pltpu.VMEM((rows_per_w, s), jnp.int32),
            pltpu.VMEM((_NB, s, d), jnp.float32),
            pltpu.VMEM((_NB, s, d), jnp.float32),
            pltpu.SemaphoreType.DMA,
            pltpu.SemaphoreType.DMA,
        ],
    )
    def gather(idx_hbm, table_hbm, out_hbm, idx_v, buf0, buf1, sem0, sem1):
        wid = lax.axis_index("s") * nc + lax.axis_index("c")
        base = wid * rows_per_w
        pltpu.sync_copy(idx_hbm.at[pl.ds(base, rows_per_w)], idx_v)

        def fire(g, buf, sem):
            for r in range(_NB):
                pltpu.async_copy(
                    table_hbm.at[idx_v.at[g * _NB + r]], buf.at[r], sem
                )

        def drain(buf, sem):
            pltpu.make_async_copy(table_hbm.at[pl.ds(0, _NB * s)], buf, sem).wait()

        def scale_buf(buf):
            @plsc.parallel_loop(0, s, 1, unroll=2)
            def _(i):
                for r in range(_NB):
                    for j in range(d // nl):
                        sl = pl.ds(j * nl, nl)
                        buf[r, i, sl] = buf[r, i, sl] * scale

        def emit(g, buf):
            for r in range(_NB):
                row = base + g * _NB + r
                pltpu.sync_copy(buf.at[r], out_hbm.at[row])

        fire(0, buf0, sem0)

        def pair_body(h, carry):
            g0 = 2 * h
            fire(g0 + 1, buf1, sem1)
            drain(buf0, sem0)
            scale_buf(buf0)
            emit(g0, buf0)

            @pl.when(g0 + 2 < n_chunks)
            def _():
                fire(g0 + 2, buf0, sem0)

            drain(buf1, sem1)
            scale_buf(buf1)
            emit(g0 + 1, buf1)
            return carry

        lax.fori_loop(0, n_chunks // 2, pair_body, 0)

    return gather


def kernel(inputs, table):
    b, s = inputs.shape
    vocab, d = table.shape
    idx = inputs.astype(jnp.int32)
    return _make_gather(b, s, vocab, d)(idx, table)

# --- scband reference (transcript-rebuilt; emitter-appended) ---
"""Pipeline reference for scband-embeddings-7026566496463 (READ-ONLY COPY).

The authoritative reference and input builder live on the scoring server;
editing this copy changes nothing except your own understanding.
"""

import jax, jax.numpy as jnp
import numpy as np

VOCAB_SIZE = 100000
EMBED_DIM = 128
BATCH = 4096
SEQ_LEN = 50

def setup_inputs(seed: int = 0) -> dict:
    key = jax.random.key(seed)
    k_idx, k_tab = jax.random.split(key)
    inputs = jax.random.randint(k_idx, (BATCH, SEQ_LEN), 0, VOCAB_SIZE, dtype=jnp.int64 if jax.config.jax_enable_x64 else jnp.int32)
    table = jax.random.normal(k_tab, (VOCAB_SIZE, EMBED_DIM), dtype=jnp.float32)
    return {"inputs": inputs, "table": table}

def reference(inputs, table):
    # Embedding lookup followed by sqrt(d) scaling, matching Embeddings.forward
    emb = jnp.take(table, inputs, axis=0)
    return emb * np.sqrt(EMBED_DIM)

if __name__ == "__main__":
    import jax
    _d = setup_inputs()
    print(jax.jit(kernel)(*tuple(_d.values())))

</pallas_src>

<mosaic_0001>
#map = affine_map<(d0, d1) -> (0, 0)>
#map1 = affine_map<(d0, d1) -> (0)>
#map2 = affine_map<(d0, d1) -> (0, 0, 0)>
module attributes {stable_mosaic.version = 14 : i64} {
  func.func @_rewritten_body(%arg0: i32, %arg1: i32, %arg2: memref<4096x50xi32, #tpu.memory_space<hbm>>, %arg3: memref<100000x128xf32, #tpu.memory_space<hbm>>, %arg4: memref<1xf32, #tpu.memory_space<hbm>>, %arg5: memref<4096x50x128xf32, #tpu.memory_space<hbm>>, %arg6: memref<128x50xi32, #tpu.memory_space<vmem>>, %arg7: memref<4x50x128xf32, #tpu.memory_space<vmem>>, %arg8: memref<4x50x128xf32, #tpu.memory_space<vmem>>, %arg9: memref<!tpu.dma_semaphore, #tpu.memory_space<semaphore_mem>>, %arg10: memref<!tpu.dma_semaphore, #tpu.memory_space<semaphore_mem>>) attributes {dimension_semantics = [#tpu.dimension_semantics<core_parallel>, #tpu.dimension_semantics<subcore_parallel>], iteration_bounds = array<i64: 2, 16>, scalar_prefetch = 0 : i64, scratch_operands = 5 : i64, tpu.core_type = #tpu.core_type<sc_vector_subcore>, window_params = [{transform_indices = #map}, {transform_indices = #map}, {transform_indices = #map1}, {transform_indices = #map2}]} {
    %empty_ref3A = memref.alloca() : memref<16xf32, #tpu.memory_space<vmem>>
    "tpu.region"() ({
      %run_scoped3A = tpu.sem_alloc : memref<!tpu.dma_semaphore, #tpu.memory_space<semaphore_mem>>
      %dma_start3A_57 = arith.constant 0 : i32
      %dma_start3A_58 = tpu.memref_slice %empty_ref3A[%dma_start3A_57] : memref<16xf32, #tpu.memory_space<vmem>> -> memref<1xf32, #tpu.memory_space<vmem>>
      %dma_start3A_59 = arith.constant 0 : i32
      %dma_start3A_60 = tpu.memref_slice %empty_ref3A[%dma_start3A_59] : memref<16xf32, #tpu.memory_space<vmem>> -> memref<1xf32, #tpu.memory_space<vmem>>
      tpu.enqueue_dma source(%arg4 : memref<1xf32, #tpu.memory_space<hbm>>) target(%dma_start3A_60 : memref<1xf32, #tpu.memory_space<vmem>>) target_semaphore(%run_scoped3A : memref<!tpu.dma_semaphore, #tpu.memory_space<semaphore_mem>>)
      %dma_wait3A = arith.constant 0 : i32
      %dma_wait3A_61 = tpu.memref_slice %empty_ref3A[%dma_wait3A] : memref<16xf32, #tpu.memory_space<vmem>> -> memref<1xf32, #tpu.memory_space<vmem>>
      %dma_wait3A_62 = arith.constant 0 : i32
      %dma_wait3A_63 = tpu.memref_slice %empty_ref3A[%dma_wait3A_62] : memref<16xf32, #tpu.memory_space<vmem>> -> memref<1xf32, #tpu.memory_space<vmem>>
      tpu.wait_dma2 semaphore(%run_scoped3A : memref<!tpu.dma_semaphore, #tpu.memory_space<semaphore_mem>>) src(%arg4 : memref<1xf32, #tpu.memory_space<hbm>>) dst(%dma_wait3A_63 : memref<1xf32, #tpu.memory_space<vmem>>)
      tpu.yield
    }) : () -> ()
    %get3A = arith.constant 0 : index
    %get3A_0 = tpu.vector_load %empty_ref3A[%get3A] {strides = array<i32>} : memref<16xf32, #tpu.memory_space<vmem>>, vector<16xf32>,
    %get3A_1 = vector.shape_cast %get3A_0 : vector<16xf32> to vector<16xf32>
    %slice3A = vector.extract_strided_slice %get3A_1 {offsets = [0], sizes = [1], strides = [1]} : vector<16xf32> to vector<1xf32>
    %squeeze3A = vector.extract %slice3A[0] : f32 from vector<1xf32>
    %mul3A = arith.constant 2 : i32
    %mul3A_2 = arith.muli %arg1, %mul3A : i32
    %add3A = arith.addi %mul3A_2, %arg0 : i32
    %mul3A_3 = arith.constant 128 : i32
    %mul3A_4 = arith.muli %add3A, %mul3A_3 : i32
    "tpu.region"() ({
      %run_scoped3A = tpu.sem_alloc : memref<!tpu.dma_semaphore, #tpu.memory_space<semaphore_mem>>
      %dma_start3A_57 = arith.constant 0 : i32
      %dma_start3A_58 = tpu.memref_slice %arg2[%mul3A_4, %dma_start3A_57] : memref<4096x50xi32, #tpu.memory_space<hbm>> -> memref<128x50xi32, #tpu.memory_space<hbm>>
      %dma_start3A_59 = arith.constant 0 : i32
      %dma_start3A_60 = tpu.memref_slice %arg2[%mul3A_4, %dma_start3A_59] : memref<4096x50xi32, #tpu.memory_space<hbm>> -> memref<128x50xi32, #tpu.memory_space<hbm>>
      tpu.enqueue_dma source(%dma_start3A_60 : memref<128x50xi32, #tpu.memory_space<hbm>>) target(%arg6 : memref<128x50xi32, #tpu.memory_space<vmem>>) target_semaphore(%run_scoped3A : memref<!tpu.dma_semaphore, #tpu.memory_space<semaphore_mem>>)
      %dma_wait3A = arith.constant 0 : i32
      %dma_wait3A_61 = tpu.memref_slice %arg2[%mul3A_4, %dma_wait3A] : memref<4096x50xi32, #tpu.memory_space<hbm>> -> memref<128x50xi32, #tpu.memory_space<hbm>>
      %dma_wait3A_62 = arith.constant 0 : i32
      %dma_wait3A_63 = tpu.memref_slice %arg2[%mul3A_4, %dma_wait3A_62] : memref<4096x50xi32, #tpu.memory_space<hbm>> -> memref<128x50xi32, #tpu.memory_space<hbm>>
      tpu.wait_dma2 semaphore(%run_scoped3A : memref<!tpu.dma_semaphore, #tpu.memory_space<semaphore_mem>>) src(%dma_wait3A_63 : memref<128x50xi32, #tpu.memory_space<hbm>>) dst(%arg6 : memref<128x50xi32, #tpu.memory_space<vmem>>)
      tpu.yield
    }) : () -> ()
    %dma_start3A = arith.constant 0 : i32
    %dma_start3A_5 = arith.constant 0 : i32
    %dma_start3A_6 = arith.constant 0 : i32
    %dma_start3A_7 = arith.constant 0 : i32
    %dma_start3A_8 = tpu.memref_slice %arg7[%dma_start3A_5, %dma_start3A_6, %dma_start3A_7] : memref<4x50x128xf32, #tpu.memory_space<vmem>> -> memref<1x50x128xf32, #tpu.memory_space<vmem>>
    %dma_start3A_9 = tpu.memref_squeeze %dma_start3A_8 : memref<1x50x128xf32, #tpu.memory_space<vmem>> -> memref<50x128xf32, #tpu.memory_space<vmem>>
    %dma_start3A_10 = arith.constant 0 : i32
    %dma_start3A_11 = tpu.memref_slice %arg6[%dma_start3A, %dma_start3A_10] : memref<128x50xi32, #tpu.memory_space<vmem>> -> memref<1x50xi32, #tpu.memory_space<vmem>>
    %dma_start3A_12 = tpu.memref_squeeze %dma_start3A_11 : memref<1x50xi32, #tpu.memory_space<vmem>> -> memref<50xi32, #tpu.memory_space<vmem>>
    %dma_start3A_13 = arith.constant 0 : i32
    %dma_start3A_14 = arith.constant 0 : i32
    %dma_start3A_15 = tpu.memref_slice %arg3[%dma_start3A_13, %dma_start3A_14] : memref<100000x128xf32, #tpu.memory_space<hbm>> -> memref<100000x128xf32, #tpu.memory_space<hbm>>
    tpu.enqueue_indirect_dma source(%dma_start3A_15 : memref<100000x128xf32, #tpu.memory_space<hbm>>) target(%dma_start3A_9 : memref<50x128xf32, #tpu.memory_space<vmem>>) offsets(%dma_start3A_12 : memref<50xi32, #tpu.memory_space<vmem>>) semaphore(%arg9 : memref<!tpu.dma_semaphore, #tpu.memory_space<semaphore_mem>>)
    %dma_start3A_16 = arith.constant 1 : i32
    %dma_start3A_17 = arith.constant 1 : i32
    %dma_start3A_18 = arith.constant 0 : i32
    %dma_start3A_19 = arith.constant 0 : i32
    %dma_start3A_20 = tpu.memref_slice %arg7[%dma_start3A_17, %dma_start3A_18, %dma_start3A_19] : memref<4x50x128xf32, #tpu.memory_space<vmem>> -> memref<1x50x128xf32, #tpu.memory_space<vmem>>
    %dma_start3A_21 = tpu.memref_squeeze %dma_start3A_20 : memref<1x50x128xf32, #tpu.memory_space<vmem>> -> memref<50x128xf32, #tpu.memory_space<vmem>>
    %dma_start3A_22 = arith.constant 0 : i32
    %dma_start3A_23 = tpu.memref_slice %arg6[%dma_start3A_16, %dma_start3A_22] : memref<128x50xi32, #tpu.memory_space<vmem>> -> memref<1x50xi32, #tpu.memory_space<vmem>>
    %dma_start3A_24 = tpu.memref_squeeze %dma_start3A_23 : memref<1x50xi32, #tpu.memory_space<vmem>> -> memref<50xi32, #tpu.memory_space<vmem>>
    %dma_start3A_25 = arith.constant 0 : i32
    %dma_start3A_26 = arith.constant 0 : i32
    %dma_start3A_27 = tpu.memref_slice %arg3[%dma_start3A_25, %dma_start3A_26] : memref<100000x128xf32, #tpu.memory_space<hbm>> -> memref<100000x128xf32, #tpu.memory_space<hbm>>
    tpu.enqueue_indirect_dma source(%dma_start3A_27 : memref<100000x128xf32, #tpu.memory_space<hbm>>) target(%dma_start3A_21 : memref<50x128xf32, #tpu.memory_space<vmem>>) offsets(%dma_start3A_24 : memref<50xi32, #tpu.memory_space<vmem>>) semaphore(%arg9 : memref<!tpu.dma_semaphore, #tpu.memory_space<semaphore_mem>>)
    %dma_start3A_28 = arith.constant 2 : i32
    %dma_start3A_29 = arith.constant 2 : i32
    %dma_start3A_30 = arith.constant 0 : i32
    %dma_start3A_31 = arith.constant 0 : i32
    %dma_start3A_32 = tpu.memref_slice %arg7[%dma_start3A_29, %dma_start3A_30, %dma_start3A_31] : memref<4x50x128xf32, #tpu.memory_space<vmem>> -> memref<1x50x128xf32, #tpu.memory_space<vmem>>
    %dma_start3A_33 = tpu.memref_squeeze %dma_start3A_32 : memref<1x50x128xf32, #tpu.memory_space<vmem>> -> memref<50x128xf32, #tpu.memory_space<vmem>>
    %dma_start3A_34 = arith.constant 0 : i32
    %dma_start3A_35 = tpu.memref_slice %arg6[%dma_start3A_28, %dma_start3A_34] : memref<128x50xi32, #tpu.memory_space<vmem>> -> memref<1x50xi32, #tpu.memory_space<vmem>>
    %dma_start3A_36 = tpu.memref_squeeze %dma_start3A_35 : memref<1x50xi32, #tpu.memory_space<vmem>> -> memref<50xi32, #tpu.memory_space<vmem>>
    %dma_start3A_37 = arith.constant 0 : i32
    %dma_start3A_38 = arith.constant 0 : i32
    %dma_start3A_39 = tpu.memref_slice %arg3[%dma_start3A_37, %dma_start3A_38] : memref<100000x128xf32, #tpu.memory_space<hbm>> -> memref<100000x128xf32, #tpu.memory_space<hbm>>
    tpu.enqueue_indirect_dma source(%dma_start3A_39 : memref<100000x128xf32, #tpu.memory_space<hbm>>) target(%dma_start3A_33 : memref<50x128xf32, #tpu.memory_space<vmem>>) offsets(%dma_start3A_36 : memref<50xi32, #tpu.memory_space<vmem>>) semaphore(%arg9 : memref<!tpu.dma_semaphore, #tpu.memory_space<semaphore_mem>>)
    %dma_start3A_40 = arith.constant 3 : i32
    %dma_start3A_41 = arith.constant 3 : i32
    %dma_start3A_42 = arith.constant 0 : i32
    %dma_start3A_43 = arith.constant 0 : i32
    %dma_start3A_44 = tpu.memref_slice %arg7[%dma_start3A_41, %dma_start3A_42, %dma_start3A_43] : memref<4x50x128xf32, #tpu.memory_space<vmem>> -> memref<1x50x128xf32, #tpu.memory_space<vmem>>
    %dma_start3A_45 = tpu.memref_squeeze %dma_start3A_44 : memref<1x50x128xf32, #tpu.memory_space<vmem>> -> memref<50x128xf32, #tpu.memory_space<vmem>>
    %dma_start3A_46 = arith.constant 0 : i32
    %dma_start3A_47 = tpu.memref_slice %arg6[%dma_start3A_40, %dma_start3A_46] : memref<128x50xi32, #tpu.memory_space<vmem>> -> memref<1x50xi32, #tpu.memory_space<vmem>>
    %dma_start3A_48 = tpu.memref_squeeze %dma_start3A_47 : memref<1x50xi32, #tpu.memory_space<vmem>> -> memref<50xi32, #tpu.memory_space<vmem>>
    %dma_start3A_49 = arith.constant 0 : i32
    %dma_start3A_50 = arith.constant 0 : i32
    %dma_start3A_51 = tpu.memref_slice %arg3[%dma_start3A_49, %dma_start3A_50] : memref<100000x128xf32, #tpu.memory_space<hbm>> -> memref<100000x128xf32, #tpu.memory_space<hbm>>
    tpu.enqueue_indirect_dma source(%dma_start3A_51 : memref<100000x128xf32, #tpu.memory_space<hbm>>) target(%dma_start3A_45 : memref<50x128xf32, #tpu.memory_space<vmem>>) offsets(%dma_start3A_48 : memref<50xi32, #tpu.memory_space<vmem>>) semaphore(%arg9 : memref<!tpu.dma_semaphore, #tpu.memory_space<semaphore_mem>>)
    %scan3A = arith.constant 0 : i32
    %scan3A_52 = arith.constant 0 : i32
    %scan3A_53 = arith.constant 16 : i32
    %scan3A_54 = arith.addi %scan3A_52, %scan3A_53 : i32
    %scan3A_55 = arith.constant 1 : i32
    scf.for %scan3A_57 = %scan3A_52 to %scan3A_54 step %scan3A_55  : i32 {
      %mul3A_58 = arith.constant 2 : i32
      %mul3A_59 = arith.muli %mul3A_58, %scan3A_57 : i32
      %add3A_60 = arith.constant 1 : i32
      %add3A_61 = arith.addi %mul3A_59, %add3A_60 : i32
      %mul3A_62 = arith.constant 4 : i32
      %mul3A_63 = arith.muli %add3A_61, %mul3A_62 : i32
      %add3A_64 = arith.constant 0 : i32
      %add3A_65 = arith.addi %mul3A_63, %add3A_64 : i32
      %dma_start3A_66 = arith.constant 0 : i32
      %dma_start3A_67 = arith.constant 0 : i32
      %dma_start3A_68 = arith.constant 0 : i32
      %dma_start3A_69 = tpu.memref_slice %arg8[%dma_start3A_66, %dma_start3A_67, %dma_start3A_68] : memref<4x50x128xf32, #tpu.memory_space<vmem>> -> memref<1x50x128xf32, #tpu.memory_space<vmem>>
      %dma_start3A_70 = tpu.memref_squeeze %dma_start3A_69 : memref<1x50x128xf32, #tpu.memory_space<vmem>> -> memref<50x128xf32, #tpu.memory_space<vmem>>
      %dma_start3A_71 = arith.constant 0 : i32
      %dma_start3A_72 = tpu.memref_slice %arg6[%add3A_65, %dma_start3A_71] : memref<128x50xi32, #tpu.memory_space<vmem>> -> memref<1x50xi32, #tpu.memory_space<vmem>>
      %dma_start3A_73 = tpu.memref_squeeze %dma_start3A_72 : memref<1x50xi32, #tpu.memory_space<vmem>> -> memref<50xi32, #tpu.memory_space<vmem>>
      %dma_start3A_74 = arith.constant 0 : i32
      %dma_start3A_75 = arith.constant 0 : i32
      %dma_start3A_76 = tpu.memref_slice %arg3[%dma_start3A_74, %dma_start3A_75] : memref<100000x128xf32, #tpu.memory_space<hbm>> -> memref<100000x128xf32, #tpu.memory_space<hbm>>
      tpu.enqueue_indirect_dma source(%dma_start3A_76 : memref<100000x128xf32, #tpu.memory_space<hbm>>) target(%dma_start3A_70 : memref<50x128xf32, #tpu.memory_space<vmem>>) offsets(%dma_start3A_73 : memref<50xi32, #tpu.memory_space<vmem>>) semaphore(%arg10 : memref<!tpu.dma_semaphore, #tpu.memory_space<semaphore_mem>>)
      %mul3A_77 = arith.constant 4 : i32
      %mul3A_78 = arith.muli %add3A_61, %mul3A_77 : i32
      %add3A_79 = arith.constant 1 : i32
      %add3A_80 = arith.addi %mul3A_78, %add3A_79 : i32
      %dma_start3A_81 = arith.constant 1 : i32
      %dma_start3A_82 = arith.constant 0 : i32
      %dma_start3A_83 = arith.constant 0 : i32
      %dma_start3A_84 = tpu.memref_slice %arg8[%dma_start3A_81, %dma_start3A_82, %dma_start3A_83] : memref<4x50x128xf32, #tpu.memory_space<vmem>> -> memref<1x50x128xf32, #tpu.memory_space<vmem>>
      %dma_start3A_85 = tpu.memref_squeeze %dma_start3A_84 : memref<1x50x128xf32, #tpu.memory_space<vmem>> -> memref<50x128xf32, #tpu.memory_space<vmem>>
      %dma_start3A_86 = arith.constant 0 : i32
      %dma_start3A_87 = tpu.memref_slice %arg6[%add3A_80, %dma_start3A_86] : memref<128x50xi32, #tpu.memory_space<vmem>> -> memref<1x50xi32, #tpu.memory_space<vmem>>
      %dma_start3A_88 = tpu.memref_squeeze %dma_start3A_87 : memref<1x50xi32, #tpu.memory_space<vmem>> -> memref<50xi32, #tpu.memory_space<vmem>>
      %dma_start3A_89 = arith.constant 0 : i32
      %dma_start3A_90 = arith.constant 0 : i32
      %dma_start3A_91 = tpu.memref_slice %arg3[%dma_start3A_89, %dma_start3A_90] : memref<100000x128xf32, #tpu.memory_space<hbm>> -> memref<100000x128xf32, #tpu.memory_space<hbm>>
      tpu.enqueue_indirect_dma source(%dma_start3A_91 : memref<100000x128xf32, #tpu.memory_space<hbm>>) target(%dma_start3A_85 : memref<50x128xf32, #tpu.memory_space<vmem>>) offsets(%dma_start3A_88 : memref<50xi32, #tpu.memory_space<vmem>>) semaphore(%arg10 : memref<!tpu.dma_semaphore, #tpu.memory_space<semaphore_mem>>)
      %mul3A_92 = arith.constant 4 : i32
      %mul3A_93 = arith.muli %add3A_61, %mul3A_92 : i32
      %add3A_94 = arith.constant 2 : i32
      %add3A_95 = arith.addi %mul3A_93, %add3A_94 : i32
      %dma_start3A_96 = arith.constant 2 : i32
      %dma_start3A_97 = arith.constant 0 : i32
      %dma_start3A_98 = arith.constant 0 : i32
      %dma_start3A_99 = tpu.memref_slice %arg8[%dma_start3A_96, %dma_start3A_97, %dma_start3A_98] : memref<4x50x128xf32, #tpu.memory_space<vmem>> -> memref<1x50x128xf32, #tpu.memory_space<vmem>>
      %dma_start3A_100 = tpu.memref_squeeze %dma_start3A_99 : memref<1x50x128xf32, #tpu.memory_space<vmem>> -> memref<50x128xf32, #tpu.memory_space<vmem>>
      %dma_start3A_101 = arith.constant 0 : i32
      %dma_start3A_102 = tpu.memref_slice %arg6[%add3A_95, %dma_start3A_101] : memref<128x50xi32, #tpu.memory_space<vmem>> -> memref<1x50xi32, #tpu.memory_space<vmem>>
      %dma_start3A_103 = tpu.memref_squeeze %dma_start3A_102 : memref<1x50xi32, #tpu.memory_space<vmem>> -> memref<50xi32, #tpu.memory_space<vmem>>
      %dma_start3A_104 = arith.constant 0 : i32
      %dma_start3A_105 = arith.constant 0 : i32
      %dma_start3A_106 = tpu.memref_slice %arg3[%dma_start3A_104, %dma_start3A_105] : memref<100000x128xf32, #tpu.memory_space<hbm>> -> memref<100000x128xf32, #tpu.memory_space<hbm>>
      tpu.enqueue_indirect_dma source(%dma_start3A_106 : memref<100000x128xf32, #tpu.memory_space<hbm>>) target(%dma_start3A_100 : memref<50x128xf32, #tpu.memory_space<vmem>>) offsets(%dma_start3A_103 : memref<50xi32, #tpu.memory_space<vmem>>) semaphore(%arg10 : memref<!tpu.dma_semaphore, #tpu.memory_space<semaphore_mem>>)
      %mul3A_107 = arith.constant 4 : i32
      %mul3A_108 = arith.muli %add3A_61, %mul3A_107 : i32
      %add3A_109 = arith.constant 3 : i32
      %add3A_110 = arith.addi %mul3A_108, %add3A_109 : i32
      %dma_start3A_111 = arith.constant 3 : i32
      %dma_start3A_112 = arith.constant 0 : i32
      %dma_start3A_113 = arith.constant 0 : i32
      %dma_start3A_114 = tpu.memref_slice %arg8[%dma_start3A_111, %dma_start3A_112, %dma_start3A_113] : memref<4x50x128xf32, #tpu.memory_space<vmem>> -> memref<1x50x128xf32, #tpu.memory_space<vmem>>
      %dma_start3A_115 = tpu.memref_squeeze %dma_start3A_114 : memref<1x50x128xf32, #tpu.memory_space<vmem>> -> memref<50x128xf32, #tpu.memory_space<vmem>>
      %dma_start3A_116 = arith.constant 0 : i32
      %dma_start3A_117 = tpu.memref_slice %arg6[%add3A_110, %dma_start3A_116] : memref<128x50xi32, #tpu.memory_space<vmem>> -> memref<1x50xi32, #tpu.memory_space<vmem>>
      %dma_start3A_118 = tpu.memref_squeeze %dma_start3A_117 : memref<1x50xi32, #tpu.memory_space<vmem>> -> memref<50xi32, #tpu.memory_space<vmem>>
      %dma_start3A_119 = arith.constant 0 : i32
      %dma_start3A_120 = arith.constant 0 : i32
      %dma_start3A_121 = tpu.memref_slice %arg3[%dma_start3A_119, %dma_start3A_120] : memref<100000x128xf32, #tpu.memory_space<hbm>> -> memref<100000x128xf32, #tpu.memory_space<hbm>>
      tpu.enqueue_indirect_dma source(%dma_start3A_121 : memref<100000x128xf32, #tpu.memory_space<hbm>>) target(%dma_start3A_115 : memref<50x128xf32, #tpu.memory_space<vmem>>) offsets(%dma_start3A_118 : memref<50xi32, #tpu.memory_space<vmem>>) semaphore(%arg10 : memref<!tpu.dma_semaphore, #tpu.memory_space<semaphore_mem>>)
      %dma_wait3A = arith.constant 0 : i32
      %dma_wait3A_122 = arith.constant 0 : i32
      %dma_wait3A_123 = tpu.memref_slice %arg3[%dma_wait3A, %dma_wait3A_122] : memref<100000x128xf32, #tpu.memory_space<hbm>> -> memref<200x128xf32, #tpu.memory_space<hbm>>
      %dma_wait3A_124 = arith.constant 0 : i32
      %dma_wait3A_125 = arith.constant 0 : i32
      %dma_wait3A_126 = tpu.memref_slice %arg3[%dma_wait3A_124, %dma_wait3A_125] : memref<100000x128xf32, #tpu.memory_space<hbm>> -> memref<200x128xf32, #tpu.memory_space<hbm>>
      tpu.wait_dma2 semaphore(%arg9 : memref<!tpu.dma_semaphore, #tpu.memory_space<semaphore_mem>>) src(%dma_wait3A_126 : memref<200x128xf32, #tpu.memory_space<hbm>>) dst(%arg7 : memref<4x50x128xf32, #tpu.memory_space<vmem>>)
      %parallel_loop3A = arith.constant 0 : i32
      %parallel_loop3A_127 = arith.constant 50 : i32
      %parallel_loop3A_128 = arith.constant 1 : i32
      scf.for %parallel_loop3A_191 = %parallel_loop3A to %parallel_loop3A_127 step %parallel_loop3A_128  : i32 {
        %parallel_loop3A_192 = arith.constant 0 : i32
        %parallel_loop3A_193 = arith.index_cast %parallel_loop3A_192 : i32 to index
        %parallel_loop3A_194 = arith.index_cast %parallel_loop3A_191 : i32 to index
        %parallel_loop3A_195 = arith.constant 0 : index
        %parallel_loop3A_196 = tpu.vector_load %arg7[%parallel_loop3A_193, %parallel_loop3A_194, %parallel_loop3A_195] {strides = array<i32>} : memref<4x50x128xf32, #tpu.memory_space<vmem>>, vector<1x1x16xf32>,
        %parallel_loop3A_197 = vector.shape_cast %parallel_loop3A_196 : vector<1x1x16xf32> to vector<16xf32>
        %parallel_loop3A_198 = vector.broadcast %squeeze3A : f32 to vector<16xf32>
        %parallel_loop3A_199 = arith.mulf %parallel_loop3A_197, %parallel_loop3A_198 : vector<16xf32>
        %parallel_loop3A_200 = arith.constant 0 : i32
        %parallel_loop3A_201 = arith.index_cast %parallel_loop3A_200 : i32 to index
        %parallel_loop3A_202 = arith.index_cast %parallel_loop3A_191 : i32 to index
        %parallel_loop3A_203 = arith.constant 0 : index
        %parallel_loop3A_204 = tpu.vector_load %arg7[%parallel_loop3A_201, %parallel_loop3A_202, %parallel_loop3A_203] {strides = array<i32>} : memref<4x50x128xf32, #tpu.memory_space<vmem>>, vector<1x1x16xf32>,
        %parallel_loop3A_205 = vector.shape_cast %parallel_loop3A_204 : vector<1x1x16xf32> to vector<16xf32>
        %parallel_loop3A_206 = vector.shape_cast %parallel_loop3A_199 : vector<16xf32> to vector<1x1x16xf32>
        tpu.vector_store %arg7[%parallel_loop3A_201, %parallel_loop3A_202, %parallel_loop3A_203], %parallel_loop3A_206 {strides = array<i32>} : memref<4x50x128xf32, #tpu.memory_space<vmem>>, vector<1x1x16xf32>,
        %parallel_loop3A_207 = arith.constant 0 : i32
        %parallel_loop3A_208 = arith.index_cast %parallel_loop3A_207 : i32 to index
        %parallel_loop3A_209 = arith.index_cast %parallel_loop3A_191 : i32 to index
        %parallel_loop3A_210 = arith.constant 16 : index
        %parallel_loop3A_211 = tpu.vector_load %arg7[%parallel_loop3A_208, %parallel_loop3A_209, %parallel_loop3A_210] {strides = array<i32>} : memref<4x50x128xf32, #tpu.memory_space<vmem>>, vector<1x1x16xf32>,
        %parallel_loop3A_212 = vector.shape_cast %parallel_loop3A_211 : vector<1x1x16xf32> to vector<16xf32>
        %parallel_loop3A_213 = vector.broadcast %squeeze3A : f32 to vector<16xf32>
        %parallel_loop3A_214 = arith.mulf %parallel_loop3A_212, %parallel_loop3A_213 : vector<16xf32>
        %parallel_loop3A_215 = arith.constant 0 : i32
        %parallel_loop3A_216 = arith.index_cast %parallel_loop3A_215 : i32 to index
        %parallel_loop3A_217 = arith.index_cast %parallel_loop3A_191 : i32 to index
        %parallel_loop3A_218 = arith.constant 16 : index
        %parallel_loop3A_219 = tpu.vector_load %arg7[%parallel_loop3A_216, %parallel_loop3A_217, %parallel_loop3A_218] {strides = array<i32>} : memref<4x50x128xf32, #tpu.memory_space<vmem>>, vector<1x1x16xf32>,
        %parallel_loop3A_220 = vector.shape_cast %parallel_loop3A_219 : vector<1x1x16xf32> to vector<16xf32>
        %parallel_loop3A_221 = vector.shape_cast %parallel_loop3A_214 : vector<16xf32> to vector<1x1x16xf32>
        tpu.vector_store %arg7[%parallel_loop3A_216, %parallel_loop3A_217, %parallel_loop3A_218], %parallel_loop3A_221 {strides = array<i32>} : memref<4x50x128xf32, #tpu.memory_space<vmem>>, vector<1x1x16xf32>,
        %parallel_loop3A_222 = arith.constant 0 : i32
        %parallel_loop3A_223 = arith.index_cast %parallel_loop3A_222 : i32 to index
        %parallel_loop3A_224 = arith.index_cast %parallel_loop3A_191 : i32 to index
        %parallel_loop3A_225 = arith.constant 32 : index
        %parallel_loop3A_226 = tpu.vector_load %arg7[%parallel_loop3A_223, %parallel_loop3A_224, %parallel_loop3A_225] {strides = array<i32>} : memref<4x50x128xf32, #tpu.memory_space<vmem>>, vector<1x1x16xf32>,
        %parallel_loop3A_227 = vector.shape_cast %parallel_loop3A_226 : vector<1x1x16xf32> to vector<16xf32>
        %parallel_loop3A_228 = vector.broadcast %squeeze3A : f32 to vector<16xf32>
        %parallel_loop3A_229 = arith.mulf %parallel_loop3A_227, %parallel_loop3A_228 : vector<16xf32>
        %parallel_loop3A_230 = arith.constant 0 : i32
        %parallel_loop3A_231 = arith.index_cast %parallel_loop3A_230 : i32 to index
        %parallel_loop3A_232 = arith.index_cast %parallel_loop3A_191 : i32 to index
        %parallel_loop3A_233 = arith.constant 32 : index
        %parallel_loop3A_234 = tpu.vector_load %arg7[%parallel_loop3A_231, %parallel_loop3A_232, %parallel_loop3A_233] {strides = array<i32>} : memref<4x50x128xf32, #tpu.memory_space<vmem>>, vector<1x1x16xf32>,
        %parallel_loop3A_235 = vector.shape_cast %parallel_loop3A_234 : vector<1x1x16xf32> to vector<16xf32>
        %parallel_loop3A_236 = vector.shape_cast %parallel_loop3A_229 : vector<16xf32> to vector<1x1x16xf32>
        tpu.vector_store %arg7[%parallel_loop3A_231, %parallel_loop3A_232, %parallel_loop3A_233], %parallel_loop3A_236 {strides = array<i32>} : memref<4x50x128xf32, #tpu.memory_space<vmem>>, vector<1x1x16xf32>,
        %parallel_loop3A_237 = arith.constant 0 : i32
        %parallel_loop3A_238 = arith.index_cast %parallel_loop3A_237 : i32 to index
        %parallel_loop3A_239 = arith.index_cast %parallel_loop3A_191 : i32 to index
        %parallel_loop3A_240 = arith.constant 48 : index
        %parallel_loop3A_241 = tpu.vector_load %arg7[%parallel_loop3A_238, %parallel_loop3A_239, %parallel_loop3A_240] {strides = array<i32>} : memref<4x50x128xf32, #tpu.memory_space<vmem>>, vector<1x1x16xf32>,
        %parallel_loop3A_242 = vector.shape_cast %parallel_loop3A_241 : vector<1x1x16xf32> to vector<16xf32>
        %parallel_loop3A_243 = vector.broadcast %squeeze3A : f32 to vector<16xf32>
        %parallel_loop3A_244 = arith.mulf %parallel_loop3A_242, %parallel_loop3A_243 : vector<16xf32>
        %parallel_loop3A_245 = arith.constant 0 : i32
        %parallel_loop3A_246 = arith.index_cast %parallel_loop3A_245 : i32 to index
        %parallel_loop3A_247 = arith.index_cast %parallel_loop3A_191 : i32 to index
        %parallel_loop3A_248 = arith.constant 48 : index
        %parallel_loop3A_249 = tpu.vector_load %arg7[%parallel_loop3A_246, %parallel_loop3A_247, %parallel_loop3A_248] {strides = array<i32>} : memref<4x50x128xf32, #tpu.memory_space<vmem>>, vector<1x1x16xf32>,
        %parallel_loop3A_250 = vector.shape_cast %parallel_loop3A_249 : vector<1x1x16xf32> to vector<16xf32>
        %parallel_loop3A_251 = vector.shape_cast %parallel_loop3A_244 : vector<16xf32> to vector<1x1x16xf32>
        tpu.vector_store %arg7[%parallel_loop3A_246, %parallel_loop3A_247, %parallel_loop3A_248], %parallel_loop3A_251 {strides = array<i32>} : memref<4x50x128xf32, #tpu.memory_space<vmem>>, vector<1x1x16xf32>,
        %parallel_loop3A_252 = arith.constant 0 : i32
        %parallel_loop3A_253 = arith.index_cast %parallel_loop3A_252 : i32 to index
        %parallel_loop3A_254 = arith.index_cast %parallel_loop3A_191 : i32 to index
        %parallel_loop3A_255 = arith.constant 64 : index
        %parallel_loop3A_256 = tpu.vector_load %arg7[%parallel_loop3A_253, %parallel_loop3A_254, %parallel_loop3A_255] {strides = array<i32>} : memref<4x50x128xf32, #tpu.memory_space<vmem>>, vector<1x1x16xf32>,
        %parallel_loop3A_257 = vector.shape_cast %parallel_loop3A_256 : vector<1x1x16xf32> to vector<16xf32>
        %parallel_loop3A_258 = vector.broadcast %squeeze3A : f32 to vector<16xf32>
        %parallel_loop3A_259 = arith.mulf %parallel_loop3A_257, %parallel_loop3A_258 : vector<16xf32>
        %parallel_loop3A_260 = arith.constant 0 : i32
        %parallel_loop3A_261 = arith.index_cast %parallel_loop3A_260 : i32 to index
        %parallel_loop3A_262 = arith.index_cast %parallel_loop3A_191 : i32 to index
        %parallel_loop3A_263 = arith.constant 64 : index
        %parallel_loop3A_264 = tpu.vector_load %arg7[%parallel_loop3A_261, %parallel_loop3A_262, %parallel_loop3A_263] {strides = array<i32>} : memref<4x50x128xf32, #tpu.memory_space<vmem>>, vector<1x1x16xf32>,
        %parallel_loop3A_265 = vector.shape_cast %parallel_loop3A_264 : vector<1x1x16xf32> to vector<16xf32>
        %parallel_loop3A_266 = vector.shape_cast %parallel_loop3A_259 : vector<16xf32> to vector<1x1x16xf32>
        tpu.vector_store %arg7[%parallel_loop3A_261, %parallel_loop3A_262, %parallel_loop3A_263], %parallel_loop3A_266 {strides = array<i32>} : memref<4x50x128xf32, #tpu.memory_space<vmem>>, vector<1x1x16xf32>,
        %parallel_loop3A_267 = arith.constant 0 : i32
        %parallel_loop3A_268 = arith.index_cast %parallel_loop3A_267 : i32 to index
        %parallel_loop3A_269 = arith.index_cast %parallel_loop3A_191 : i32 to index
        %parallel_loop3A_270 = arith.constant 80 : index
        %parallel_loop3A_271 = tpu.vector_load %arg7[%parallel_loop3A_268, %parallel_loop3A_269, %parallel_loop3A_270] {strides = array<i32>} : memref<4x50x128xf32, #tpu.memory_space<vmem>>, vector<1x1x16xf32>,
        %parallel_loop3A_272 = vector.shape_cast %parallel_loop3A_271 : vector<1x1x16xf32> to vector<16xf32>
        %parallel_loop3A_273 = vector.broadcast %squeeze3A : f32 to vector<16xf32>
        %parallel_loop3A_274 = arith.mulf %parallel_loop3A_272, %parallel_loop3A_273 : vector<16xf32>
        %parallel_loop3A_275 = arith.constant 0 : i32
        %parallel_loop3A_276 = arith.index_cast %parallel_loop3A_275 : i32 to index
        %parallel_loop3A_277 = arith.index_cast %parallel_loop3A_191 : i32 to index
        %parallel_loop3A_278 = arith.constant 80 : index
        %parallel_loop3A_279 = tpu.vector_load %arg7[%parallel_loop3A_276, %parallel_loop3A_277, %parallel_loop3A_278] {strides = array<i32>} : memref<4x50x128xf32, #tpu.memory_space<vmem>>, vector<1x1x16xf32>,
        %parallel_loop3A_280 = vector.shape_cast %parallel_loop3A_279 : vector<1x1x16xf32> to vector<16xf32>
        %parallel_loop3A_281 = vector.shape_cast %parallel_loop3A_274 : vector<16xf32> to vector<1x1x16xf32>
        tpu.vector_store %arg7[%parallel_loop3A_276, %parallel_loop3A_277, %parallel_loop3A_278], %parallel_loop3A_281 {strides = array<i32>} : memref<4x50x128xf32, #tpu.memory_space<vmem>>, vector<1x1x16xf32>,
        %parallel_loop3A_282 = arith.constant 0 : i32
        %parallel_loop3A_283 = arith.index_cast %parallel_loop3A_282 : i32 to index
        %parallel_loop3A_284 = arith.index_cast %parallel_loop3A_191 : i32 to index
        %parallel_loop3A_285 = arith.constant 96 : index
        %parallel_loop3A_286 = tpu.vector_load %arg7[%parallel_loop3A_283, %parallel_loop3A_284, %parallel_loop3A_285] {strides = array<i32>} : memref<4x50x128xf32, #tpu.memory_space<vmem>>, vector<1x1x16xf32>,
        %parallel_loop3A_287 = vector.shape_cast %parallel_loop3A_286 : vector<1x1x16xf32> to vector<16xf32>
        %parallel_loop3A_288 = vector.broadcast %squeeze3A : f32 to vector<16xf32>
        %parallel_loop3A_289 = arith.mulf %parallel_loop3A_287, %parallel_loop3A_288 : vector<16xf32>
        %parallel_loop3A_290 = arith.constant 0 : i32
        %parallel_loop3A_291 = arith.index_cast %parallel_loop3A_290 : i32 to index
        %parallel_loop3A_292 = arith.index_cast %parallel_loop3A_191 : i32 to index
        %parallel_loop3A_293 = arith.constant 96 : index
        %parallel_loop3A_294 = tpu.vector_load %arg7[%parallel_loop3A_291, %parallel_loop3A_292, %parallel_loop3A_293] {strides = array<i32>} : memref<4x50x128xf32, #tpu.memory_space<vmem>>, vector<1x1x16xf32>,
        %parallel_loop3A_295 = vector.shape_cast %parallel_loop3A_294 : vector<1x1x16xf32> to vector<16xf32>
        %parallel_loop3A_296 = vector.shape_cast %parallel_loop3A_289 : vector<16xf32> to vector<1x1x16xf32>
        tpu.vector_store %arg7[%parallel_loop3A_291, %parallel_loop3A_292, %parallel_loop3A_293], %parallel_loop3A_296 {strides = array<i32>} : memref<4x50x128xf32, #tpu.memory_space<vmem>>, vector<1x1x16xf32>,
        %parallel_loop3A_297 = arith.constant 0 : i32
        %parallel_loop3A_298 = arith.index_cast %parallel_loop3A_297 : i32 to index
        %parallel_loop3A_299 = arith.index_cast %parallel_loop3A_191 : i32 to index
        %parallel_loop3A_300 = arith.constant 112 : index
        %parallel_loop3A_301 = tpu.vector_load %arg7[%parallel_loop3A_298, %parallel_loop3A_299, %parallel_loop3A_300] {strides = array<i32>} : memref<4x50x128xf32, #tpu.memory_space<vmem>>, vector<1x1x16xf32>,
        %parallel_loop3A_302 = vector.shape_cast %parallel_loop3A_301 : vector<1x1x16xf32> to vector<16xf32>
        %parallel_loop3A_303 = vector.broadcast %squeeze3A : f32 to vector<16xf32>
        %parallel_loop3A_304 = arith.mulf %parallel_loop3A_302, %parallel_loop3A_303 : vector<16xf32>
        %parallel_loop3A_305 = arith.constant 0 : i32
        %parallel_loop3A_306 = arith.index_cast %parallel_loop3A_305 : i32 to index
        %parallel_loop3A_307 = arith.index_cast %parallel_loop3A_191 : i32 to index
        %parallel_loop3A_308 = arith.constant 112 : index
        %parallel_loop3A_309 = tpu.vector_load %arg7[%parallel_loop3A_306, %parallel_loop3A_307, %parallel_loop3A_308] {strides = array<i32>} : memref<4x50x128xf32, #tpu.memory_space<vmem>>, vector<1x1x16xf32>,
        %parallel_loop3A_310 = vector.shape_cast %parallel_loop3A_309 : vector<1x1x16xf32> to vector<16xf32>
        %parallel_loop3A_311 = vector.shape_cast %parallel_loop3A_304 : vector<16xf32> to vector<1x1x16xf32>
        tpu.vector_store %arg7[%parallel_loop3A_306, %parallel_loop3A_307, %parallel_loop3A_308], %parallel_loop3A_311 {strides = array<i32>} : memref<4x50x128xf32, #tpu.memory_space<vmem>>, vector<1x1x16xf32>,
        %parallel_loop3A_312 = arith.constant 1 : i32
        %parallel_loop3A_313 = arith.index_cast %parallel_loop3A_312 : i32 to index
        %parallel_loop3A_314 = arith.index_cast %parallel_loop3A_191 : i32 to index
        %parallel_loop3A_315 = arith.constant 0 : index
        %parallel_loop3A_316 = tpu.vector_load %arg7[%parallel_loop3A_313, %parallel_loop3A_314, %parallel_loop3A_315] {strides = array<i32>} : memref<4x50x128xf32, #tpu.memory_space<vmem>>, vector<1x1x16xf32>,
        %parallel_loop3A_317 = vector.shape_cast %parallel_loop3A_316 : vector<1x1x16xf32> to vector<16xf32>
        %parallel_loop3A_318 = vector.broadcast %squeeze3A : f32 to vector<16xf32>
        %parallel_loop3A_319 = arith.mulf %parallel_loop3A_317, %parallel_loop3A_318 : vector<16xf32>
        %parallel_loop3A_320 = arith.constant 1 : i32
        %parallel_loop3A_321 = arith.index_cast %parallel_loop3A_320 : i32 to index
        %parallel_loop3A_322 = arith.index_cast %parallel_loop3A_191 : i32 to index
        %parallel_loop3A_323 = arith.constant 0 : index
        %parallel_loop3A_324 = tpu.vector_load %arg7[%parallel_loop3A_321, %parallel_loop3A_322, %parallel_loop3A_323] {strides = array<i32>} : memref<4x50x128xf32, #tpu.memory_space<vmem>>, vector<1x1x16xf32>,
        %parallel_loop3A_325 = vector.shape_cast %parallel_loop3A_324 : vector<1x1x16xf32> to vector<16xf32>
        %parallel_loop3A_326 = vector.shape_cast %parallel_loop3A_319 : vector<16xf32> to vector<1x1x16xf32>
        tpu.vector_store %arg7[%parallel_loop3A_321, %parallel_loop3A_322, %parallel_loop3A_323], %parallel_loop3A_326 {strides = array<i32>} : memref<4x50x128xf32, #tpu.memory_space<vmem>>, vector<1x1x16xf32>,
        %parallel_loop3A_327 = arith.constant 1 : i32
        %parallel_loop3A_328 = arith.index_cast %parallel_loop3A_327 : i32 to index
        %parallel_loop3A_329 = arith.index_cast %parallel_loop3A_191 : i32 to index
        %parallel_loop3A_330 = arith.constant 16 : index
        %parallel_loop3A_331 = tpu.vector_load %arg7[%parallel_loop3A_328, %parallel_loop3A_329, %parallel_loop3A_330] {strides = array<i32>} : memref<4x50x128xf32, #tpu.memory_space<vmem>>, vector<1x1x16xf32>,
        %parallel_loop3A_332 = vector.shape_cast %parallel_loop3A_331 : vector<1x1x16xf32> to vector<16xf32>
        %parallel_loop3A_333 = vector.broadcast %squeeze3A : f32 to vector<16xf32>
        %parallel_loop3A_334 = arith.mulf %parallel_loop3A_332, %parallel_loop3A_333 : vector<16xf32>
        %parallel_loop3A_335 = arith.constant 1 : i32
        %parallel_loop3A_336 = arith.index_cast %parallel_loop3A_335 : i32 to index
        %parallel_loop3A_337 = arith.index_cast %parallel_loop3A_191 : i32 to index
        %parallel_loop3A_338 = arith.constant 16 : index
        %parallel_loop3A_339 = tpu.vector_load %arg7[%parallel_loop3A_336, %parallel_loop3A_337, %parallel_loop3A_338] {strides = array<i32>} : memref<4x50x128xf32, #tpu.memory_space<vmem>>, vector<1x1x16xf32>,
        %parallel_loop3A_340 = vector.shape_cast %parallel_loop3A_339 : vector<1x1x16xf32> to vector<16xf32>
        %parallel_loop3A_341 = vector.shape_cast %parallel_loop3A_334 : vector<16xf32> to vector<1x1x16xf32>
        tpu.vector_store %arg7[%parallel_loop3A_336, %parallel_loop3A_337, %parallel_loop3A_338], %parallel_loop3A_341 {strides = array<i32>} : memref<4x50x128xf32, #tpu.memory_space<vmem>>, vector<1x1x16xf32>,
        %parallel_loop3A_342 = arith.constant 1 : i32
        %parallel_loop3A_343 = arith.index_cast %parallel_loop3A_342 : i32 to index
        %parallel_loop3A_344 = arith.index_cast %parallel_loop3A_191 : i32 to index
        %parallel_loop3A_345 = arith.constant 32 : index
        %parallel_loop3A_346 = tpu.vector_load %arg7[%parallel_loop3A_343, %parallel_loop3A_344, %parallel_loop3A_345] {strides = array<i32>} : memref<4x50x128xf32, #tpu.memory_space<vmem>>, vector<1x1x16xf32>,
        %parallel_loop3A_347 = vector.shape_cast %parallel_loop3A_346 : vector<1x1x16xf32> to vector<16xf32>
        %parallel_loop3A_348 = vector.broadcast %squeeze3A : f32 to vector<16xf32>
        %parallel_loop3A_349 = arith.mulf %parallel_loop3A_347, %parallel_loop3A_348 : vector<16xf32>
        %parallel_loop3A_350 = arith.constant 1 : i32
        %parallel_loop3A_351 = arith.index_cast %parallel_loop3A_350 : i32 to index
        %parallel_loop3A_352 = arith.index_cast %parallel_loop3A_191 : i32 to index
        %parallel_loop3A_353 = arith.constant 32 : index
        %parallel_loop3A_354 = tpu.vector_load %arg7[%parallel_loop3A_351, %parallel_loop3A_352, %parallel_loop3A_353] {strides = array<i32>} : memref<4x50x128xf32, #tpu.memory_space<vmem>>, vector<1x1x16xf32>,
        %parallel_loop3A_355 = vector.shape_cast %parallel_loop3A_354 : vector<1x1x16xf32> to vector<16xf32>
        %parallel_loop3A_356 = vector.shape_cast %parallel_loop3A_349 : vector<16xf32> to vector<1x1x16xf32>
        tpu.vector_store %arg7[%parallel_loop3A_351, %parallel_loop3A_352, %parallel_loop3A_353], %parallel_loop3A_356 {strides = array<i32>} : memref<4x50x128xf32, #tpu.memory_space<vmem>>, vector<1x1x16xf32>,
        %parallel_loop3A_357 = arith.constant 1 : i32
        %parallel_loop3A_358 = arith.index_cast %parallel_loop3A_357 : i32 to index
        %parallel_loop3A_359 = arith.index_cast %parallel_loop3A_191 : i32 to index
        %parallel_loop3A_360 = arith.constant 48 : index
        %parallel_loop3A_361 = tpu.vector_load %arg7[%parallel_loop3A_358, %parallel_loop3A_359, %parallel_loop3A_360] {strides = array<i32>} : memref<4x50x128xf32, #tpu.memory_space<vmem>>, vector<1x1x16xf32>,
        %parallel_loop3A_362 = vector.shape_cast %parallel_loop3A_361 : vector<1x1x16xf32> to vector<16xf32>
        %parallel_loop3A_363 = vector.broadcast %squeeze3A : f32 to vector<16xf32>
        %parallel_loop3A_364 = arith.mulf %parallel_loop3A_362, %parallel_loop3A_363 : vector<16xf32>
        %parallel_loop3A_365 = arith.constant 1 : i32
        %parallel_loop3A_366 = arith.index_cast %parallel_loop3A_365 : i32 to index
        %parallel_loop3A_367 = arith.index_cast %parallel_loop3A_191 : i32 to index
        %parallel_loop3A_368 = arith.constant 48 : index
        %parallel_loop3A_369 = tpu.vector_load %arg7[%parallel_loop3A_366, %parallel_loop3A_367, %parallel_loop3A_368] {strides = array<i32>} : memref<4x50x128xf32, #tpu.memory_space<vmem>>, vector<1x1x16xf32>,
        %parallel_loop3A_370 = vector.shape_cast %parallel_loop3A_369 : vector<1x1x16xf32> to vector<16xf32>
        %parallel_loop3A_371 = vector.shape_cast %parallel_loop3A_364 : vector<16xf32> to vector<1x1x16xf32>
        tpu.vector_store %arg7[%parallel_loop3A_366, %parallel_loop3A_367, %parallel_loop3A_368], %parallel_loop3A_371 {strides = array<i32>} : memref<4x50x128xf32, #tpu.memory_space<vmem>>, vector<1x1x16xf32>,
        %parallel_loop3A_372 = arith.constant 1 : i32
        %parallel_loop3A_373 = arith.index_cast %parallel_loop3A_372 : i32 to index
        %parallel_loop3A_374 = arith.index_cast %parallel_loop3A_191 : i32 to index
        %parallel_loop3A_375 = arith.constant 64 : index
        %parallel_loop3A_376 = tpu.vector_load %arg7[%parallel_loop3A_373, %parallel_loop3A_374, %parallel_loop3A_375] {strides = array<i32>} : memref<4x50x128xf32, #tpu.memory_space<vmem>>, vector<1x1x16xf32>,
        %parallel_loop3A_377 = vector.shape_cast %parallel_loop3A_376 : vector<1x1x16xf32> to vector<16xf32>
        %parallel_loop3A_378 = vector.broadcast %squeeze3A : f32 to vector<16xf32>
        %parallel_loop3A_379 = arith.mulf %parallel_loop3A_377, %parallel_loop3A_378 : vector<16xf32>
        %parallel_loop3A_380 = arith.constant 1 : i32
        %parallel_loop3A_381 = arith.index_cast %parallel_loop3A_380 : i32 to index
        %parallel_loop3A_382 = arith.index_cast %parallel_loop3A_191 : i32 to index
        %parallel_loop3A_383 = arith.constant 64 : index
        %parallel_loop3A_384 = tpu.vector_load %arg7[%parallel_loop3A_381, %parallel_loop3A_382, %parallel_loop3A_383] {strides = array<i32>} : memref<4x50x128xf32, #tpu.memory_space<vmem>>, vector<1x1x16xf32>,
        %parallel_loop3A_385 = vector.shape_cast %parallel_loop3A_384 : vector<1x1x16xf32> to vector<16xf32>
        %parallel_loop3A_386 = vector.shape_cast %parallel_loop3A_379 : vector<16xf32> to vector<1x1x16xf32>
        tpu.vector_store %arg7[%parallel_loop3A_381, %parallel_loop3A_382, %parallel_loop3A_383], %parallel_loop3A_386 {strides = array<i32>} : memref<4x50x128xf32, #tpu.memory_space<vmem>>, vector<1x1x16xf32>,
        %parallel_loop3A_387 = arith.constant 1 : i32
        %parallel_loop3A_388 = arith.index_cast %parallel_loop3A_387 : i32 to index
        %parallel_loop3A_389 = arith.index_cast %parallel_loop3A_191 : i32 to index
        %parallel_loop3A_390 = arith.constant 80 : index
        %parallel_loop3A_391 = tpu.vector_load %arg7[%parallel_loop3A_388, %parallel_loop3A_389, %parallel_loop3A_390] {strides = array<i32>} : memref<4x50x128xf32, #tpu.memory_space<vmem>>, vector<1x1x16xf32>,
        %parallel_loop3A_392 = vector.shape_cast %parallel_loop3A_391 : vector<1x1x16xf32> to vector<16xf32>
        %parallel_loop3A_393 = vector.broadcast %squeeze3A : f32 to vector<16xf32>
        %parallel_loop3A_394 = arith.mulf %parallel_loop3A_392, %parallel_loop3A_393 : vector<16xf32>
        %parallel_loop3A_395 = arith.constant 1 : i32
        %parallel_loop3A_396 = arith.index_cast %parallel_loop3A_395 : i32 to index
        %parallel_loop3A_397 = arith.index_cast %parallel_loop3A_191 : i32 to index
        %parallel_loop3A_398 = arith.constant 80 : index
        %parallel_loop3A_399 = tpu.vector_load %arg7[%parallel_loop3A_396, %parallel_loop3A_397, %parallel_loop3A_398] {strides = array<i32>} : memref<4x50x128xf32, #tpu.memory_space<vmem>>, vector<1x1x16xf32>,
        %parallel_loop3A_400 = vector.shape_cast %parallel_loop3A_399 : vector<1x1x16xf32> to vector<16xf32>
        %parallel_loop3A_401 = vector.shape_cast %parallel_loop3A_394 : vector<16xf32> to vector<1x1x16xf32>
        tpu.vector_store %arg7[%parallel_loop3A_396, %parallel_loop3A_397, %parallel_loop3A_398], %parallel_loop3A_401 {strides = array<i32>} : memref<4x50x128xf32, #tpu.memory_space<vmem>>, vector<1x1x16xf32>,
        %parallel_loop3A_402 = arith.constant 1 : i32
        %parallel_loop3A_403 = arith.index_cast %parallel_loop3A_402 : i32 to index
        %parallel_loop3A_404 = arith.index_cast %parallel_loop3A_191 : i32 to index
        %parallel_loop3A_405 = arith.constant 96 : index
        %parallel_loop3A_406 = tpu.vector_load %arg7[%parallel_loop3A_403, %parallel_loop3A_404, %parallel_loop3A_405] {strides = array<i32>} : memref<4x50x128xf32, #tpu.memory_space<vmem>>, vector<1x1x16xf32>,
        %parallel_loop3A_407 = vector.shape_cast %parallel_loop3A_406 : vector<1x1x16xf32> to vector<16xf32>
        %parallel_loop3A_408 = vector.broadcast %squeeze3A : f32 to vector<16xf32>
        %parallel_loop3A_409 = arith.mulf %parallel_loop3A_407, %parallel_loop3A_408 : vector<16xf32>
        %parallel_loop3A_410 = arith.constant 1 : i32
        %parallel_loop3A_411 = arith.index_cast %parallel_loop3A_410 : i32 to index
        %parallel_loop3A_412 = arith.index_cast %parallel_loop3A_191 : i32 to index
        %parallel_loop3A_413 = arith.constant 96 : index
        %parallel_loop3A_414 = tpu.vector_load %arg7[%parallel_loop3A_411, %parallel_loop3A_412, %parallel_loop3A_413] {strides = array<i32>} : memref<4x50x128xf32, #tpu.memory_space<vmem>>, vector<1x1x16xf32>,
        %parallel_loop3A_415 = vector.shape_cast %parallel_loop3A_414 : vector<1x1x16xf32> to vector<16xf32>
        %parallel_loop3A_416 = vector.shape_cast %parallel_loop3A_409 : vector<16xf32> to vector<1x1x16xf32>
        tpu.vector_store %arg7[%parallel_loop3A_411, %parallel_loop3A_412, %parallel_loop3A_413], %parallel_loop3A_416 {strides = array<i32>} : memref<4x50x128xf32, #tpu.memory_space<vmem>>, vector<1x1x16xf32>,
        %parallel_loop3A_417 = arith.constant 1 : i32
        %parallel_loop3A_418 = arith.index_cast %parallel_loop3A_417 : i32 to index
        %parallel_loop3A_419 = arith.index_cast %parallel_loop3A_191 : i32 to index
        %parallel_loop3A_420 = arith.constant 112 : index
        %parallel_loop3A_421 = tpu.vector_load %arg7[%parallel_loop3A_418, %parallel_loop3A_419, %parallel_loop3A_420] {strides = array<i32>} : memref<4x50x128xf32, #tpu.memory_space<vmem>>, vector<1x1x16xf32>,
        %parallel_loop3A_422 = vector.shape_cast %parallel_loop3A_421 : vector<1x1x16xf32> to vector<16xf32>
        %parallel_loop3A_423 = vector.broadcast %squeeze3A : f32 to vector<16xf32>
        %parallel_loop3A_424 = arith.mulf %parallel_loop3A_422, %parallel_loop3A_423 : vector<16xf32>
        %parallel_loop3A_425 = arith.constant 1 : i32
        %parallel_loop3A_426 = arith.index_cast %parallel_loop3A_425 : i32 to index
        %parallel_loop3A_427 = arith.index_cast %parallel_loop3A_191 : i32 to index
        %parallel_loop3A_428 = arith.constant 112 : index
        %parallel_loop3A_429 = tpu.vector_load %arg7[%parallel_loop3A_426, %parallel_loop3A_427, %parallel_loop3A_428] {strides = array<i32>} : memref<4x50x128xf32, #tpu.memory_space<vmem>>, vector<1x1x16xf32>,
        %parallel_loop3A_430 = vector.shape_cast %parallel_loop3A_429 : vector<1x1x16xf32> to vector<16xf32>
        %parallel_loop3A_431 = vector.shape_cast %parallel_loop3A_424 : vector<16xf32> to vector<1x1x16xf32>
        tpu.vector_store %arg7[%parallel_loop3A_426, %parallel_loop3A_427, %parallel_loop3A_428], %parallel_loop3A_431 {strides = array<i32>} : memref<4x50x128xf32, #tpu.memory_space<vmem>>, vector<1x1x16xf32>,
        %parallel_loop3A_432 = arith.constant 2 : i32
        %parallel_loop3A_433 = arith.index_cast %parallel_loop3A_432 : i32 to index
        %parallel_loop3A_434 = arith.index_cast %parallel_loop3A_191 : i32 to index
        %parallel_loop3A_435 = arith.constant 0 : index
        %parallel_loop3A_436 = tpu.vector_load %arg7[%parallel_loop3A_433, %parallel_loop3A_434, %parallel_loop3A_435] {strides = array<i32>} : memref<4x50x128xf32, #tpu.memory_space<vmem>>, vector<1x1x16xf32>,
        %parallel_loop3A_437 = vector.shape_cast %parallel_loop3A_436 : vector<1x1x16xf32> to vector<16xf32>
        %parallel_loop3A_438 = vector.broadcast %squeeze3A : f32 to vector<16xf32>
        %parallel_loop3A_439 = arith.mulf %parallel_loop3A_437, %parallel_loop3A_438 : vector<16xf32>
        %parallel_loop3A_440 = arith.constant 2 : i32
        %parallel_loop3A_441 = arith.index_cast %parallel_loop3A_440 : i32 to index
        %parallel_loop3A_442 = arith.index_cast %parallel_loop3A_191 : i32 to index
        %parallel_loop3A_443 = arith.constant 0 : index
        %parallel_loop3A_444 = tpu.vector_load %arg7[%parallel_loop3A_441, %parallel_loop3A_442, %parallel_loop3A_443] {strides = array<i32>} : memref<4x50x128xf32, #tpu.memory_space<vmem>>, vector<1x1x16xf32>,
        %parallel_loop3A_445 = vector.shape_cast %parallel_loop3A_444 : vector<1x1x16xf32> to vector<16xf32>
        %parallel_loop3A_446 = vector.shape_cast %parallel_loop3A_439 : vector<16xf32> to vector<1x1x16xf32>
        tpu.vector_store %arg7[%parallel_loop3A_441, %parallel_loop3A_442, %parallel_loop3A_443], %parallel_loop3A_446 {strides = array<i32>} : memref<4x50x128xf32, #tpu.memory_space<vmem>>, vector<1x1x16xf32>,
        %parallel_loop3A_447 = arith.constant 2 : i32
        %parallel_loop3A_448 = arith.index_cast %parallel_loop3A_447 : i32 to index
        %parallel_loop3A_449 = arith.index_cast %parallel_loop3A_191 : i32 to index
        %parallel_loop3A_450 = arith.constant 16 : index
        %parallel_loop3A_451 = tpu.vector_load %arg7[%parallel_loop3A_448, %parallel_loop3A_449, %parallel_loop3A_450] {strides = array<i32>} : memref<4x50x128xf32, #tpu.memory_space<vmem>>, vector<1x1x16xf32>,
        %parallel_loop3A_452 = vector.shape_cast %parallel_loop3A_451 : vector<1x1x16xf32> to vector<16xf32>
        %parallel_loop3A_453 = vector.broadcast %squeeze3A : f32 to vector<16xf32>
        %parallel_loop3A_454 = arith.mulf %parallel_loop3A_452, %parallel_loop3A_453 : vector<16xf32>
        %parallel_loop3A_455 = arith.constant 2 : i32
        %parallel_loop3A_456 = arith.index_cast %parallel_loop3A_455 : i32 to index
        %parallel_loop3A_457 = arith.index_cast %parallel_loop3A_191 : i32 to index
        %parallel_loop3A_458 = arith.constant 16 : index
        %parallel_loop3A_459 = tpu.vector_load %arg7[%parallel_loop3A_456, %parallel_loop3A_457, %parallel_loop3A_458] {strides = array<i32>} : memref<4x50x128xf32, #tpu.memory_space<vmem>>, vector<1x1x16xf32>,
        %parallel_loop3A_460 = vector.shape_cast %parallel_loop3A_459 : vector<1x1x16xf32> to vector<16xf32>
        %parallel_loop3A_461 = vector.shape_cast %parallel_loop3A_454 : vector<16xf32> to vector<1x1x16xf32>
        tpu.vector_store %arg7[%parallel_loop3A_456, %parallel_loop3A_457, %parallel_loop3A_458], %parallel_loop3A_461 {strides = array<i32>} : memref<4x50x128xf32, #tpu.memory_space<vmem>>, vector<1x1x16xf32>,
        %parallel_loop3A_462 = arith.constant 2 : i32
        %parallel_loop3A_463 = arith.index_cast %parallel_loop3A_462 : i32 to index
        %parallel_loop3A_464 = arith.index_cast %parallel_loop3A_191 : i32 to index
        %parallel_loop3A_465 = arith.constant 32 : index
        %parallel_loop3A_466 = tpu.vector_load %arg7[%parallel_loop3A_463, %parallel_loop3A_464, %parallel_loop3A_465] {strides = array<i32>} : memref<4x50x128xf32, #tpu.memory_space<vmem>>, vector<1x1x16xf32>,
        %parallel_loop3A_467 = vector.shape_cast %parallel_loop3A_466 : vector<1x1x16xf32> to vector<16xf32>
        %parallel_loop3A_468 = vector.broadcast %squeeze3A : f32 to vector<16xf32>
        %parallel_loop3A_469 = arith.mulf %parallel_loop3A_467, %parallel_loop3A_468 : vector<16xf32>
        %parallel_loop3A_470 = arith.constant 2 : i32
        %parallel_loop3A_471 = arith.index_cast %parallel_loop3A_470 : i32 to index
        %parallel_loop3A_472 = arith.index_cast %parallel_loop3A_191 : i32 to index
        %parallel_loop3A_473 = arith.constant 32 : index
        %parallel_loop3A_474 = tpu.vector_load %arg7[%parallel_loop3A_471, %parallel_loop3A_472, %parallel_loop3A_473] {strides = array<i32>} : memref<4x50x128xf32, #tpu.memory_space<vmem>>, vector<1x1x16xf32>,
        %parallel_loop3A_475 = vector.shape_cast %parallel_loop3A_474 : vector<1x1x16xf32> to vector<16xf32>
        %parallel_loop3A_476 = vector.shape_cast %parallel_loop3A_469 : vector<16xf32> to vector<1x1x16xf32>
        tpu.vector_store %arg7[%parallel_loop3A_471, %parallel_loop3A_472, %parallel_loop3A_473], %parallel_loop3A_476 {strides = array<i32>} : memref<4x50x128xf32, #tpu.memory_space<vmem>>, vector<1x1x16xf32>,
        %parallel_loop3A_477 = arith.constant 2 : i32
        %parallel_loop3A_478 = arith.index_cast %parallel_loop3A_477 : i32 to index
        %parallel_loop3A_479 = arith.index_cast %parallel_loop3A_191 : i32 to index
        %parallel_loop3A_480 = arith.constant 48 : index
        %parallel_loop3A_481 = tpu.vector_load %arg7[%parallel_loop3A_478, %parallel_loop3A_479, %parallel_loop3A_480] {strides = array<i32>} : memref<4x50x128xf32, #tpu.memory_space<vmem>>, vector<1x1x16xf32>,
        %parallel_loop3A_482 = vector.shape_cast %parallel_loop3A_481 : vector<1x1x16xf32> to vector<16xf32>
        %parallel_loop3A_483 = vector.broadcast %squeeze3A : f32 to vector<16xf32>
        %parallel_loop3A_484 = arith.mulf %parallel_loop3A_482, %parallel_loop3A_483 : vector<16xf32>
        %parallel_loop3A_485 = arith.constant 2 : i32
        %parallel_loop3A_486 = arith.index_cast %parallel_loop3A_485 : i32 to index
        %parallel_loop3A_487 = arith.index_cast %parallel_loop3A_191 : i32 to index
        %parallel_loop3A_488 = arith.constant 48 : index
        %parallel_loop3A_489 = tpu.vector_load %arg7[%parallel_loop3A_486, %parallel_loop3A_487, %parallel_loop3A_488] {strides = array<i32>} : memref<4x50x128xf32, #tpu.memory_space<vmem>>, vector<1x1x16xf32>,
        %parallel_loop3A_490 = vector.shape_cast %parallel_loop3A_489 : vector<1x1x16xf32> to vector<16xf32>
        %parallel_loop3A_491 = vector.shape_cast %parallel_loop3A_484 : vector<16xf32> to vector<1x1x16xf32>
        tpu.vector_store %arg7[%parallel_loop3A_486, %parallel_loop3A_487, %parallel_loop3A_488], %parallel_loop3A_491 {strides = array<i32>} : memref<4x50x128xf32, #tpu.memory_space<vmem>>, vector<1x1x16xf32>,
        %parallel_loop3A_492 = arith.constant 2 : i32
        %parallel_loop3A_493 = arith.index_cast %parallel_loop3A_492 : i32 to index
        %parallel_loop3A_494 = arith.index_cast %parallel_loop3A_191 : i32 to index
        %parallel_loop3A_495 = arith.constant 64 : index
        %parallel_loop3A_496 = tpu.vector_load %arg7[%parallel_loop3A_493, %parallel_loop3A_494, %parallel_loop3A_495] {strides = array<i32>} : memref<4x50x128xf32, #tpu.memory_space<vmem>>, vector<1x1x16xf32>,
        %parallel_loop3A_497 = vector.shape_cast %parallel_loop3A_496 : vector<1x1x16xf32> to vector<16xf32>
        %parallel_loop3A_498 = vector.broadcast %squeeze3A : f32 to vector<16xf32>
        %parallel_loop3A_499 = arith.mulf %parallel_loop3A_497, %parallel_loop3A_498 : vector<16xf32>
        %parallel_loop3A_500 = arith.constant 2 : i32
        %parallel_loop3A_501 = arith.index_cast %parallel_loop3A_500 : i32 to index
        %parallel_loop3A_502 = arith.index_cast %parallel_loop3A_191 : i32 to index
        %parallel_loop3A_503 = arith.constant 64 : index
        %parallel_loop3A_504 = tpu.vector_load %arg7[%parallel_loop3A_501, %parallel_loop3A_502, %parallel_loop3A_503] {strides = array<i32>} : memref<4x50x128xf32, #tpu.memory_space<vmem>>, vector<1x1x16xf32>,
        %parallel_loop3A_505 = vector.shape_cast %parallel_loop3A_504 : vector<1x1x16xf32> to vector<16xf32>
        %parallel_loop3A_506 = vector.shape_cast %parallel_loop3A_499 : vector<16xf32> to vector<1x1x16xf32>
        tpu.vector_store %arg7[%parallel_loop3A_501, %parallel_loop3A_502, %parallel_loop3A_503], %parallel_loop3A_506 {strides = array<i32>} : memref<4x50x128xf32, #tpu.memory_space<vmem>>, vector<1x1x16xf32>,
        %parallel_loop3A_507 = arith.constant 2 : i32
        %parallel_loop3A_508 = arith.index_cast %parallel_loop3A_507 : i32 to index
        %parallel_loop3A_509 = arith.index_cast %parallel_loop3A_191 : i32 to index
        %parallel_loop3A_510 = arith.constant 80 : index
        %parallel_loop3A_511 = tpu.vector_load %arg7[%parallel_loop3A_508, %parallel_loop3A_509, %parallel_loop3A_510] {strides = array<i32>} : memref<4x50x128xf32, #tpu.memory_space<vmem>>, vector<1x1x16xf32>,
        %parallel_loop3A_512 = vector.shape_cast %parallel_loop3A_511 : vector<1x1x16xf32> to vector<16xf32>
        %parallel_loop3A_513 = vector.broadcast %squeeze3A : f32 to vector<16xf32>
        %parallel_loop3A_514 = arith.mulf %parallel_loop3A_512, %parallel_loop3A_513 : vector<16xf32>
        %parallel_loop3A_515 = arith.constant 2 : i32
        %parallel_loop3A_516 = arith.index_cast %parallel_loop3A_515 : i32 to index
        %parallel_loop3A_517 = arith.index_cast %parallel_loop3A_191 : i32 to index
        %parallel_loop3A_518 = arith.constant 80 : index
        %parallel_loop3A_519 = tpu.vector_load %arg7[%parallel_loop3A_516, %parallel_loop3A_517, %parallel_loop3A_518] {strides = array<i32>} : memref<4x50x128xf32, #tpu.memory_space<vmem>>, vector<1x1x16xf32>,
        %parallel_loop3A_520 = vector.shape_cast %parallel_loop3A_519 : vector<1x1x16xf32> to vector<16xf32>
        %parallel_loop3A_521 = vector.shape_cast %parallel_loop3A_514 : vector<16xf32> to vector<1x1x16xf32>
        tpu.vector_store %arg7[%parallel_loop3A_516, %parallel_loop3A_517, %parallel_loop3A_518], %parallel_loop3A_521 {strides = array<i32>} : memref<4x50x128xf32, #tpu.memory_space<vmem>>, vector<1x1x16xf32>,
        %parallel_loop3A_522 = arith.constant 2 : i32
        %parallel_loop3A_523 = arith.index_cast %parallel_loop3A_522 : i32 to index
        %parallel_loop3A_524 = arith.index_cast %parallel_loop3A_191 : i32 to index
        %parallel_loop3A_525 = arith.constant 96 : index
        %parallel_loop3A_526 = tpu.vector_load %arg7[%parallel_loop3A_523, %parallel_loop3A_524, %parallel_loop3A_525] {strides = array<i32>} : memref<4x50x128xf32, #tpu.memory_space<vmem>>, vector<1x1x16xf32>,
        %parallel_loop3A_527 = vector.shape_cast %parallel_loop3A_526 : vector<1x1x16xf32> to vector<16xf32>
        %parallel_loop3A_528 = vector.broadcast %squeeze3A : f32 to vector<16xf32>
        %parallel_loop3A_529 = arith.mulf %parallel_loop3A_527, %parallel_loop3A_528 : vector<16xf32>
        %parallel_loop3A_530 = arith.constant 2 : i32
        %parallel_loop3A_531 = arith.index_cast %parallel_loop3A_530 : i32 to index
        %parallel_loop3A_532 = arith.index_cast %parallel_loop3A_191 : i32 to index
        %parallel_loop3A_533 = arith.constant 96 : index
        %parallel_loop3A_534 = tpu.vector_load %arg7[%parallel_loop3A_531, %parallel_loop3A_532, %parallel_loop3A_533] {strides = array<i32>} : memref<4x50x128xf32, #tpu.memory_space<vmem>>, vector<1x1x16xf32>,
        %parallel_loop3A_535 = vector.shape_cast %parallel_loop3A_534 : vector<1x1x16xf32> to vector<16xf32>
        %parallel_loop3A_536 = vector.shape_cast %parallel_loop3A_529 : vector<16xf32> to vector<1x1x16xf32>
        tpu.vector_store %arg7[%parallel_loop3A_531, %parallel_loop3A_532, %parallel_loop3A_533], %parallel_loop3A_536 {strides = array<i32>} : memref<4x50x128xf32, #tpu.memory_space<vmem>>, vector<1x1x16xf32>,
        %parallel_loop3A_537 = arith.constant 2 : i32
        %parallel_loop3A_538 = arith.index_cast %parallel_loop3A_537 : i32 to index
        %parallel_loop3A_539 = arith.index_cast %parallel_loop3A_191 : i32 to index
        %parallel_loop3A_540 = arith.constant 112 : index
        %parallel_loop3A_541 = tpu.vector_load %arg7[%parallel_loop3A_538, %parallel_loop3A_539, %parallel_loop3A_540] {strides = array<i32>} : memref<4x50x128xf32, #tpu.memory_space<vmem>>, vector<1x1x16xf32>,
        %parallel_loop3A_542 = vector.shape_cast %parallel_loop3A_541 : vector<1x1x16xf32> to vector<16xf32>
        %parallel_loop3A_543 = vector.broadcast %squeeze3A : f32 to vector<16xf32>
        %parallel_loop3A_544 = arith.mulf %parallel_loop3A_542, %parallel_loop3A_543 : vector<16xf32>
        %parallel_loop3A_545 = arith.constant 2 : i32
        %parallel_loop3A_546 = arith.index_cast %parallel_loop3A_545 : i32 to index
        %parallel_loop3A_547 = arith.index_cast %parallel_loop3A_191 : i32 to index
        %parallel_loop3A_548 = arith.constant 112 : index
        %parallel_loop3A_549 = tpu.vector_load %arg7[%parallel_loop3A_546, %parallel_loop3A_547, %parallel_loop3A_548] {strides = array<i32>} : memref<4x50x128xf32, #tpu.memory_space<vmem>>, vector<1x1x16xf32>,
        %parallel_loop3A_550 = vector.shape_cast %parallel_loop3A_549 : vector<1x1x16xf32> to vector<16xf32>
        %parallel_loop3A_551 = vector.shape_cast %parallel_loop3A_544 : vector<16xf32> to vector<1x1x16xf32>
        tpu.vector_store %arg7[%parallel_loop3A_546, %parallel_loop3A_547, %parallel_loop3A_548], %parallel_loop3A_551 {strides = array<i32>} : memref<4x50x128xf32, #tpu.memory_space<vmem>>, vector<1x1x16xf32>,
        %parallel_loop3A_552 = arith.constant 3 : i32
        %parallel_loop3A_553 = arith.index_cast %parallel_loop3A_552 : i32 to index
        %parallel_loop3A_554 = arith.index_cast %parallel_loop3A_191 : i32 to index
        %parallel_loop3A_555 = arith.constant 0 : index
        %parallel_loop3A_556 = tpu.vector_load %arg7[%parallel_loop3A_553, %parallel_loop3A_554, %parallel_loop3A_555] {strides = array<i32>} : memref<4x50x128xf32, #tpu.memory_space<vmem>>, vector<1x1x16xf32>,
        %parallel_loop3A_557 = vector.shape_cast %parallel_loop3A_556 : vector<1x1x16xf32> to vector<16xf32>
        %parallel_loop3A_558 = vector.broadcast %squeeze3A : f32 to vector<16xf32>
        %parallel_loop3A_559 = arith.mulf %parallel_loop3A_557, %parallel_loop3A_558 : vector<16xf32>
        %parallel_loop3A_560 = arith.constant 3 : i32
        %parallel_loop3A_561 = arith.index_cast %parallel_loop3A_560 : i32 to index
        %parallel_loop3A_562 = arith.index_cast %parallel_loop3A_191 : i32 to index
        %parallel_loop3A_563 = arith.constant 0 : index
        %parallel_loop3A_564 = tpu.vector_load %arg7[%parallel_loop3A_561, %parallel_loop3A_562, %parallel_loop3A_563] {strides = array<i32>} : memref<4x50x128xf32, #tpu.memory_space<vmem>>, vector<1x1x16xf32>,
        %parallel_loop3A_565 = vector.shape_cast %parallel_loop3A_564 : vector<1x1x16xf32> to vector<16xf32>
        %parallel_loop3A_566 = vector.shape_cast %parallel_loop3A_559 : vector<16xf32> to vector<1x1x16xf32>
        tpu.vector_store %arg7[%parallel_loop3A_561, %parallel_loop3A_562, %parallel_loop3A_563], %parallel_loop3A_566 {strides = array<i32>} : memref<4x50x128xf32, #tpu.memory_space<vmem>>, vector<1x1x16xf32>,
        %parallel_loop3A_567 = arith.constant 3 : i32
        %parallel_loop3A_568 = arith.index_cast %parallel_loop3A_567 : i32 to index
        %parallel_loop3A_569 = arith.index_cast %parallel_loop3A_191 : i32 to index
        %parallel_loop3A_570 = arith.constant 16 : index
        %parallel_loop3A_571 = tpu.vector_load %arg7[%parallel_loop3A_568, %parallel_loop3A_569, %parallel_loop3A_570] {strides = array<i32>} : memref<4x50x128xf32, #tpu.memory_space<vmem>>, vector<1x1x16xf32>,
        %parallel_loop3A_572 = vector.shape_cast %parallel_loop3A_571 : vector<1x1x16xf32> to vector<16xf32>
        %parallel_loop3A_573 = vector.broadcast %squeeze3A : f32 to vector<16xf32>
        %parallel_loop3A_574 = arith.mulf %parallel_loop3A_572, %parallel_loop3A_573 : vector<16xf32>
        %parallel_loop3A_575 = arith.constant 3 : i32
        %parallel_loop3A_576 = arith.index_cast %parallel_loop3A_575 : i32 to index
        %parallel_loop3A_577 = arith.index_cast %parallel_loop3A_191 : i32 to index
        %parallel_loop3A_578 = arith.constant 16 : index
        %parallel_loop3A_579 = tpu.vector_load %arg7[%parallel_loop3A_576, %parallel_loop3A_577, %parallel_loop3A_578] {strides = array<i32>} : memref<4x50x128xf32, #tpu.memory_space<vmem>>, vector<1x1x16xf32>,
        %parallel_loop3A_580 = vector.shape_cast %parallel_loop3A_579 : vector<1x1x16xf32> to vector<16xf32>
        %parallel_loop3A_581 = vector.shape_cast %parallel_loop3A_574 : vector<16xf32> to vector<1x1x16xf32>
        tpu.vector_store %arg7[%parallel_loop3A_576, %parallel_loop3A_577, %parallel_loop3A_578], %parallel_loop3A_581 {strides = array<i32>} : memref<4x50x128xf32, #tpu.memory_space<vmem>>, vector<1x1x16xf32>,
        %parallel_loop3A_582 = arith.constant 3 : i32
        %parallel_loop3A_583 = arith.index_cast %parallel_loop3A_582 : i32 to index
        %parallel_loop3A_584 = arith.index_cast %parallel_loop3A_191 : i32 to index
        %parallel_loop3A_585 = arith.constant 32 : index
        %parallel_loop3A_586 = tpu.vector_load %arg7[%parallel_loop3A_583, %parallel_loop3A_584, %parallel_loop3A_585] {strides = array<i32>} : memref<4x50x128xf32, #tpu.memory_space<vmem>>, vector<1x1x16xf32>,
        %parallel_loop3A_587 = vector.shape_cast %parallel_loop3A_586 : vector<1x1x16xf32> to vector<16xf32>
        %parallel_loop3A_588 = vector.broadcast %squeeze3A : f32 to vector<16xf32>
        %parallel_loop3A_589 = arith.mulf %parallel_loop3A_587, %parallel_loop3A_588 : vector<16xf32>
        %parallel_loop3A_590 = arith.constant 3 : i32
        %parallel_loop3A_591 = arith.index_cast %parallel_loop3A_590 : i32 to index
        %parallel_loop3A_592 = arith.index_cast %parallel_loop3A_191 : i32 to index
        %parallel_loop3A_593 = arith.constant 32 : index
        %parallel_loop3A_594 = tpu.vector_load %arg7[%parallel_loop3A_591, %parallel_loop3A_592, %parallel_loop3A_593] {strides = array<i32>} : memref<4x50x128xf32, #tpu.memory_space<vmem>>, vector<1x1x16xf32>,
        %parallel_loop3A_595 = vector.shape_cast %parallel_loop3A_594 : vector<1x1x16xf32> to vector<16xf32>
        %parallel_loop3A_596 = vector.shape_cast %parallel_loop3A_589 : vector<16xf32> to vector<1x1x16xf32>
        tpu.vector_store %arg7[%parallel_loop3A_591, %parallel_loop3A_592, %parallel_loop3A_593], %parallel_loop3A_596 {strides = array<i32>} : memref<4x50x128xf32, #tpu.memory_space<vmem>>, vector<1x1x16xf32>,
        %parallel_loop3A_597 = arith.constant 3 : i32
        %parallel_loop3A_598 = arith.index_cast %parallel_loop3A_597 : i32 to index
        %parallel_loop3A_599 = arith.index_cast %parallel_loop3A_191 : i32 to index
        %parallel_loop3A_600 = arith.constant 48 : index
        %parallel_loop3A_601 = tpu.vector_load %arg7[%parallel_loop3A_598, %parallel_loop3A_599, %parallel_loop3A_600] {strides = array<i32>} : memref<4x50x128xf32, #tpu.memory_space<vmem>>, vector<1x1x16xf32>,
        %parallel_loop3A_602 = vector.shape_cast %parallel_loop3A_601 : vector<1x1x16xf32> to vector<16xf32>
        %parallel_loop3A_603 = vector.broadcast %squeeze3A : f32 to vector<16xf32>
        %parallel_loop3A_604 = arith.mulf %parallel_loop3A_602, %parallel_loop3A_603 : vector<16xf32>
        %parallel_loop3A_605 = arith.constant 3 : i32
        %parallel_loop3A_606 = arith.index_cast %parallel_loop3A_605 : i32 to index
        %parallel_loop3A_607 = arith.index_cast %parallel_loop3A_191 : i32 to index
        %parallel_loop3A_608 = arith.constant 48 : index
        %parallel_loop3A_609 = tpu.vector_load %arg7[%parallel_loop3A_606, %parallel_loop3A_607, %parallel_loop3A_608] {strides = array<i32>} : memref<4x50x128xf32, #tpu.memory_space<vmem>>, vector<1x1x16xf32>,
        %parallel_loop3A_610 = vector.shape_cast %parallel_loop3A_609 : vector<1x1x16xf32> to vector<16xf32>
        %parallel_loop3A_611 = vector.shape_cast %parallel_loop3A_604 : vector<16xf32> to vector<1x1x16xf32>
        tpu.vector_store %arg7[%parallel_loop3A_606, %parallel_loop3A_607, %parallel_loop3A_608], %parallel_loop3A_611 {strides = array<i32>} : memref<4x50x128xf32, #tpu.memory_space<vmem>>, vector<1x1x16xf32>,
        %parallel_loop3A_612 = arith.constant 3 : i32
        %parallel_loop3A_613 = arith.index_cast %parallel_loop3A_612 : i32 to index
        %parallel_loop3A_614 = arith.index_cast %parallel_loop3A_191 : i32 to index
        %parallel_loop3A_615 = arith.constant 64 : index
        %parallel_loop3A_616 = tpu.vector_load %arg7[%parallel_loop3A_613, %parallel_loop3A_614, %parallel_loop3A_615] {strides = array<i32>} : memref<4x50x128xf32, #tpu.memory_space<vmem>>, vector<1x1x16xf32>,
        %parallel_loop3A_617 = vector.shape_cast %parallel_loop3A_616 : vector<1x1x16xf32> to vector<16xf32>
        %parallel_loop3A_618 = vector.broadcast %squeeze3A : f32 to vector<16xf32>
        %parallel_loop3A_619 = arith.mulf %parallel_loop3A_617, %parallel_loop3A_618 : vector<16xf32>
        %parallel_loop3A_620 = arith.constant 3 : i32
        %parallel_loop3A_621 = arith.index_cast %parallel_loop3A_620 : i32 to index
        %parallel_loop3A_622 = arith.index_cast %parallel_loop3A_191 : i32 to index
        %parallel_loop3A_623 = arith.constant 64 : index
        %parallel_loop3A_624 = tpu.vector_load %arg7[%parallel_loop3A_621, %parallel_loop3A_622, %parallel_loop3A_623] {strides = array<i32>} : memref<4x50x128xf32, #tpu.memory_space<vmem>>, vector<1x1x16xf32>,
        %parallel_loop3A_625 = vector.shape_cast %parallel_loop3A_624 : vector<1x1x16xf32> to vector<16xf32>
        %parallel_loop3A_626 = vector.shape_cast %parallel_loop3A_619 : vector<16xf32> to vector<1x1x16xf32>
        tpu.vector_store %arg7[%parallel_loop3A_621, %parallel_loop3A_622, %parallel_loop3A_623], %parallel_loop3A_626 {strides = array<i32>} : memref<4x50x128xf32, #tpu.memory_space<vmem>>, vector<1x1x16xf32>,
        %parallel_loop3A_627 = arith.constant 3 : i32
        %parallel_loop3A_628 = arith.index_cast %parallel_loop3A_627 : i32 to index
        %parallel_loop3A_629 = arith.index_cast %parallel_loop3A_191 : i32 to index
        %parallel_loop3A_630 = arith.constant 80 : index
        %parallel_loop3A_631 = tpu.vector_load %arg7[%parallel_loop3A_628, %parallel_loop3A_629, %parallel_loop3A_630] {strides = array<i32>} : memref<4x50x128xf32, #tpu.memory_space<vmem>>, vector<1x1x16xf32>,
        %parallel_loop3A_632 = vector.shape_cast %parallel_loop3A_631 : vector<1x1x16xf32> to vector<16xf32>
        %parallel_loop3A_633 = vector.broadcast %squeeze3A : f32 to vector<16xf32>
        %parallel_loop3A_634 = arith.mulf %parallel_loop3A_632, %parallel_loop3A_633 : vector<16xf32>
        %parallel_loop3A_635 = arith.constant 3 : i32
        %parallel_loop3A_636 = arith.index_cast %parallel_loop3A_635 : i32 to index
        %parallel_loop3A_637 = arith.index_cast %parallel_loop3A_191 : i32 to index
        %parallel_loop3A_638 = arith.constant 80 : index
        %parallel_loop3A_639 = tpu.vector_load %arg7[%parallel_loop3A_636, %parallel_loop3A_637, %parallel_loop3A_638] {strides = array<i32>} : memref<4x50x128xf32, #tpu.memory_space<vmem>>, vector<1x1x16xf32>,
        %parallel_loop3A_640 = vector.shape_cast %parallel_loop3A_639 : vector<1x1x16xf32> to vector<16xf32>
        %parallel_loop3A_641 = vector.shape_cast %parallel_loop3A_634 : vector<16xf32> to vector<1x1x16xf32>
        tpu.vector_store %arg7[%parallel_loop3A_636, %parallel_loop3A_637, %parallel_loop3A_638], %parallel_loop3A_641 {strides = array<i32>} : memref<4x50x128xf32, #tpu.memory_space<vmem>>, vector<1x1x16xf32>,
        %parallel_loop3A_642 = arith.constant 3 : i32
        %parallel_loop3A_643 = arith.index_cast %parallel_loop3A_642 : i32 to index
        %parallel_loop3A_644 = arith.index_cast %parallel_loop3A_191 : i32 to index
        %parallel_loop3A_645 = arith.constant 96 : index
        %parallel_loop3A_646 = tpu.vector_load %arg7[%parallel_loop3A_643, %parallel_loop3A_644, %parallel_loop3A_645] {strides = array<i32>} : memref<4x50x128xf32, #tpu.memory_space<vmem>>, vector<1x1x16xf32>,
        %parallel_loop3A_647 = vector.shape_cast %parallel_loop3A_646 : vector<1x1x16xf32> to vector<16xf32>
        %parallel_loop3A_648 = vector.broadcast %squeeze3A : f32 to vector<16xf32>
        %parallel_loop3A_649 = arith.mulf %parallel_loop3A_647, %parallel_loop3A_648 : vector<16xf32>
        %parallel_loop3A_650 = arith.constant 3 : i32
        %parallel_loop3A_651 = arith.index_cast %parallel_loop3A_650 : i32 to index
        %parallel_loop3A_652 = arith.index_cast %parallel_loop3A_191 : i32 to index
        %parallel_loop3A_653 = arith.constant 96 : index
        %parallel_loop3A_654 = tpu.vector_load %arg7[%parallel_loop3A_651, %parallel_loop3A_652, %parallel_loop3A_653] {strides = array<i32>} : memref<4x50x128xf32, #tpu.memory_space<vmem>>, vector<1x1x16xf32>,
        %parallel_loop3A_655 = vector.shape_cast %parallel_loop3A_654 : vector<1x1x16xf32> to vector<16xf32>
        %parallel_loop3A_656 = vector.shape_cast %parallel_loop3A_649 : vector<16xf32> to vector<1x1x16xf32>
        tpu.vector_store %arg7[%parallel_loop3A_651, %parallel_loop3A_652, %parallel_loop3A_653], %parallel_loop3A_656 {strides = array<i32>} : memref<4x50x128xf32, #tpu.memory_space<vmem>>, vector<1x1x16xf32>,
        %parallel_loop3A_657 = arith.constant 3 : i32
        %parallel_loop3A_658 = arith.index_cast %parallel_loop3A_657 : i32 to index
        %parallel_loop3A_659 = arith.index_cast %parallel_loop3A_191 : i32 to index
        %parallel_loop3A_660 = arith.constant 112 : index
        %parallel_loop3A_661 = tpu.vector_load %arg7[%parallel_loop3A_658, %parallel_loop3A_659, %parallel_loop3A_660] {strides = array<i32>} : memref<4x50x128xf32, #tpu.memory_space<vmem>>, vector<1x1x16xf32>,
        %parallel_loop3A_662 = vector.shape_cast %parallel_loop3A_661 : vector<1x1x16xf32> to vector<16xf32>
        %parallel_loop3A_663 = vector.broadcast %squeeze3A : f32 to vector<16xf32>
        %parallel_loop3A_664 = arith.mulf %parallel_loop3A_662, %parallel_loop3A_663 : vector<16xf32>
        %parallel_loop3A_665 = arith.constant 3 : i32
        %parallel_loop3A_666 = arith.index_cast %parallel_loop3A_665 : i32 to index
        %parallel_loop3A_667 = arith.index_cast %parallel_loop3A_191 : i32 to index
        %parallel_loop3A_668 = arith.constant 112 : index
        %parallel_loop3A_669 = tpu.vector_load %arg7[%parallel_loop3A_666, %parallel_loop3A_667, %parallel_loop3A_668] {strides = array<i32>} : memref<4x50x128xf32, #tpu.memory_space<vmem>>, vector<1x1x16xf32>,
        %parallel_loop3A_670 = vector.shape_cast %parallel_loop3A_669 : vector<1x1x16xf32> to vector<16xf32>
        %parallel_loop3A_671 = vector.shape_cast %parallel_loop3A_664 : vector<16xf32> to vector<1x1x16xf32>
        tpu.vector_store %arg7[%parallel_loop3A_666, %parallel_loop3A_667, %parallel_loop3A_668], %parallel_loop3A_671 {strides = array<i32>} : memref<4x50x128xf32, #tpu.memory_space<vmem>>, vector<1x1x16xf32>,
      } {sc.loop_unroll_factor = 2 : i64, sc.parallel_access}
      %mul3A_129 = arith.constant 4 : i32
      %mul3A_130 = arith.muli %mul3A_59, %mul3A_129 : i32
      %add3A_131 = arith.addi %mul3A_4, %mul3A_130 : i32
      %add3A_132 = arith.constant 0 : i32
      %add3A_133 = arith.addi %add3A_131, %add3A_132 : i32
      %run_scoped3A = arith.constant 0 : i32
      "tpu.region"() ({
        %run_scoped3A_191 = tpu.sem_alloc : memref<!tpu.dma_semaphore, #tpu.memory_space<semaphore_mem>>
        %dma_start3A_192 = arith.constant 0 : i32
        %dma_start3A_193 = arith.constant 0 : i32
        %dma_start3A_194 = tpu.memref_slice %arg7[%run_scoped3A, %dma_start3A_192, %dma_start3A_193] : memref<4x50x128xf32, #tpu.memory_space<vmem>> -> memref<1x50x128xf32, #tpu.memory_space<vmem>>
        %dma_start3A_195 = tpu.memref_squeeze %dma_start3A_194 : memref<1x50x128xf32, #tpu.memory_space<vmem>> -> memref<50x128xf32, #tpu.memory_space<vmem>>
        %dma_start3A_196 = arith.constant 0 : i32
        %dma_start3A_197 = arith.constant 0 : i32
        %dma_start3A_198 = tpu.memref_slice %arg5[%add3A_133, %dma_start3A_196, %dma_start3A_197] : memref<4096x50x128xf32, #tpu.memory_space<hbm>> -> memref<1x50x128xf32, #tpu.memory_space<hbm>>
        %dma_start3A_199 = tpu.memref_squeeze %dma_start3A_198 : memref<1x50x128xf32, #tpu.memory_space<hbm>> -> memref<50x128xf32, #tpu.memory_space<hbm>>
        %dma_start3A_200 = arith.constant 0 : i32
        %dma_start3A_201 = arith.constant 0 : i32
        %dma_start3A_202 = tpu.memref_slice %arg5[%add3A_133, %dma_start3A_200, %dma_start3A_201] : memref<4096x50x128xf32, #tpu.memory_space<hbm>> -> memref<1x50x128xf32, #tpu.memory_space<hbm>>
        %dma_start3A_203 = tpu.memref_squeeze %dma_start3A_202 : memref<1x50x128xf32, #tpu.memory_space<hbm>> -> memref<50x128xf32, #tpu.memory_space<hbm>>
        %dma_start3A_204 = arith.constant 0 : i32
        %dma_start3A_205 = arith.constant 0 : i32
        %dma_start3A_206 = tpu.memref_slice %arg7[%run_scoped3A, %dma_start3A_204, %dma_start3A_205] : memref<4x50x128xf32, #tpu.memory_space<vmem>> -> memref<1x50x128xf32, #tpu.memory_space<vmem>>
        %dma_start3A_207 = tpu.memref_squeeze %dma_start3A_206 : memref<1x50x128xf32, #tpu.memory_space<vmem>> -> memref<50x128xf32, #tpu.memory_space<vmem>>
        tpu.enqueue_dma source(%dma_start3A_207 : memref<50x128xf32, #tpu.memory_space<vmem>>) target(%dma_start3A_203 : memref<50x128xf32, #tpu.memory_space<hbm>>) target_semaphore(%run_scoped3A_191 : memref<!tpu.dma_semaphore, #tpu.memory_space<semaphore_mem>>)
        %dma_wait3A_208 = arith.constant 0 : i32
        %dma_wait3A_209 = arith.constant 0 : i32
        %dma_wait3A_210 = tpu.memref_slice %arg7[%run_scoped3A, %dma_wait3A_208, %dma_wait3A_209] : memref<4x50x128xf32, #tpu.memory_space<vmem>> -> memref<1x50x128xf32, #tpu.memory_space<vmem>>
        %dma_wait3A_211 = tpu.memref_squeeze %dma_wait3A_210 : memref<1x50x128xf32, #tpu.memory_space<vmem>> -> memref<50x128xf32, #tpu.memory_space<vmem>>
        %dma_wait3A_212 = arith.constant 0 : i32
        %dma_wait3A_213 = arith.constant 0 : i32
        %dma_wait3A_214 = tpu.memref_slice %arg5[%add3A_133, %dma_wait3A_212, %dma_wait3A_213] : memref<4096x50x128xf32, #tpu.memory_space<hbm>> -> memref<1x50x128xf32, #tpu.memory_space<hbm>>
        %dma_wait3A_215 = tpu.memref_squeeze %dma_wait3A_214 : memref<1x50x128xf32, #tpu.memory_space<hbm>> -> memref<50x128xf32, #tpu.memory_space<hbm>>
        %dma_wait3A_216 = arith.constant 0 : i32
        %dma_wait3A_217 = arith.constant 0 : i32
        %dma_wait3A_218 = tpu.memref_slice %arg5[%add3A_133, %dma_wait3A_216, %dma_wait3A_217] : memref<4096x50x128xf32, #tpu.memory_space<hbm>> -> memref<1x50x128xf32, #tpu.memory_space<hbm>>
        %dma_wait3A_219 = tpu.memref_squeeze %dma_wait3A_218 : memref<1x50x128xf32, #tpu.memory_space<hbm>> -> memref<50x128xf32, #tpu.memory_space<hbm>>
        %dma_wait3A_220 = arith.constant 0 : i32
        %dma_wait3A_221 = arith.constant 0 : i32
        %dma_wait3A_222 = tpu.memref_slice %arg7[%run_scoped3A, %dma_wait3A_220, %dma_wait3A_221] : memref<4x50x128xf32, #tpu.memory_space<vmem>> -> memref<1x50x128xf32, #tpu.memory_space<vmem>>
        %dma_wait3A_223 = tpu.memref_squeeze %dma_wait3A_222 : memref<1x50x128xf32, #tpu.memory_space<vmem>> -> memref<50x128xf32, #tpu.memory_space<vmem>>
        tpu.wait_dma2 semaphore(%run_scoped3A_191 : memref<!tpu.dma_semaphore, #tpu.memory_space<semaphore_mem>>) src(%dma_wait3A_223 : memref<50x128xf32, #tpu.memory_space<vmem>>) dst(%dma_wait3A_219 : memref<50x128xf32, #tpu.memory_space<hbm>>)
        tpu.yield
      }) : () -> ()
      %mul3A_134 = arith.constant 4 : i32
      %mul3A_135 = arith.muli %mul3A_59, %mul3A_134 : i32
      %add3A_136 = arith.addi %mul3A_4, %mul3A_135 : i32
      %add3A_137 = arith.constant 1 : i32
      %add3A_138 = arith.addi %add3A_136, %add3A_137 : i32
      %run_scoped3A_139 = arith.constant 1 : i32
      "tpu.region"() ({
        %run_scoped3A_191 = tpu.sem_alloc : memref<!tpu.dma_semaphore, #tpu.memory_space<semaphore_mem>>
        %dma_start3A_192 = arith.constant 0 : i32
        %dma_start3A_193 = arith.constant 0 : i32
        %dma_start3A_194 = tpu.memref_slice %arg7[%run_scoped3A_139, %dma_start3A_192, %dma_start3A_193] : memref<4x50x128xf32, #tpu.memory_space<vmem>> -> memref<1x50x128xf32, #tpu.memory_space<vmem>>
        %dma_start3A_195 = tpu.memref_squeeze %dma_start3A_194 : memref<1x50x128xf32, #tpu.memory_space<vmem>> -> memref<50x128xf32, #tpu.memory_space<vmem>>
        %dma_start3A_196 = arith.constant 0 : i32
        %dma_start3A_197 = arith.constant 0 : i32
        %dma_start3A_198 = tpu.memref_slice %arg5[%add3A_138, %dma_start3A_196, %dma_start3A_197] : memref<4096x50x128xf32, #tpu.memory_space<hbm>> -> memref<1x50x128xf32, #tpu.memory_space<hbm>>
        %dma_start3A_199 = tpu.memref_squeeze %dma_start3A_198 : memref<1x50x128xf32, #tpu.memory_space<hbm>> -> memref<50x128xf32, #tpu.memory_space<hbm>>
        %dma_start3A_200 = arith.constant 0 : i32
        %dma_start3A_201 = arith.constant 0 : i32
        %dma_start3A_202 = tpu.memref_slice %arg5[%add3A_138, %dma_start3A_200, %dma_start3A_201] : memref<4096x50x128xf32, #tpu.memory_space<hbm>> -> memref<1x50x128xf32, #tpu.memory_space<hbm>>
        %dma_start3A_203 = tpu.memref_squeeze %dma_start3A_202 : memref<1x50x128xf32, #tpu.memory_space<hbm>> -> memref<50x128xf32, #tpu.memory_space<hbm>>
        %dma_start3A_204 = arith.constant 0 : i32
        %dma_start3A_205 = arith.constant 0 : i32
        %dma_start3A_206 = tpu.memref_slice %arg7[%run_scoped3A_139, %dma_start3A_204, %dma_start3A_205] : memref<4x50x128xf32, #tpu.memory_space<vmem>> -> memref<1x50x128xf32, #tpu.memory_space<vmem>>
        %dma_start3A_207 = tpu.memref_squeeze %dma_start3A_206 : memref<1x50x128xf32, #tpu.memory_space<vmem>> -> memref<50x128xf32, #tpu.memory_space<vmem>>
        tpu.enqueue_dma source(%dma_start3A_207 : memref<50x128xf32, #tpu.memory_space<vmem>>) target(%dma_start3A_203 : memref<50x128xf32, #tpu.memory_space<hbm>>) target_semaphore(%run_scoped3A_191 : memref<!tpu.dma_semaphore, #tpu.memory_space<semaphore_mem>>)
        %dma_wait3A_208 = arith.constant 0 : i32
        %dma_wait3A_209 = arith.constant 0 : i32
        %dma_wait3A_210 = tpu.memref_slice %arg7[%run_scoped3A_139, %dma_wait3A_208, %dma_wait3A_209] : memref<4x50x128xf32, #tpu.memory_space<vmem>> -> memref<1x50x128xf32, #tpu.memory_space<vmem>>
        %dma_wait3A_211 = tpu.memref_squeeze %dma_wait3A_210 : memref<1x50x128xf32, #tpu.memory_space<vmem>> -> memref<50x128xf32, #tpu.memory_space<vmem>>
        %dma_wait3A_212 = arith.constant 0 : i32
        %dma_wait3A_213 = arith.constant 0 : i32
        %dma_wait3A_214 = tpu.memref_slice %arg5[%add3A_138, %dma_wait3A_212, %dma_wait3A_213] : memref<4096x50x128xf32, #tpu.memory_space<hbm>> -> memref<1x50x128xf32, #tpu.memory_space<hbm>>
        %dma_wait3A_215 = tpu.memref_squeeze %dma_wait3A_214 : memref<1x50x128xf32, #tpu.memory_space<hbm>> -> memref<50x128xf32, #tpu.memory_space<hbm>>
        %dma_wait3A_216 = arith.constant 0 : i32
        %dma_wait3A_217 = arith.constant 0 : i32
        %dma_wait3A_218 = tpu.memref_slice %arg5[%add3A_138, %dma_wait3A_216, %dma_wait3A_217] : memref<4096x50x128xf32, #tpu.memory_space<hbm>> -> memref<1x50x128xf32, #tpu.memory_space<hbm>>
        %dma_wait3A_219 = tpu.memref_squeeze %dma_wait3A_218 : memref<1x50x128xf32, #tpu.memory_space<hbm>> -> memref<50x128xf32, #tpu.memory_space<hbm>>
        %dma_wait3A_220 = arith.constant 0 : i32
        %dma_wait3A_221 = arith.constant 0 : i32
        %dma_wait3A_222 = tpu.memref_slice %arg7[%run_scoped3A_139, %dma_wait3A_220, %dma_wait3A_221] : memref<4x50x128xf32, #tpu.memory_space<vmem>> -> memref<1x50x128xf32, #tpu.memory_space<vmem>>
        %dma_wait3A_223 = tpu.memref_squeeze %dma_wait3A_222 : memref<1x50x128xf32, #tpu.memory_space<vmem>> -> memref<50x128xf32, #tpu.memory_space<vmem>>
        tpu.wait_dma2 semaphore(%run_scoped3A_191 : memref<!tpu.dma_semaphore, #tpu.memory_space<semaphore_mem>>) src(%dma_wait3A_223 : memref<50x128xf32, #tpu.memory_space<vmem>>) dst(%dma_wait3A_219 : memref<50x128xf32, #tpu.memory_space<hbm>>)
        tpu.yield
      }) : () -> ()
      %mul3A_140 = arith.constant 4 : i32
      %mul3A_141 = arith.muli %mul3A_59, %mul3A_140 : i32
      %add3A_142 = arith.addi %mul3A_4, %mul3A_141 : i32
      %add3A_143 = arith.constant 2 : i32
      %add3A_144 = arith.addi %add3A_142, %add3A_143 : i32
      %run_scoped3A_145 = arith.constant 2 : i32
      "tpu.region"() ({
        %run_scoped3A_191 = tpu.sem_alloc : memref<!tpu.dma_semaphore, #tpu.memory_space<semaphore_mem>>
        %dma_start3A_192 = arith.constant 0 : i32
        %dma_start3A_193 = arith.constant 0 : i32
        %dma_start3A_194 = tpu.memref_slice %arg7[%run_scoped3A_145, %dma_start3A_192, %dma_start3A_193] : memref<4x50x128xf32, #tpu.memory_space<vmem>> -> memref<1x50x128xf32, #tpu.memory_space<vmem>>
        %dma_start3A_195 = tpu.memref_squeeze %dma_start3A_194 : memref<1x50x128xf32, #tpu.memory_space<vmem>> -> memref<50x128xf32, #tpu.memory_space<vmem>>
        %dma_start3A_196 = arith.constant 0 : i32
        %dma_start3A_197 = arith.constant 0 : i32
        %dma_start3A_198 = tpu.memref_slice %arg5[%add3A_144, %dma_start3A_196, %dma_start3A_197] : memref<4096x50x128xf32, #tpu.memory_space<hbm>> -> memref<1x50x128xf32, #tpu.memory_space<hbm>>
        %dma_start3A_199 = tpu.memref_squeeze %dma_start3A_198 : memref<1x50x128xf32, #tpu.memory_space<hbm>> -> memref<50x128xf32, #tpu.memory_space<hbm>>
        %dma_start3A_200 = arith.constant 0 : i32
        %dma_start3A_201 = arith.constant 0 : i32
        %dma_start3A_202 = tpu.memref_slice %arg5[%add3A_144, %dma_start3A_200, %dma_start3A_201] : memref<4096x50x128xf32, #tpu.memory_space<hbm>> -> memref<1x50x128xf32, #tpu.memory_space<hbm>>
        %dma_start3A_203 = tpu.memref_squeeze %dma_start3A_202 : memref<1x50x128xf32, #tpu.memory_space<hbm>> -> memref<50x128xf32, #tpu.memory_space<hbm>>
        %dma_start3A_204 = arith.constant 0 : i32
        %dma_start3A_205 = arith.constant 0 : i32
        %dma_start3A_206 = tpu.memref_slice %arg7[%run_scoped3A_145, %dma_start3A_204, %dma_start3A_205] : memref<4x50x128xf32, #tpu.memory_space<vmem>> -> memref<1x50x128xf32, #tpu.memory_space<vmem>>
        %dma_start3A_207 = tpu.memref_squeeze %dma_start3A_206 : memref<1x50x128xf32, #tpu.memory_space<vmem>> -> memref<50x128xf32, #tpu.memory_space<vmem>>
        tpu.enqueue_dma source(%dma_start3A_207 : memref<50x128xf32, #tpu.memory_space<vmem>>) target(%dma_start3A_203 : memref<50x128xf32, #tpu.memory_space<hbm>>) target_semaphore(%run_scoped3A_191 : memref<!tpu.dma_semaphore, #tpu.memory_space<semaphore_mem>>)
        %dma_wait3A_208 = arith.constant 0 : i32
        %dma_wait3A_209 = arith.constant 0 : i32
        %dma_wait3A_210 = tpu.memref_slice %arg7[%run_scoped3A_145, %dma_wait3A_208, %dma_wait3A_209] : memref<4x50x128xf32, #tpu.memory_space<vmem>> -> memref<1x50x128xf32, #tpu.memory_space<vmem>>
        %dma_wait3A_211 = tpu.memref_squeeze %dma_wait3A_210 : memref<1x50x128xf32, #tpu.memory_space<vmem>> -> memref<50x128xf32, #tpu.memory_space<vmem>>
        %dma_wait3A_212 = arith.constant 0 : i32
        %dma_wait3A_213 = arith.constant 0 : i32
        %dma_wait3A_214 = tpu.memref_slice %arg5[%add3A_144, %dma_wait3A_212, %dma_wait3A_213] : memref<4096x50x128xf32, #tpu.memory_space<hbm>> -> memref<1x50x128xf32, #tpu.memory_space<hbm>>
        %dma_wait3A_215 = tpu.memref_squeeze %dma_wait3A_214 : memref<1x50x128xf32, #tpu.memory_space<hbm>> -> memref<50x128xf32, #tpu.memory_space<hbm>>
        %dma_wait3A_216 = arith.constant 0 : i32
        %dma_wait3A_217 = arith.constant 0 : i32
        %dma_wait3A_218 = tpu.memref_slice %arg5[%add3A_144, %dma_wait3A_216, %dma_wait3A_217] : memref<4096x50x128xf32, #tpu.memory_space<hbm>> -> memref<1x50x128xf32, #tpu.memory_space<hbm>>
        %dma_wait3A_219 = tpu.memref_squeeze %dma_wait3A_218 : memref<1x50x128xf32, #tpu.memory_space<hbm>> -> memref<50x128xf32, #tpu.memory_space<hbm>>
        %dma_wait3A_220 = arith.constant 0 : i32
        %dma_wait3A_221 = arith.constant 0 : i32
        %dma_wait3A_222 = tpu.memref_slice %arg7[%run_scoped3A_145, %dma_wait3A_220, %dma_wait3A_221] : memref<4x50x128xf32, #tpu.memory_space<vmem>> -> memref<1x50x128xf32, #tpu.memory_space<vmem>>
        %dma_wait3A_223 = tpu.memref_squeeze %dma_wait3A_222 : memref<1x50x128xf32, #tpu.memory_space<vmem>> -> memref<50x128xf32, #tpu.memory_space<vmem>>
        tpu.wait_dma2 semaphore(%run_scoped3A_191 : memref<!tpu.dma_semaphore, #tpu.memory_space<semaphore_mem>>) src(%dma_wait3A_223 : memref<50x128xf32, #tpu.memory_space<vmem>>) dst(%dma_wait3A_219 : memref<50x128xf32, #tpu.memory_space<hbm>>)
        tpu.yield
      }) : () -> ()
      %mul3A_146 = arith.constant 4 : i32
      %mul3A_147 = arith.muli %mul3A_59, %mul3A_146 : i32
      %add3A_148 = arith.addi %mul3A_4, %mul3A_147 : i32
      %add3A_149 = arith.constant 3 : i32
      %add3A_150 = arith.addi %add3A_148, %add3A_149 : i32
      %run_scoped3A_151 = arith.constant 3 : i32
      "tpu.region"() ({
        %run_scoped3A_191 = tpu.sem_alloc : memref<!tpu.dma_semaphore, #tpu.memory_space<semaphore_mem>>
        %dma_start3A_192 = arith.constant 0 : i32
        %dma_start3A_193 = arith.constant 0 : i32
        %dma_start3A_194 = tpu.memref_slice %arg7[%run_scoped3A_151, %dma_start3A_192, %dma_start3A_193] : memref<4x50x128xf32, #tpu.memory_space<vmem>> -> memref<1x50x128xf32, #tpu.memory_space<vmem>>
        %dma_start3A_195 = tpu.memref_squeeze %dma_start3A_194 : memref<1x50x128xf32, #tpu.memory_space<vmem>> -> memref<50x128xf32, #tpu.memory_space<vmem>>
        %dma_start3A_196 = arith.constant 0 : i32
        %dma_start3A_197 = arith.constant 0 : i32
        %dma_start3A_198 = tpu.memref_slice %arg5[%add3A_150, %dma_start3A_196, %dma_start3A_197] : memref<4096x50x128xf32, #tpu.memory_space<hbm>> -> memref<1x50x128xf32, #tpu.memory_space<hbm>>
        %dma_start3A_199 = tpu.memref_squeeze %dma_start3A_198 : memref<1x50x128xf32, #tpu.memory_space<hbm>> -> memref<50x128xf32, #tpu.memory_space<hbm>>
        %dma_start3A_200 = arith.constant 0 : i32
        %dma_start3A_201 = arith.constant 0 : i32
        %dma_start3A_202 = tpu.memref_slice %arg5[%add3A_150, %dma_start3A_200, %dma_start3A_201] : memref<4096x50x128xf32, #tpu.memory_space<hbm>> -> memref<1x50x128xf32, #tpu.memory_space<hbm>>
        %dma_start3A_203 = tpu.memref_squeeze %dma_start3A_202 : memref<1x50x128xf32, #tpu.memory_space<hbm>> -> memref<50x128xf32, #tpu.memory_space<hbm>>
        %dma_start3A_204 = arith.constant 0 : i32
        %dma_start3A_205 = arith.constant 0 : i32
        %dma_start3A_206 = tpu.memref_slice %arg7[%run_scoped3A_151, %dma_start3A_204, %dma_start3A_205] : memref<4x50x128xf32, #tpu.memory_space<vmem>> -> memref<1x50x128xf32, #tpu.memory_space<vmem>>
        %dma_start3A_207 = tpu.memref_squeeze %dma_start3A_206 : memref<1x50x128xf32, #tpu.memory_space<vmem>> -> memref<50x128xf32, #tpu.memory_space<vmem>>
        tpu.enqueue_dma source(%dma_start3A_207 : memref<50x128xf32, #tpu.memory_space<vmem>>) target(%dma_start3A_203 : memref<50x128xf32, #tpu.memory_space<hbm>>) target_semaphore(%run_scoped3A_191 : memref<!tpu.dma_semaphore, #tpu.memory_space<semaphore_mem>>)
        %dma_wait3A_208 = arith.constant 0 : i32
        %dma_wait3A_209 = arith.constant 0 : i32
        %dma_wait3A_210 = tpu.memref_slice %arg7[%run_scoped3A_151, %dma_wait3A_208, %dma_wait3A_209] : memref<4x50x128xf32, #tpu.memory_space<vmem>> -> memref<1x50x128xf32, #tpu.memory_space<vmem>>
        %dma_wait3A_211 = tpu.memref_squeeze %dma_wait3A_210 : memref<1x50x128xf32, #tpu.memory_space<vmem>> -> memref<50x128xf32, #tpu.memory_space<vmem>>
        %dma_wait3A_212 = arith.constant 0 : i32
        %dma_wait3A_213 = arith.constant 0 : i32
        %dma_wait3A_214 = tpu.memref_slice %arg5[%add3A_150, %dma_wait3A_212, %dma_wait3A_213] : memref<4096x50x128xf32, #tpu.memory_space<hbm>> -> memref<1x50x128xf32, #tpu.memory_space<hbm>>
        %dma_wait3A_215 = tpu.memref_squeeze %dma_wait3A_214 : memref<1x50x128xf32, #tpu.memory_space<hbm>> -> memref<50x128xf32, #tpu.memory_space<hbm>>
        %dma_wait3A_216 = arith.constant 0 : i32
        %dma_wait3A_217 = arith.constant 0 : i32
        %dma_wait3A_218 = tpu.memref_slice %arg5[%add3A_150, %dma_wait3A_216, %dma_wait3A_217] : memref<4096x50x128xf32, #tpu.memory_space<hbm>> -> memref<1x50x128xf32, #tpu.memory_space<hbm>>
        %dma_wait3A_219 = tpu.memref_squeeze %dma_wait3A_218 : memref<1x50x128xf32, #tpu.memory_space<hbm>> -> memref<50x128xf32, #tpu.memory_space<hbm>>
        %dma_wait3A_220 = arith.constant 0 : i32
        %dma_wait3A_221 = arith.constant 0 : i32
        %dma_wait3A_222 = tpu.memref_slice %arg7[%run_scoped3A_151, %dma_wait3A_220, %dma_wait3A_221] : memref<4x50x128xf32, #tpu.memory_space<vmem>> -> memref<1x50x128xf32, #tpu.memory_space<vmem>>
        %dma_wait3A_223 = tpu.memref_squeeze %dma_wait3A_222 : memref<1x50x128xf32, #tpu.memory_space<vmem>> -> memref<50x128xf32, #tpu.memory_space<vmem>>
        tpu.wait_dma2 semaphore(%run_scoped3A_191 : memref<!tpu.dma_semaphore, #tpu.memory_space<semaphore_mem>>) src(%dma_wait3A_223 : memref<50x128xf32, #tpu.memory_space<vmem>>) dst(%dma_wait3A_219 : memref<50x128xf32, #tpu.memory_space<hbm>>)
        tpu.yield
      }) : () -> ()
      %add3A_152 = arith.constant 2 : i32
      %add3A_153 = arith.addi %mul3A_59, %add3A_152 : i32
      %lt3A = arith.constant 32 : i32
      %lt3A_154 = arith.cmpi slt, %add3A_153, %lt3A : i32
      %convert_element_type3A = arith.extui %lt3A_154 : i1 to i32
      %cond3A = arith.constant 0 : i32
      %cond3A_155 = arith.cmpi ne, %convert_element_type3A, %cond3A : i32
      scf.if %cond3A_155 {
        %add3A_191 = arith.constant 2 : i32
        %add3A_192 = arith.addi %mul3A_59, %add3A_191 : i32
        %mul3A_193 = arith.constant 4 : i32
        %mul3A_194 = arith.muli %add3A_192, %mul3A_193 : i32
        %add3A_195 = arith.constant 0 : i32
        %add3A_196 = arith.addi %mul3A_194, %add3A_195 : i32
        %dma_start3A_197 = arith.constant 0 : i32
        %dma_start3A_198 = arith.constant 0 : i32
        %dma_start3A_199 = arith.constant 0 : i32
        %dma_start3A_200 = tpu.memref_slice %arg7[%dma_start3A_197, %dma_start3A_198, %dma_start3A_199] : memref<4x50x128xf32, #tpu.memory_space<vmem>> -> memref<1x50x128xf32, #tpu.memory_space<vmem>>
        %dma_start3A_201 = tpu.memref_squeeze %dma_start3A_200 : memref<1x50x128xf32, #tpu.memory_space<vmem>> -> memref<50x128xf32, #tpu.memory_space<vmem>>
        %dma_start3A_202 = arith.constant 0 : i32
        %dma_start3A_203 = tpu.memref_slice %arg6[%add3A_196, %dma_start3A_202] : memref<128x50xi32, #tpu.memory_space<vmem>> -> memref<1x50xi32, #tpu.memory_space<vmem>>
        %dma_start3A_204 = tpu.memref_squeeze %dma_start3A_203 : memref<1x50xi32, #tpu.memory_space<vmem>> -> memref<50xi32, #tpu.memory_space<vmem>>
        %dma_start3A_205 = arith.constant 0 : i32
        %dma_start3A_206 = arith.constant 0 : i32
        %dma_start3A_207 = tpu.memref_slice %arg3[%dma_start3A_205, %dma_start3A_206] : memref<100000x128xf32, #tpu.memory_space<hbm>> -> memref<100000x128xf32, #tpu.memory_space<hbm>>
        tpu.enqueue_indirect_dma source(%dma_start3A_207 : memref<100000x128xf32, #tpu.memory_space<hbm>>) target(%dma_start3A_201 : memref<50x128xf32, #tpu.memory_space<vmem>>) offsets(%dma_start3A_204 : memref<50xi32, #tpu.memory_space<vmem>>) semaphore(%arg9 : memref<!tpu.dma_semaphore, #tpu.memory_space<semaphore_mem>>)
        %mul3A_208 = arith.constant 4 : i32
        %mul3A_209 = arith.muli %add3A_192, %mul3A_208 : i32
        %add3A_210 = arith.constant 1 : i32
        %add3A_211 = arith.addi %mul3A_209, %add3A_210 : i32
        %dma_start3A_212 = arith.constant 1 : i32
        %dma_start3A_213 = arith.constant 0 : i32
        %dma_start3A_214 = arith.constant 0 : i32
        %dma_start3A_215 = tpu.memref_slice %arg7[%dma_start3A_212, %dma_start3A_213, %dma_start3A_214] : memref<4x50x128xf32, #tpu.memory_space<vmem>> -> memref<1x50x128xf32, #tpu.memory_space<vmem>>
        %dma_start3A_216 = tpu.memref_squeeze %dma_start3A_215 : memref<1x50x128xf32, #tpu.memory_space<vmem>> -> memref<50x128xf32, #tpu.memory_space<vmem>>
        %dma_start3A_217 = arith.constant 0 : i32
        %dma_start3A_218 = tpu.memref_slice %arg6[%add3A_211, %dma_start3A_217] : memref<128x50xi32, #tpu.memory_space<vmem>> -> memref<1x50xi32, #tpu.memory_space<vmem>>
        %dma_start3A_219 = tpu.memref_squeeze %dma_start3A_218 : memref<1x50xi32, #tpu.memory_space<vmem>> -> memref<50xi32, #tpu.memory_space<vmem>>
        %dma_start3A_220 = arith.constant 0 : i32
        %dma_start3A_221 = arith.constant 0 : i32
        %dma_start3A_222 = tpu.memref_slice %arg3[%dma_start3A_220, %dma_start3A_221] : memref<100000x128xf32, #tpu.memory_space<hbm>> -> memref<100000x128xf32, #tpu.memory_space<hbm>>
        tpu.enqueue_indirect_dma source(%dma_start3A_222 : memref<100000x128xf32, #tpu.memory_space<hbm>>) target(%dma_start3A_216 : memref<50x128xf32, #tpu.memory_space<vmem>>) offsets(%dma_start3A_219 : memref<50xi32, #tpu.memory_space<vmem>>) semaphore(%arg9 : memref<!tpu.dma_semaphore, #tpu.memory_space<semaphore_mem>>)
        %mul3A_223 = arith.constant 4 : i32
        %mul3A_224 = arith.muli %add3A_192, %mul3A_223 : i32
        %add3A_225 = arith.constant 2 : i32
        %add3A_226 = arith.addi %mul3A_224, %add3A_225 : i32
        %dma_start3A_227 = arith.constant 2 : i32
        %dma_start3A_228 = arith.constant 0 : i32
        %dma_start3A_229 = arith.constant 0 : i32
        %dma_start3A_230 = tpu.memref_slice %arg7[%dma_start3A_227, %dma_start3A_228, %dma_start3A_229] : memref<4x50x128xf32, #tpu.memory_space<vmem>> -> memref<1x50x128xf32, #tpu.memory_space<vmem>>
        %dma_start3A_231 = tpu.memref_squeeze %dma_start3A_230 : memref<1x50x128xf32, #tpu.memory_space<vmem>> -> memref<50x128xf32, #tpu.memory_space<vmem>>
        %dma_start3A_232 = arith.constant 0 : i32
        %dma_start3A_233 = tpu.memref_slice %arg6[%add3A_226, %dma_start3A_232] : memref<128x50xi32, #tpu.memory_space<vmem>> -> memref<1x50xi32, #tpu.memory_space<vmem>>
        %dma_start3A_234 = tpu.memref_squeeze %dma_start3A_233 : memref<1x50xi32, #tpu.memory_space<vmem>> -> memref<50xi32, #tpu.memory_space<vmem>>
        %dma_start3A_235 = arith.constant 0 : i32
        %dma_start3A_236 = arith.constant 0 : i32
        %dma_start3A_237 = tpu.memref_slice %arg3[%dma_start3A_235, %dma_start3A_236] : memref<100000x128xf32, #tpu.memory_space<hbm>> -> memref<100000x128xf32, #tpu.memory_space<hbm>>
        tpu.enqueue_indirect_dma source(%dma_start3A_237 : memref<100000x128xf32, #tpu.memory_space<hbm>>) target(%dma_start3A_231 : memref<50x128xf32, #tpu.memory_space<vmem>>) offsets(%dma_start3A_234 : memref<50xi32, #tpu.memory_space<vmem>>) semaphore(%arg9 : memref<!tpu.dma_semaphore, #tpu.memory_space<semaphore_mem>>)
        %mul3A_238 = arith.constant 4 : i32
        %mul3A_239 = arith.muli %add3A_192, %mul3A_238 : i32
        %add3A_240 = arith.constant 3 : i32
        %add3A_241 = arith.addi %mul3A_239, %add3A_240 : i32
        %dma_start3A_242 = arith.constant 3 : i32
        %dma_start3A_243 = arith.constant 0 : i32
        %dma_start3A_244 = arith.constant 0 : i32
        %dma_start3A_245 = tpu.memref_slice %arg7[%dma_start3A_242, %dma_start3A_243, %dma_start3A_244] : memref<4x50x128xf32, #tpu.memory_space<vmem>> -> memref<1x50x128xf32, #tpu.memory_space<vmem>>
        %dma_start3A_246 = tpu.memref_squeeze %dma_start3A_245 : memref<1x50x128xf32, #tpu.memory_space<vmem>> -> memref<50x128xf32, #tpu.memory_space<vmem>>
        %dma_start3A_247 = arith.constant 0 : i32
        %dma_start3A_248 = tpu.memref_slice %arg6[%add3A_241, %dma_start3A_247] : memref<128x50xi32, #tpu.memory_space<vmem>> -> memref<1x50xi32, #tpu.memory_space<vmem>>
        %dma_start3A_249 = tpu.memref_squeeze %dma_start3A_248 : memref<1x50xi32, #tpu.memory_space<vmem>> -> memref<50xi32, #tpu.memory_space<vmem>>
        %dma_start3A_250 = arith.constant 0 : i32
        %dma_start3A_251 = arith.constant 0 : i32
        %dma_start3A_252 = tpu.memref_slice %arg3[%dma_start3A_250, %dma_start3A_251] : memref<100000x128xf32, #tpu.memory_space<hbm>> -> memref<100000x128xf32, #tpu.memory_space<hbm>>
        tpu.enqueue_indirect_dma source(%dma_start3A_252 : memref<100000x128xf32, #tpu.memory_space<hbm>>) target(%dma_start3A_246 : memref<50x128xf32, #tpu.memory_space<vmem>>) offsets(%dma_start3A_249 : memref<50xi32, #tpu.memory_space<vmem>>) semaphore(%arg9 : memref<!tpu.dma_semaphore, #tpu.memory_space<semaphore_mem>>)
      } else {
      }
      %dma_wait3A_156 = arith.constant 0 : i32
      %dma_wait3A_157 = arith.constant 0 : i32
      %dma_wait3A_158 = tpu.memref_slice %arg3[%dma_wait3A_156, %dma_wait3A_157] : memref<100000x128xf32, #tpu.memory_space<hbm>> -> memref<200x128xf32, #tpu.memory_space<hbm>>
      %dma_wait3A_159 = arith.constant 0 : i32
      %dma_wait3A_160 = arith.constant 0 : i32
      %dma_wait3A_161 = tpu.memref_slice %arg3[%dma_wait3A_159, %dma_wait3A_160] : memref<100000x128xf32, #tpu.memory_space<hbm>> -> memref<200x128xf32, #tpu.memory_space<hbm>>
      tpu.wait_dma2 semaphore(%arg10 : memref<!tpu.dma_semaphore, #tpu.memory_space<semaphore_mem>>) src(%dma_wait3A_161 : memref<200x128xf32, #tpu.memory_space<hbm>>) dst(%arg8 : memref<4x50x128xf32, #tpu.memory_space<vmem>>)
      %parallel_loop3A_162 = arith.constant 0 : i32
      %parallel_loop3A_163 = arith.constant 50 : i32
      %parallel_loop3A_164 = arith.constant 1 : i32
      scf.for %parallel_loop3A_191 = %parallel_loop3A_162 to %parallel_loop3A_163 step %parallel_loop3A_164  : i32 {
        %parallel_loop3A_192 = arith.constant 0 : i32
        %parallel_loop3A_193 = arith.index_cast %parallel_loop3A_192 : i32 to index
        %parallel_loop3A_194 = arith.index_cast %parallel_loop3A_191 : i32 to index
        %parallel_loop3A_195 = arith.constant 0 : index
        %parallel_loop3A_196 = tpu.vector_load %arg8[%parallel_loop3A_193, %parallel_loop3A_194, %parallel_loop3A_195] {strides = array<i32>} : memref<4x50x128xf32, #tpu.memory_space<vmem>>, vector<1x1x16xf32>,
        %parallel_loop3A_197 = vector.shape_cast %parallel_loop3A_196 : vector<1x1x16xf32> to vector<16xf32>
        %parallel_loop3A_198 = vector.broadcast %squeeze3A : f32 to vector<16xf32>
        %parallel_loop3A_199 = arith.mulf %parallel_loop3A_197, %parallel_loop3A_198 : vector<16xf32>
        %parallel_loop3A_200 = arith.constant 0 : i32
        %parallel_loop3A_201 = arith.index_cast %parallel_loop3A_200 : i32 to index
        %parallel_loop3A_202 = arith.index_cast %parallel_loop3A_191 : i32 to index
        %parallel_loop3A_203 = arith.constant 0 : index
        %parallel_loop3A_204 = tpu.vector_load %arg8[%parallel_loop3A_201, %parallel_loop3A_202, %parallel_loop3A_203] {strides = array<i32>} : memref<4x50x128xf32, #tpu.memory_space<vmem>>, vector<1x1x16xf32>,
        %parallel_loop3A_205 = vector.shape_cast %parallel_loop3A_204 : vector<1x1x16xf32> to vector<16xf32>
        %parallel_loop3A_206 = vector.shape_cast %parallel_loop3A_199 : vector<16xf32> to vector<1x1x16xf32>
        tpu.vector_store %arg8[%parallel_loop3A_201, %parallel_loop3A_202, %parallel_loop3A_203], %parallel_loop3A_206 {strides = array<i32>} : memref<4x50x128xf32, #tpu.memory_space<vmem>>, vector<1x1x16xf32>,
        %parallel_loop3A_207 = arith.constant 0 : i32
        %parallel_loop3A_208 = arith.index_cast %parallel_loop3A_207 : i32 to index
        %parallel_loop3A_209 = arith.index_cast %parallel_loop3A_191 : i32 to index
        %parallel_loop3A_210 = arith.constant 16 : index
        %parallel_loop3A_211 = tpu.vector_load %arg8[%parallel_loop3A_208, %parallel_loop3A_209, %parallel_loop3A_210] {strides = array<i32>} : memref<4x50x128xf32, #tpu.memory_space<vmem>>, vector<1x1x16xf32>,
        %parallel_loop3A_212 = vector.shape_cast %parallel_loop3A_211 : vector<1x1x16xf32> to vector<16xf32>
        %parallel_loop3A_213 = vector.broadcast %squeeze3A : f32 to vector<16xf32>
        %parallel_loop3A_214 = arith.mulf %parallel_loop3A_212, %parallel_loop3A_213 : vector<16xf32>
        %parallel_loop3A_215 = arith.constant 0 : i32
        %parallel_loop3A_216 = arith.index_cast %parallel_loop3A_215 : i32 to index
        %parallel_loop3A_217 = arith.index_cast %parallel_loop3A_191 : i32 to index
        %parallel_loop3A_218 = arith.constant 16 : index
        %parallel_loop3A_219 = tpu.vector_load %arg8[%parallel_loop3A_216, %parallel_loop3A_217, %parallel_loop3A_218] {strides = array<i32>} : memref<4x50x128xf32, #tpu.memory_space<vmem>>, vector<1x1x16xf32>,
        %parallel_loop3A_220 = vector.shape_cast %parallel_loop3A_219 : vector<1x1x16xf32> to vector<16xf32>
        %parallel_loop3A_221 = vector.shape_cast %parallel_loop3A_214 : vector<16xf32> to vector<1x1x16xf32>
        tpu.vector_store %arg8[%parallel_loop3A_216, %parallel_loop3A_217, %parallel_loop3A_218], %parallel_loop3A_221 {strides = array<i32>} : memref<4x50x128xf32, #tpu.memory_space<vmem>>, vector<1x1x16xf32>,
        %parallel_loop3A_222 = arith.constant 0 : i32
        %parallel_loop3A_223 = arith.index_cast %parallel_loop3A_222 : i32 to index
        %parallel_loop3A_224 = arith.index_cast %parallel_loop3A_191 : i32 to index
        %parallel_loop3A_225 = arith.constant 32 : index
        %parallel_loop3A_226 = tpu.vector_load %arg8[%parallel_loop3A_223, %parallel_loop3A_224, %parallel_loop3A_225] {strides = array<i32>} : memref<4x50x128xf32, #tpu.memory_space<vmem>>, vector<1x1x16xf32>,
        %parallel_loop3A_227 = vector.shape_cast %parallel_loop3A_226 : vector<1x1x16xf32> to vector<16xf32>
        %parallel_loop3A_228 = vector.broadcast %squeeze3A : f32 to vector<16xf32>
        %parallel_loop3A_229 = arith.mulf %parallel_loop3A_227, %parallel_loop3A_228 : vector<16xf32>
        %parallel_loop3A_230 = arith.constant 0 : i32
        %parallel_loop3A_231 = arith.index_cast %parallel_loop3A_230 : i32 to index
        %parallel_loop3A_232 = arith.index_cast %parallel_loop3A_191 : i32 to index
        %parallel_loop3A_233 = arith.constant 32 : index
        %parallel_loop3A_234 = tpu.vector_load %arg8[%parallel_loop3A_231, %parallel_loop3A_232, %parallel_loop3A_233] {strides = array<i32>} : memref<4x50x128xf32, #tpu.memory_space<vmem>>, vector<1x1x16xf32>,
        %parallel_loop3A_235 = vector.shape_cast %parallel_loop3A_234 : vector<1x1x16xf32> to vector<16xf32>
        %parallel_loop3A_236 = vector.shape_cast %parallel_loop3A_229 : vector<16xf32> to vector<1x1x16xf32>
        tpu.vector_store %arg8[%parallel_loop3A_231, %parallel_loop3A_232, %parallel_loop3A_233], %parallel_loop3A_236 {strides = array<i32>} : memref<4x50x128xf32, #tpu.memory_space<vmem>>, vector<1x1x16xf32>,
        %parallel_loop3A_237 = arith.constant 0 : i32
        %parallel_loop3A_238 = arith.index_cast %parallel_loop3A_237 : i32 to index
        %parallel_loop3A_239 = arith.index_cast %parallel_loop3A_191 : i32 to index
        %parallel_loop3A_240 = arith.constant 48 : index
        %parallel_loop3A_241 = tpu.vector_load %arg8[%parallel_loop3A_238, %parallel_loop3A_239, %parallel_loop3A_240] {strides = array<i32>} : memref<4x50x128xf32, #tpu.memory_space<vmem>>, vector<1x1x16xf32>,
        %parallel_loop3A_242 = vector.shape_cast %parallel_loop3A_241 : vector<1x1x16xf32> to vector<16xf32>
        %parallel_loop3A_243 = vector.broadcast %squeeze3A : f32 to vector<16xf32>
        %parallel_loop3A_244 = arith.mulf %parallel_loop3A_242, %parallel_loop3A_243 : vector<16xf32>
        %parallel_loop3A_245 = arith.constant 0 : i32
        %parallel_loop3A_246 = arith.index_cast %parallel_loop3A_245 : i32 to index
        %parallel_loop3A_247 = arith.index_cast %parallel_loop3A_191 : i32 to index
        %parallel_loop3A_248 = arith.constant 48 : index
        %parallel_loop3A_249 = tpu.vector_load %arg8[%parallel_loop3A_246, %parallel_loop3A_247, %parallel_loop3A_248] {strides = array<i32>} : memref<4x50x128xf32, #tpu.memory_space<vmem>>, vector<1x1x16xf32>,
        %parallel_loop3A_250 = vector.shape_cast %parallel_loop3A_249 : vector<1x1x16xf32> to vector<16xf32>
        %parallel_loop3A_251 = vector.shape_cast %parallel_loop3A_244 : vector<16xf32> to vector<1x1x16xf32>
        tpu.vector_store %arg8[%parallel_loop3A_246, %parallel_loop3A_247, %parallel_loop3A_248], %parallel_loop3A_251 {strides = array<i32>} : memref<4x50x128xf32, #tpu.memory_space<vmem>>, vector<1x1x16xf32>,
        %parallel_loop3A_252 = arith.constant 0 : i32
        %parallel_loop3A_253 = arith.index_cast %parallel_loop3A_252 : i32 to index
        %parallel_loop3A_254 = arith.index_cast %parallel_loop3A_191 : i32 to index
        %parallel_loop3A_255 = arith.constant 64 : index
        %parallel_loop3A_256 = tpu.vector_load %arg8[%parallel_loop3A_253, %parallel_loop3A_254, %parallel_loop3A_255] {strides = array<i32>} : memref<4x50x128xf32, #tpu.memory_space<vmem>>, vector<1x1x16xf32>,
        %parallel_loop3A_257 = vector.shape_cast %parallel_loop3A_256 : vector<1x1x16xf32> to vector<16xf32>
        %parallel_loop3A_258 = vector.broadcast %squeeze3A : f32 to vector<16xf32>
        %parallel_loop3A_259 = arith.mulf %parallel_loop3A_257, %parallel_loop3A_258 : vector<16xf32>
        %parallel_loop3A_260 = arith.constant 0 : i32
        %parallel_loop3A_261 = arith.index_cast %parallel_loop3A_260 : i32 to index
        %parallel_loop3A_262 = arith.index_cast %parallel_loop3A_191 : i32 to index
        %parallel_loop3A_263 = arith.constant 64 : index
        %parallel_loop3A_264 = tpu.vector_load %arg8[%parallel_loop3A_261, %parallel_loop3A_262, %parallel_loop3A_263] {strides = array<i32>} : memref<4x50x128xf32, #tpu.memory_space<vmem>>, vector<1x1x16xf32>,
        %parallel_loop3A_265 = vector.shape_cast %parallel_loop3A_264 : vector<1x1x16xf32> to vector<16xf32>
        %parallel_loop3A_266 = vector.shape_cast %parallel_loop3A_259 : vector<16xf32> to vector<1x1x16xf32>
        tpu.vector_store %arg8[%parallel_loop3A_261, %parallel_loop3A_262, %parallel_loop3A_263], %parallel_loop3A_266 {strides = array<i32>} : memref<4x50x128xf32, #tpu.memory_space<vmem>>, vector<1x1x16xf32>,
        %parallel_loop3A_267 = arith.constant 0 : i32
        %parallel_loop3A_268 = arith.index_cast %parallel_loop3A_267 : i32 to index
        %parallel_loop3A_269 = arith.index_cast %parallel_loop3A_191 : i32 to index
        %parallel_loop3A_270 = arith.constant 80 : index
        %parallel_loop3A_271 = tpu.vector_load %arg8[%parallel_loop3A_268, %parallel_loop3A_269, %parallel_loop3A_270] {strides = array<i32>} : memref<4x50x128xf32, #tpu.memory_space<vmem>>, vector<1x1x16xf32>,
        %parallel_loop3A_272 = vector.shape_cast %parallel_loop3A_271 : vector<1x1x16xf32> to vector<16xf32>
        %parallel_loop3A_273 = vector.broadcast %squeeze3A : f32 to vector<16xf32>
        %parallel_loop3A_274 = arith.mulf %parallel_loop3A_272, %parallel_loop3A_273 : vector<16xf32>
        %parallel_loop3A_275 = arith.constant 0 : i32
        %parallel_loop3A_276 = arith.index_cast %parallel_loop3A_275 : i32 to index
        %parallel_loop3A_277 = arith.index_cast %parallel_loop3A_191 : i32 to index
        %parallel_loop3A_278 = arith.constant 80 : index
        %parallel_loop3A_279 = tpu.vector_load %arg8[%parallel_loop3A_276, %parallel_loop3A_277, %parallel_loop3A_278] {strides = array<i32>} : memref<4x50x128xf32, #tpu.memory_space<vmem>>, vector<1x1x16xf32>,
        %parallel_loop3A_280 = vector.shape_cast %parallel_loop3A_279 : vector<1x1x16xf32> to vector<16xf32>
        %parallel_loop3A_281 = vector.shape_cast %parallel_loop3A_274 : vector<16xf32> to vector<1x1x16xf32>
        tpu.vector_store %arg8[%parallel_loop3A_276, %parallel_loop3A_277, %parallel_loop3A_278], %parallel_loop3A_281 {strides = array<i32>} : memref<4x50x128xf32, #tpu.memory_space<vmem>>, vector<1x1x16xf32>,
        %parallel_loop3A_282 = arith.constant 0 : i32
        %parallel_loop3A_283 = arith.index_cast %parallel_loop3A_282 : i32 to index
        %parallel_loop3A_284 = arith.index_cast %parallel_loop3A_191 : i32 to index
        %parallel_loop3A_285 = arith.constant 96 : index
        %parallel_loop3A_286 = tpu.vector_load %arg8[%parallel_loop3A_283, %parallel_loop3A_284, %parallel_loop3A_285] {strides = array<i32>} : memref<4x50x128xf32, #tpu.memory_space<vmem>>, vector<1x1x16xf32>,
        %parallel_loop3A_287 = vector.shape_cast %parallel_loop3A_286 : vector<1x1x16xf32> to vector<16xf32>
        %parallel_loop3A_288 = vector.broadcast %squeeze3A : f32 to vector<16xf32>
        %parallel_loop3A_289 = arith.mulf %parallel_loop3A_287, %parallel_loop3A_288 : vector<16xf32>
        %parallel_loop3A_290 = arith.constant 0 : i32
        %parallel_loop3A_291 = arith.index_cast %parallel_loop3A_290 : i32 to index
        %parallel_loop3A_292 = arith.index_cast %parallel_loop3A_191 : i32 to index
        %parallel_loop3A_293 = arith.constant 96 : index
        %parallel_loop3A_294 = tpu.vector_load %arg8[%parallel_loop3A_291, %parallel_loop3A_292, %parallel_loop3A_293] {strides = array<i32>} : memref<4x50x128xf32, #tpu.memory_space<vmem>>, vector<1x1x16xf32>,
        %parallel_loop3A_295 = vector.shape_cast %parallel_loop3A_294 : vector<1x1x16xf32> to vector<16xf32>
        %parallel_loop3A_296 = vector.shape_cast %parallel_loop3A_289 : vector<16xf32> to vector<1x1x16xf32>
        tpu.vector_store %arg8[%parallel_loop3A_291, %parallel_loop3A_292, %parallel_loop3A_293], %parallel_loop3A_296 {strides = array<i32>} : memref<4x50x128xf32, #tpu.memory_space<vmem>>, vector<1x1x16xf32>,
        %parallel_loop3A_297 = arith.constant 0 : i32
        %parallel_loop3A_298 = arith.index_cast %parallel_loop3A_297 : i32 to index
        %parallel_loop3A_299 = arith.index_cast %parallel_loop3A_191 : i32 to index
        %parallel_loop3A_300 = arith.constant 112 : index
        %parallel_loop3A_301 = tpu.vector_load %arg8[%parallel_loop3A_298, %parallel_loop3A_299, %parallel_loop3A_300] {strides = array<i32>} : memref<4x50x128xf32, #tpu.memory_space<vmem>>, vector<1x1x16xf32>,
        %parallel_loop3A_302 = vector.shape_cast %parallel_loop3A_301 : vector<1x1x16xf32> to vector<16xf32>
        %parallel_loop3A_303 = vector.broadcast %squeeze3A : f32 to vector<16xf32>
        %parallel_loop3A_304 = arith.mulf %parallel_loop3A_302, %parallel_loop3A_303 : vector<16xf32>
        %parallel_loop3A_305 = arith.constant 0 : i32
        %parallel_loop3A_306 = arith.index_cast %parallel_loop3A_305 : i32 to index
        %parallel_loop3A_307 = arith.index_cast %parallel_loop3A_191 : i32 to index
        %parallel_loop3A_308 = arith.constant 112 : index
        %parallel_loop3A_309 = tpu.vector_load %arg8[%parallel_loop3A_306, %parallel_loop3A_307, %parallel_loop3A_308] {strides = array<i32>} : memref<4x50x128xf32, #tpu.memory_space<vmem>>, vector<1x1x16xf32>,
        %parallel_loop3A_310 = vector.shape_cast %parallel_loop3A_309 : vector<1x1x16xf32> to vector<16xf32>
        %parallel_loop3A_311 = vector.shape_cast %parallel_loop3A_304 : vector<16xf32> to vector<1x1x16xf32>
        tpu.vector_store %arg8[%parallel_loop3A_306, %parallel_loop3A_307, %parallel_loop3A_308], %parallel_loop3A_311 {strides = array<i32>} : memref<4x50x128xf32, #tpu.memory_space<vmem>>, vector<1x1x16xf32>,
        %parallel_loop3A_312 = arith.constant 1 : i32
        %parallel_loop3A_313 = arith.index_cast %parallel_loop3A_312 : i32 to index
        %parallel_loop3A_314 = arith.index_cast %parallel_loop3A_191 : i32 to index
        %parallel_loop3A_315 = arith.constant 0 : index
        %parallel_loop3A_316 = tpu.vector_load %arg8[%parallel_loop3A_313, %parallel_loop3A_314, %parallel_loop3A_315] {strides = array<i32>} : memref<4x50x128xf32, #tpu.memory_space<vmem>>, vector<1x1x16xf32>,
        %parallel_loop3A_317 = vector.shape_cast %parallel_loop3A_316 : vector<1x1x16xf32> to vector<16xf32>
        %parallel_loop3A_318 = vector.broadcast %squeeze3A : f32 to vector<16xf32>
        %parallel_loop3A_319 = arith.mulf %parallel_loop3A_317, %parallel_loop3A_318 : vector<16xf32>
        %parallel_loop3A_320 = arith.constant 1 : i32
        %parallel_loop3A_321 = arith.index_cast %parallel_loop3A_320 : i32 to index
        %parallel_loop3A_322 = arith.index_cast %parallel_loop3A_191 : i32 to index
        %parallel_loop3A_323 = arith.constant 0 : index
        %parallel_loop3A_324 = tpu.vector_load %arg8[%parallel_loop3A_321, %parallel_loop3A_322, %parallel_loop3A_323] {strides = array<i32>} : memref<4x50x128xf32, #tpu.memory_space<vmem>>, vector<1x1x16xf32>,
        %parallel_loop3A_325 = vector.shape_cast %parallel_loop3A_324 : vector<1x1x16xf32> to vector<16xf32>
        %parallel_loop3A_326 = vector.shape_cast %parallel_loop3A_319 : vector<16xf32> to vector<1x1x16xf32>
        tpu.vector_store %arg8[%parallel_loop3A_321, %parallel_loop3A_322, %parallel_loop3A_323], %parallel_loop3A_326 {strides = array<i32>} : memref<4x50x128xf32, #tpu.memory_space<vmem>>, vector<1x1x16xf32>,
        %parallel_loop3A_327 = arith.constant 1 : i32
        %parallel_loop3A_328 = arith.index_cast %parallel_loop3A_327 : i32 to index
        %parallel_loop3A_329 = arith.index_cast %parallel_loop3A_191 : i32 to index
        %parallel_loop3A_330 = arith.constant 16 : index
        %parallel_loop3A_331 = tpu.vector_load %arg8[%parallel_loop3A_328, %parallel_loop3A_329, %parallel_loop3A_330] {strides = array<i32>} : memref<4x50x128xf32, #tpu.memory_space<vmem>>, vector<1x1x16xf32>,
        %parallel_loop3A_332 = vector.shape_cast %parallel_loop3A_331 : vector<1x1x16xf32> to vector<16xf32>
        %parallel_loop3A_333 = vector.broadcast %squeeze3A : f32 to vector<16xf32>
        %parallel_loop3A_334 = arith.mulf %parallel_loop3A_332, %parallel_loop3A_333 : vector<16xf32>
        %parallel_loop3A_335 = arith.constant 1 : i32
        %parallel_loop3A_336 = arith.index_cast %parallel_loop3A_335 : i32 to index
        %parallel_loop3A_337 = arith.index_cast %parallel_loop3A_191 : i32 to index
        %parallel_loop3A_338 = arith.constant 16 : index
        %parallel_loop3A_339 = tpu.vector_load %arg8[%parallel_loop3A_336, %parallel_loop3A_337, %parallel_loop3A_338] {strides = array<i32>} : memref<4x50x128xf32, #tpu.memory_space<vmem>>, vector<1x1x16xf32>,
        %parallel_loop3A_340 = vector.shape_cast %parallel_loop3A_339 : vector<1x1x16xf32> to vector<16xf32>
        %parallel_loop3A_341 = vector.shape_cast %parallel_loop3A_334 : vector<16xf32> to vector<1x1x16xf32>
        tpu.vector_store %arg8[%parallel_loop3A_336, %parallel_loop3A_337, %parallel_loop3A_338], %parallel_loop3A_341 {strides = array<i32>} : memref<4x50x128xf32, #tpu.memory_space<vmem>>, vector<1x1x16xf32>,
        %parallel_loop3A_342 = arith.constant 1 : i32
        %parallel_loop3A_343 = arith.index_cast %parallel_loop3A_342 : i32 to index
        %parallel_loop3A_344 = arith.index_cast %parallel_loop3A_191 : i32 to index
        %parallel_loop3A_345 = arith.constant 32 : index
        %parallel_loop3A_346 = tpu.vector_load %arg8[%parallel_loop3A_343, %parallel_loop3A_344, %parallel_loop3A_345] {strides = array<i32>} : memref<4x50x128xf32, #tpu.memory_space<vmem>>, vector<1x1x16xf32>,
        %parallel_loop3A_347 = vector.shape_cast %parallel_loop3A_346 : vector<1x1x16xf32> to vector<16xf32>
        %parallel_loop3A_348 = vector.broadcast %squeeze3A : f32 to vector<16xf32>
        %parallel_loop3A_349 = arith.mulf %parallel_loop3A_347, %parallel_loop3A_348 : vector<16xf32>
        %parallel_loop3A_350 = arith.constant 1 : i32
        %parallel_loop3A_351 = arith.index_cast %parallel_loop3A_350 : i32 to index
        %parallel_loop3A_352 = arith.index_cast %parallel_loop3A_191 : i32 to index
        %parallel_loop3A_353 = arith.constant 32 : index
        %parallel_loop3A_354 = tpu.vector_load %arg8[%parallel_loop3A_351, %parallel_loop3A_352, %parallel_loop3A_353] {strides = array<i32>} : memref<4x50x128xf32, #tpu.memory_space<vmem>>, vector<1x1x16xf32>,
        %parallel_loop3A_355 = vector.shape_cast %parallel_loop3A_354 : vector<1x1x16xf32> to vector<16xf32>
        %parallel_loop3A_356 = vector.shape_cast %parallel_loop3A_349 : vector<16xf32> to vector<1x1x16xf32>
        tpu.vector_store %arg8[%parallel_loop3A_351, %parallel_loop3A_352, %parallel_loop3A_353], %parallel_loop3A_356 {strides = array<i32>} : memref<4x50x128xf32, #tpu.memory_space<vmem>>, vector<1x1x16xf32>,
        %parallel_loop3A_357 = arith.constant 1 : i32
        %parallel_loop3A_358 = arith.index_cast %parallel_loop3A_357 : i32 to index
        %parallel_loop3A_359 = arith.index_cast %parallel_loop3A_191 : i32 to index
        %parallel_loop3A_360 = arith.constant 48 : index
        %parallel_loop3A_361 = tpu.vector_load %arg8[%parallel_loop3A_358, %parallel_loop3A_359, %parallel_loop3A_360] {strides = array<i32>} : memref<4x50x128xf32, #tpu.memory_space<vmem>>, vector<1x1x16xf32>,
        %parallel_loop3A_362 = vector.shape_cast %parallel_loop3A_361 : vector<1x1x16xf32> to vector<16xf32>
        %parallel_loop3A_363 = vector.broadcast %squeeze3A : f32 to vector<16xf32>
        %parallel_loop3A_364 = arith.mulf %parallel_loop3A_362, %parallel_loop3A_363 : vector<16xf32>
        %parallel_loop3A_365 = arith.constant 1 : i32
        %parallel_loop3A_366 = arith.index_cast %parallel_loop3A_365 : i32 to index
        %parallel_loop3A_367 = arith.index_cast %parallel_loop3A_191 : i32 to index
        %parallel_loop3A_368 = arith.constant 48 : index
        %parallel_loop3A_369 = tpu.vector_load %arg8[%parallel_loop3A_366, %parallel_loop3A_367, %parallel_loop3A_368] {strides = array<i32>} : memref<4x50x128xf32, #tpu.memory_space<vmem>>, vector<1x1x16xf32>,
        %parallel_loop3A_370 = vector.shape_cast %parallel_loop3A_369 : vector<1x1x16xf32> to vector<16xf32>
        %parallel_loop3A_371 = vector.shape_cast %parallel_loop3A_364 : vector<16xf32> to vector<1x1x16xf32>
        tpu.vector_store %arg8[%parallel_loop3A_366, %parallel_loop3A_367, %parallel_loop3A_368], %parallel_loop3A_371 {strides = array<i32>} : memref<4x50x128xf32, #tpu.memory_space<vmem>>, vector<1x1x16xf32>,
        %parallel_loop3A_372 = arith.constant 1 : i32
        %parallel_loop3A_373 = arith.index_cast %parallel_loop3A_372 : i32 to index
        %parallel_loop3A_374 = arith.index_cast %parallel_loop3A_191 : i32 to index
        %parallel_loop3A_375 = arith.constant 64 : index
        %parallel_loop3A_376 = tpu.vector_load %arg8[%parallel_loop3A_373, %parallel_loop3A_374, %parallel_loop3A_375] {strides = array<i32>} : memref<4x50x128xf32, #tpu.memory_space<vmem>>, vector<1x1x16xf32>,
        %parallel_loop3A_377 = vector.shape_cast %parallel_loop3A_376 : vector<1x1x16xf32> to vector<16xf32>
        %parallel_loop3A_378 = vector.broadcast %squeeze3A : f32 to vector<16xf32>
        %parallel_loop3A_379 = arith.mulf %parallel_loop3A_377, %parallel_loop3A_378 : vector<16xf32>
        %parallel_loop3A_380 = arith.constant 1 : i32
        %parallel_loop3A_381 = arith.index_cast %parallel_loop3A_380 : i32 to index
        %parallel_loop3A_382 = arith.index_cast %parallel_loop3A_191 : i32 to index
        %parallel_loop3A_383 = arith.constant 64 : index
        %parallel_loop3A_384 = tpu.vector_load %arg8[%parallel_loop3A_381, %parallel_loop3A_382, %parallel_loop3A_383] {strides = array<i32>} : memref<4x50x128xf32, #tpu.memory_space<vmem>>, vector<1x1x16xf32>,
        %parallel_loop3A_385 = vector.shape_cast %parallel_loop3A_384 : vector<1x1x16xf32> to vector<16xf32>
        %parallel_loop3A_386 = vector.shape_cast %parallel_loop3A_379 : vector<16xf32> to vector<1x1x16xf32>
        tpu.vector_store %arg8[%parallel_loop3A_381, %parallel_loop3A_382, %parallel_loop3A_383], %parallel_loop3A_386 {strides = array<i32>} : memref<4x50x128xf32, #tpu.memory_space<vmem>>, vector<1x1x16xf32>,
        %parallel_loop3A_387 = arith.constant 1 : i32
        %parallel_loop3A_388 = arith.index_cast %parallel_loop3A_387 : i32 to index
        %parallel_loop3A_389 = arith.index_cast %parallel_loop3A_191 : i32 to index
        %parallel_loop3A_390 = arith.constant 80 : index
        %parallel_loop3A_391 = tpu.vector_load %arg8[%parallel_loop3A_388, %parallel_loop3A_389, %parallel_loop3A_390] {strides = array<i32>} : memref<4x50x128xf32, #tpu.memory_space<vmem>>, vector<1x1x16xf32>,
        %parallel_loop3A_392 = vector.shape_cast %parallel_loop3A_391 : vector<1x1x16xf32> to vector<16xf32>
        %parallel_loop3A_393 = vector.broadcast %squeeze3A : f32 to vector<16xf32>
        %parallel_loop3A_394 = arith.mulf %parallel_loop3A_392, %parallel_loop3A_393 : vector<16xf32>
        %parallel_loop3A_395 = arith.constant 1 : i32
        %parallel_loop3A_396 = arith.index_cast %parallel_loop3A_395 : i32 to index
        %parallel_loop3A_397 = arith.index_cast %parallel_loop3A_191 : i32 to index
        %parallel_loop3A_398 = arith.constant 80 : index
        %parallel_loop3A_399 = tpu.vector_load %arg8[%parallel_loop3A_396, %parallel_loop3A_397, %parallel_loop3A_398] {strides = array<i32>} : memref<4x50x128xf32, #tpu.memory_space<vmem>>, vector<1x1x16xf32>,
        %parallel_loop3A_400 = vector.shape_cast %parallel_loop3A_399 : vector<1x1x16xf32> to vector<16xf32>
        %parallel_loop3A_401 = vector.shape_cast %parallel_loop3A_394 : vector<16xf32> to vector<1x1x16xf32>
        tpu.vector_store %arg8[%parallel_loop3A_396, %parallel_loop3A_397, %parallel_loop3A_398], %parallel_loop3A_401 {strides = array<i32>} : memref<4x50x128xf32, #tpu.memory_space<vmem>>, vector<1x1x16xf32>,
        %parallel_loop3A_402 = arith.constant 1 : i32
        %parallel_loop3A_403 = arith.index_cast %parallel_loop3A_402 : i32 to index
        %parallel_loop3A_404 = arith.index_cast %parallel_loop3A_191 : i32 to index
        %parallel_loop3A_405 = arith.constant 96 : index
        %parallel_loop3A_406 = tpu.vector_load %arg8[%parallel_loop3A_403, %parallel_loop3A_404, %parallel_loop3A_405] {strides = array<i32>} : memref<4x50x128xf32, #tpu.memory_space<vmem>>, vector<1x1x16xf32>,
        %parallel_loop3A_407 = vector.shape_cast %parallel_loop3A_406 : vector<1x1x16xf32> to vector<16xf32>
        %parallel_loop3A_408 = vector.broadcast %squeeze3A : f32 to vector<16xf32>
        %parallel_loop3A_409 = arith.mulf %parallel_loop3A_407, %parallel_loop3A_408 : vector<16xf32>
        %parallel_loop3A_410 = arith.constant 1 : i32
        %parallel_loop3A_411 = arith.index_cast %parallel_loop3A_410 : i32 to index
        %parallel_loop3A_412 = arith.index_cast %parallel_loop3A_191 : i32 to index
        %parallel_loop3A_413 = arith.constant 96 : index
        %parallel_loop3A_414 = tpu.vector_load %arg8[%parallel_loop3A_411, %parallel_loop3A_412, %parallel_loop3A_413] {strides = array<i32>} : memref<4x50x128xf32, #tpu.memory_space<vmem>>, vector<1x1x16xf32>,
        %parallel_loop3A_415 = vector.shape_cast %parallel_loop3A_414 : vector<1x1x16xf32> to vector<16xf32>
        %parallel_loop3A_416 = vector.shape_cast %parallel_loop3A_409 : vector<16xf32> to vector<1x1x16xf32>
        tpu.vector_store %arg8[%parallel_loop3A_411, %parallel_loop3A_412, %parallel_loop3A_413], %parallel_loop3A_416 {strides = array<i32>} : memref<4x50x128xf32, #tpu.memory_space<vmem>>, vector<1x1x16xf32>,
        %parallel_loop3A_417 = arith.constant 1 : i32
        %parallel_loop3A_418 = arith.index_cast %parallel_loop3A_417 : i32 to index
        %parallel_loop3A_419 = arith.index_cast %parallel_loop3A_191 : i32 to index
        %parallel_loop3A_420 = arith.constant 112 : index
        %parallel_loop3A_421 = tpu.vector_load %arg8[%parallel_loop3A_418, %parallel_loop3A_419, %parallel_loop3A_420] {strides = array<i32>} : memref<4x50x128xf32, #tpu.memory_space<vmem>>, vector<1x1x16xf32>,
        %parallel_loop3A_422 = vector.shape_cast %parallel_loop3A_421 : vector<1x1x16xf32> to vector<16xf32>
        %parallel_loop3A_423 = vector.broadcast %squeeze3A : f32 to vector<16xf32>
        %parallel_loop3A_424 = arith.mulf %parallel_loop3A_422, %parallel_loop3A_423 : vector<16xf32>
        %parallel_loop3A_425 = arith.constant 1 : i32
        %parallel_loop3A_426 = arith.index_cast %parallel_loop3A_425 : i32 to index
        %parallel_loop3A_427 = arith.index_cast %parallel_loop3A_191 : i32 to index
        %parallel_loop3A_428 = arith.constant 112 : index
        %parallel_loop3A_429 = tpu.vector_load %arg8[%parallel_loop3A_426, %parallel_loop3A_427, %parallel_loop3A_428] {strides = array<i32>} : memref<4x50x128xf32, #tpu.memory_space<vmem>>, vector<1x1x16xf32>,
        %parallel_loop3A_430 = vector.shape_cast %parallel_loop3A_429 : vector<1x1x16xf32> to vector<16xf32>
        %parallel_loop3A_431 = vector.shape_cast %parallel_loop3A_424 : vector<16xf32> to vector<1x1x16xf32>
        tpu.vector_store %arg8[%parallel_loop3A_426, %parallel_loop3A_427, %parallel_loop3A_428], %parallel_loop3A_431 {strides = array<i32>} : memref<4x50x128xf32, #tpu.memory_space<vmem>>, vector<1x1x16xf32>,
        %parallel_loop3A_432 = arith.constant 2 : i32
        %parallel_loop3A_433 = arith.index_cast %parallel_loop3A_432 : i32 to index
        %parallel_loop3A_434 = arith.index_cast %parallel_loop3A_191 : i32 to index
        %parallel_loop3A_435 = arith.constant 0 : index
        %parallel_loop3A_436 = tpu.vector_load %arg8[%parallel_loop3A_433, %parallel_loop3A_434, %parallel_loop3A_435] {strides = array<i32>} : memref<4x50x128xf32, #tpu.memory_space<vmem>>, vector<1x1x16xf32>,
        %parallel_loop3A_437 = vector.shape_cast %parallel_loop3A_436 : vector<1x1x16xf32> to vector<16xf32>
        %parallel_loop3A_438 = vector.broadcast %squeeze3A : f32 to vector<16xf32>
        %parallel_loop3A_439 = arith.mulf %parallel_loop3A_437, %parallel_loop3A_438 : vector<16xf32>
        %parallel_loop3A_440 = arith.constant 2 : i32
        %parallel_loop3A_441 = arith.index_cast %parallel_loop3A_440 : i32 to index
        %parallel_loop3A_442 = arith.index_cast %parallel_loop3A_191 : i32 to index
        %parallel_loop3A_443 = arith.constant 0 : index
        %parallel_loop3A_444 = tpu.vector_load %arg8[%parallel_loop3A_441, %parallel_loop3A_442, %parallel_loop3A_443] {strides = array<i32>} : memref<4x50x128xf32, #tpu.memory_space<vmem>>, vector<1x1x16xf32>,
        %parallel_loop3A_445 = vector.shape_cast %parallel_loop3A_444 : vector<1x1x16xf32> to vector<16xf32>
        %parallel_loop3A_446 = vector.shape_cast %parallel_loop3A_439 : vector<16xf32> to vector<1x1x16xf32>
        tpu.vector_store %arg8[%parallel_loop3A_441, %parallel_loop3A_442, %parallel_loop3A_443], %parallel_loop3A_446 {strides = array<i32>} : memref<4x50x128xf32, #tpu.memory_space<vmem>>, vector<1x1x16xf32>,
        %parallel_loop3A_447 = arith.constant 2 : i32
        %parallel_loop3A_448 = arith.index_cast %parallel_loop3A_447 : i32 to index
        %parallel_loop3A_449 = arith.index_cast %parallel_loop3A_191 : i32 to index
        %parallel_loop3A_450 = arith.constant 16 : index
        %parallel_loop3A_451 = tpu.vector_load %arg8[%parallel_loop3A_448, %parallel_loop3A_449, %parallel_loop3A_450] {strides = array<i32>} : memref<4x50x128xf32, #tpu.memory_space<vmem>>, vector<1x1x16xf32>,
        %parallel_loop3A_452 = vector.shape_cast %parallel_loop3A_451 : vector<1x1x16xf32> to vector<16xf32>
        %parallel_loop3A_453 = vector.broadcast %squeeze3A : f32 to vector<16xf32>
        %parallel_loop3A_454 = arith.mulf %parallel_loop3A_452, %parallel_loop3A_453 : vector<16xf32>
        %parallel_loop3A_455 = arith.constant 2 : i32
        %parallel_loop3A_456 = arith.index_cast %parallel_loop3A_455 : i32 to index
        %parallel_loop3A_457 = arith.index_cast %parallel_loop3A_191 : i32 to index
        %parallel_loop3A_458 = arith.constant 16 : index
        %parallel_loop3A_459 = tpu.vector_load %arg8[%parallel_loop3A_456, %parallel_loop3A_457, %parallel_loop3A_458] {strides = array<i32>} : memref<4x50x128xf32, #tpu.memory_space<vmem>>, vector<1x1x16xf32>,
        %parallel_loop3A_460 = vector.shape_cast %parallel_loop3A_459 : vector<1x1x16xf32> to vector<16xf32>
        %parallel_loop3A_461 = vector.shape_cast %parallel_loop3A_454 : vector<16xf32> to vector<1x1x16xf32>
        tpu.vector_store %arg8[%parallel_loop3A_456, %parallel_loop3A_457, %parallel_loop3A_458], %parallel_loop3A_461 {strides = array<i32>} : memref<4x50x128xf32, #tpu.memory_space<vmem>>, vector<1x1x16xf32>,
        %parallel_loop3A_462 = arith.constant 2 : i32
        %parallel_loop3A_463 = arith.index_cast %parallel_loop3A_462 : i32 to index
        %parallel_loop3A_464 = arith.index_cast %parallel_loop3A_191 : i32 to index
        %parallel_loop3A_465 = arith.constant 32 : index
        %parallel_loop3A_466 = tpu.vector_load %arg8[%parallel_loop3A_463, %parallel_loop3A_464, %parallel_loop3A_465] {strides = array<i32>} : memref<4x50x128xf32, #tpu.memory_space<vmem>>, vector<1x1x16xf32>,
        %parallel_loop3A_467 = vector.shape_cast %parallel_loop3A_466 : vector<1x1x16xf32> to vector<16xf32>
        %parallel_loop3A_468 = vector.broadcast %squeeze3A : f32 to vector<16xf32>
        %parallel_loop3A_469 = arith.mulf %parallel_loop3A_467, %parallel_loop3A_468 : vector<16xf32>
        %parallel_loop3A_470 = arith.constant 2 : i32
        %parallel_loop3A_471 = arith.index_cast %parallel_loop3A_470 : i32 to index
        %parallel_loop3A_472 = arith.index_cast %parallel_loop3A_191 : i32 to index
        %parallel_loop3A_473 = arith.constant 32 : index
        %parallel_loop3A_474 = tpu.vector_load %arg8[%parallel_loop3A_471, %parallel_loop3A_472, %parallel_loop3A_473] {strides = array<i32>} : memref<4x50x128xf32, #tpu.memory_space<vmem>>, vector<1x1x16xf32>,
        %parallel_loop3A_475 = vector.shape_cast %parallel_loop3A_474 : vector<1x1x16xf32> to vector<16xf32>
        %parallel_loop3A_476 = vector.shape_cast %parallel_loop3A_469 : vector<16xf32> to vector<1x1x16xf32>
        tpu.vector_store %arg8[%parallel_loop3A_471, %parallel_loop3A_472, %parallel_loop3A_473], %parallel_loop3A_476 {strides = array<i32>} : memref<4x50x128xf32, #tpu.memory_space<vmem>>, vector<1x1x16xf32>,
        %parallel_loop3A_477 = arith.constant 2 : i32
        %parallel_loop3A_478 = arith.index_cast %parallel_loop3A_477 : i32 to index
        %parallel_loop3A_479 = arith.index_cast %parallel_loop3A_191 : i32 to index
        %parallel_loop3A_480 = arith.constant 48 : index
        %parallel_loop3A_481 = tpu.vector_load %arg8[%parallel_loop3A_478, %parallel_loop3A_479, %parallel_loop3A_480] {strides = array<i32>} : memref<4x50x128xf32, #tpu.memory_space<vmem>>, vector<1x1x16xf32>,
        %parallel_loop3A_482 = vector.shape_cast %parallel_loop3A_481 : vector<1x1x16xf32> to vector<16xf32>
        %parallel_loop3A_483 = vector.broadcast %squeeze3A : f32 to vector<16xf32>
        %parallel_loop3A_484 = arith.mulf %parallel_loop3A_482, %parallel_loop3A_483 : vector<16xf32>
        %parallel_loop3A_485 = arith.constant 2 : i32
        %parallel_loop3A_486 = arith.index_cast %parallel_loop3A_485 : i32 to index
        %parallel_loop3A_487 = arith.index_cast %parallel_loop3A_191 : i32 to index
        %parallel_loop3A_488 = arith.constant 48 : index
        %parallel_loop3A_489 = tpu.vector_load %arg8[%parallel_loop3A_486, %parallel_loop3A_487, %parallel_loop3A_488] {strides = array<i32>} : memref<4x50x128xf32, #tpu.memory_space<vmem>>, vector<1x1x16xf32>,
        %parallel_loop3A_490 = vector.shape_cast %parallel_loop3A_489 : vector<1x1x16xf32> to vector<16xf32>
        %parallel_loop3A_491 = vector.shape_cast %parallel_loop3A_484 : vector<16xf32> to vector<1x1x16xf32>
        tpu.vector_store %arg8[%parallel_loop3A_486, %parallel_loop3A_487, %parallel_loop3A_488], %parallel_loop3A_491 {strides = array<i32>} : memref<4x50x128xf32, #tpu.memory_space<vmem>>, vector<1x1x16xf32>,
        %parallel_loop3A_492 = arith.constant 2 : i32
        %parallel_loop3A_493 = arith.index_cast %parallel_loop3A_492 : i32 to index
        %parallel_loop3A_494 = arith.index_cast %parallel_loop3A_191 : i32 to index
        %parallel_loop3A_495 = arith.constant 64 : index
        %parallel_loop3A_496 = tpu.vector_load %arg8[%parallel_loop3A_493, %parallel_loop3A_494, %parallel_loop3A_495] {strides = array<i32>} : memref<4x50x128xf32, #tpu.memory_space<vmem>>, vector<1x1x16xf32>,
        %parallel_loop3A_497 = vector.shape_cast %parallel_loop3A_496 : vector<1x1x16xf32> to vector<16xf32>
        %parallel_loop3A_498 = vector.broadcast %squeeze3A : f32 to vector<16xf32>
        %parallel_loop3A_499 = arith.mulf %parallel_loop3A_497, %parallel_loop3A_498 : vector<16xf32>
        %parallel_loop3A_500 = arith.constant 2 : i32
        %parallel_loop3A_501 = arith.index_cast %parallel_loop3A_500 : i32 to index
        %parallel_loop3A_502 = arith.index_cast %parallel_loop3A_191 : i32 to index
        %parallel_loop3A_503 = arith.constant 64 : index
        %parallel_loop3A_504 = tpu.vector_load %arg8[%parallel_loop3A_501, %parallel_loop3A_502, %parallel_loop3A_503] {strides = array<i32>} : memref<4x50x128xf32, #tpu.memory_space<vmem>>, vector<1x1x16xf32>,
        %parallel_loop3A_505 = vector.shape_cast %parallel_loop3A_504 : vector<1x1x16xf32> to vector<16xf32>
        %parallel_loop3A_506 = vector.shape_cast %parallel_loop3A_499 : vector<16xf32> to vector<1x1x16xf32>
        tpu.vector_store %arg8[%parallel_loop3A_501, %parallel_loop3A_502, %parallel_loop3A_503], %parallel_loop3A_506 {strides = array<i32>} : memref<4x50x128xf32, #tpu.memory_space<vmem>>, vector<1x1x16xf32>,
        %parallel_loop3A_507 = arith.constant 2 : i32
        %parallel_loop3A_508 = arith.index_cast %parallel_loop3A_507 : i32 to index
        %parallel_loop3A_509 = arith.index_cast %parallel_loop3A_191 : i32 to index
        %parallel_loop3A_510 = arith.constant 80 : index
        %parallel_loop3A_511 = tpu.vector_load %arg8[%parallel_loop3A_508, %parallel_loop3A_509, %parallel_loop3A_510] {strides = array<i32>} : memref<4x50x128xf32, #tpu.memory_space<vmem>>, vector<1x1x16xf32>,
        %parallel_loop3A_512 = vector.shape_cast %parallel_loop3A_511 : vector<1x1x16xf32> to vector<16xf32>
        %parallel_loop3A_513 = vector.broadcast %squeeze3A : f32 to vector<16xf32>
        %parallel_loop3A_514 = arith.mulf %parallel_loop3A_512, %parallel_loop3A_513 : vector<16xf32>
        %parallel_loop3A_515 = arith.constant 2 : i32
        %parallel_loop3A_516 = arith.index_cast %parallel_loop3A_515 : i32 to index
        %parallel_loop3A_517 = arith.index_cast %parallel_loop3A_191 : i32 to index
        %parallel_loop3A_518 = arith.constant 80 : index
        %parallel_loop3A_519 = tpu.vector_load %arg8[%parallel_loop3A_516, %parallel_loop3A_517, %parallel_loop3A_518] {strides = array<i32>} : memref<4x50x128xf32, #tpu.memory_space<vmem>>, vector<1x1x16xf32>,
        %parallel_loop3A_520 = vector.shape_cast %parallel_loop3A_519 : vector<1x1x16xf32> to vector<16xf32>
        %parallel_loop3A_521 = vector.shape_cast %parallel_loop3A_514 : vector<16xf32> to vector<1x1x16xf32>
        tpu.vector_store %arg8[%parallel_loop3A_516, %parallel_loop3A_517, %parallel_loop3A_518], %parallel_loop3A_521 {strides = array<i32>} : memref<4x50x128xf32, #tpu.memory_space<vmem>>, vector<1x1x16xf32>,
        %parallel_loop3A_522 = arith.constant 2 : i32
        %parallel_loop3A_523 = arith.index_cast %parallel_loop3A_522 : i32 to index
        %parallel_loop3A_524 = arith.index_cast %parallel_loop3A_191 : i32 to index
        %parallel_loop3A_525 = arith.constant 96 : index
        %parallel_loop3A_526 = tpu.vector_load %arg8[%parallel_loop3A_523, %parallel_loop3A_524, %parallel_loop3A_525] {strides = array<i32>} : memref<4x50x128xf32, #tpu.memory_space<vmem>>, vector<1x1x16xf32>,
        %parallel_loop3A_527 = vector.shape_cast %parallel_loop3A_526 : vector<1x1x16xf32> to vector<16xf32>
        %parallel_loop3A_528 = vector.broadcast %squeeze3A : f32 to vector<16xf32>
        %parallel_loop3A_529 = arith.mulf %parallel_loop3A_527, %parallel_loop3A_528 : vector<16xf32>
        %parallel_loop3A_530 = arith.constant 2 : i32
        %parallel_loop3A_531 = arith.index_cast %parallel_loop3A_530 : i32 to index
        %parallel_loop3A_532 = arith.index_cast %parallel_loop3A_191 : i32 to index
        %parallel_loop3A_533 = arith.constant 96 : index
        %parallel_loop3A_534 = tpu.vector_load %arg8[%parallel_loop3A_531, %parallel_loop3A_532, %parallel_loop3A_533] {strides = array<i32>} : memref<4x50x128xf32, #tpu.memory_space<vmem>>, vector<1x1x16xf32>,
        %parallel_loop3A_535 = vector.shape_cast %parallel_loop3A_534 : vector<1x1x16xf32> to vector<16xf32>
        %parallel_loop3A_536 = vector.shape_cast %parallel_loop3A_529 : vector<16xf32> to vector<1x1x16xf32>
        tpu.vector_store %arg8[%parallel_loop3A_531, %parallel_loop3A_532, %parallel_loop3A_533], %parallel_loop3A_536 {strides = array<i32>} : memref<4x50x128xf32, #tpu.memory_space<vmem>>, vector<1x1x16xf32>,
        %parallel_loop3A_537 = arith.constant 2 : i32
        %parallel_loop3A_538 = arith.index_cast %parallel_loop3A_537 : i32 to index
        %parallel_loop3A_539 = arith.index_cast %parallel_loop3A_191 : i32 to index
        %parallel_loop3A_540 = arith.constant 112 : index
        %parallel_loop3A_541 = tpu.vector_load %arg8[%parallel_loop3A_538, %parallel_loop3A_539, %parallel_loop3A_540] {strides = array<i32>} : memref<4x50x128xf32, #tpu.memory_space<vmem>>, vector<1x1x16xf32>,
        %parallel_loop3A_542 = vector.shape_cast %parallel_loop3A_541 : vector<1x1x16xf32> to vector<16xf32>
        %parallel_loop3A_543 = vector.broadcast %squeeze3A : f32 to vector<16xf32>
        %parallel_loop3A_544 = arith.mulf %parallel_loop3A_542, %parallel_loop3A_543 : vector<16xf32>
        %parallel_loop3A_545 = arith.constant 2 : i32
        %parallel_loop3A_546 = arith.index_cast %parallel_loop3A_545 : i32 to index
        %parallel_loop3A_547 = arith.index_cast %parallel_loop3A_191 : i32 to index
        %parallel_loop3A_548 = arith.constant 112 : index
        %parallel_loop3A_549 = tpu.vector_load %arg8[%parallel_loop3A_546, %parallel_loop3A_547, %parallel_loop3A_548] {strides = array<i32>} : memref<4x50x128xf32, #tpu.memory_space<vmem>>, vector<1x1x16xf32>,
        %parallel_loop3A_550 = vector.shape_cast %parallel_loop3A_549 : vector<1x1x16xf32> to vector<16xf32>
        %parallel_loop3A_551 = vector.shape_cast %parallel_loop3A_544 : vector<16xf32> to vector<1x1x16xf32>
        tpu.vector_store %arg8[%parallel_loop3A_546, %parallel_loop3A_547, %parallel_loop3A_548], %parallel_loop3A_551 {strides = array<i32>} : memref<4x50x128xf32, #tpu.memory_space<vmem>>, vector<1x1x16xf32>,
        %parallel_loop3A_552 = arith.constant 3 : i32
        %parallel_loop3A_553 = arith.index_cast %parallel_loop3A_552 : i32 to index
        %parallel_loop3A_554 = arith.index_cast %parallel_loop3A_191 : i32 to index
        %parallel_loop3A_555 = arith.constant 0 : index
        %parallel_loop3A_556 = tpu.vector_load %arg8[%parallel_loop3A_553, %parallel_loop3A_554, %parallel_loop3A_555] {strides = array<i32>} : memref<4x50x128xf32, #tpu.memory_space<vmem>>, vector<1x1x16xf32>,
        %parallel_loop3A_557 = vector.shape_cast %parallel_loop3A_556 : vector<1x1x16xf32> to vector<16xf32>
        %parallel_loop3A_558 = vector.broadcast %squeeze3A : f32 to vector<16xf32>
        %parallel_loop3A_559 = arith.mulf %parallel_loop3A_557, %parallel_loop3A_558 : vector<16xf32>
        %parallel_loop3A_560 = arith.constant 3 : i32
        %parallel_loop3A_561 = arith.index_cast %parallel_loop3A_560 : i32 to index
        %parallel_loop3A_562 = arith.index_cast %parallel_loop3A_191 : i32 to index
        %parallel_loop3A_563 = arith.constant 0 : index
        %parallel_loop3A_564 = tpu.vector_load %arg8[%parallel_loop3A_561, %parallel_loop3A_562, %parallel_loop3A_563] {strides = array<i32>} : memref<4x50x128xf32, #tpu.memory_space<vmem>>, vector<1x1x16xf32>,
        %parallel_loop3A_565 = vector.shape_cast %parallel_loop3A_564 : vector<1x1x16xf32> to vector<16xf32>
        %parallel_loop3A_566 = vector.shape_cast %parallel_loop3A_559 : vector<16xf32> to vector<1x1x16xf32>
        tpu.vector_store %arg8[%parallel_loop3A_561, %parallel_loop3A_562, %parallel_loop3A_563], %parallel_loop3A_566 {strides = array<i32>} : memref<4x50x128xf32, #tpu.memory_space<vmem>>, vector<1x1x16xf32>,
        %parallel_loop3A_567 = arith.constant 3 : i32
        %parallel_loop3A_568 = arith.index_cast %parallel_loop3A_567 : i32 to index
        %parallel_loop3A_569 = arith.index_cast %parallel_loop3A_191 : i32 to index
        %parallel_loop3A_570 = arith.constant 16 : index
        %parallel_loop3A_571 = tpu.vector_load %arg8[%parallel_loop3A_568, %parallel_loop3A_569, %parallel_loop3A_570] {strides = array<i32>} : memref<4x50x128xf32, #tpu.memory_space<vmem>>, vector<1x1x16xf32>,
        %parallel_loop3A_572 = vector.shape_cast %parallel_loop3A_571 : vector<1x1x16xf32> to vector<16xf32>
        %parallel_loop3A_573 = vector.broadcast %squeeze3A : f32 to vector<16xf32>
        %parallel_loop3A_574 = arith.mulf %parallel_loop3A_572, %parallel_loop3A_573 : vector<16xf32>
        %parallel_loop3A_575 = arith.constant 3 : i32
        %parallel_loop3A_576 = arith.index_cast %parallel_loop3A_575 : i32 to index
        %parallel_loop3A_577 = arith.index_cast %parallel_loop3A_191 : i32 to index
        %parallel_loop3A_578 = arith.constant 16 : index
        %parallel_loop3A_579 = tpu.vector_load %arg8[%parallel_loop3A_576, %parallel_loop3A_577, %parallel_loop3A_578] {strides = array<i32>} : memref<4x50x128xf32, #tpu.memory_space<vmem>>, vector<1x1x16xf32>,
        %parallel_loop3A_580 = vector.shape_cast %parallel_loop3A_579 : vector<1x1x16xf32> to vector<16xf32>
        %parallel_loop3A_581 = vector.shape_cast %parallel_loop3A_574 : vector<16xf32> to vector<1x1x16xf32>
        tpu.vector_store %arg8[%parallel_loop3A_576, %parallel_loop3A_577, %parallel_loop3A_578], %parallel_loop3A_581 {strides = array<i32>} : memref<4x50x128xf32, #tpu.memory_space<vmem>>, vector<1x1x16xf32>,
        %parallel_loop3A_582 = arith.constant 3 : i32
        %parallel_loop3A_583 = arith.index_cast %parallel_loop3A_582 : i32 to index
        %parallel_loop3A_584 = arith.index_cast %parallel_loop3A_191 : i32 to index
        %parallel_loop3A_585 = arith.constant 32 : index
        %parallel_loop3A_586 = tpu.vector_load %arg8[%parallel_loop3A_583, %parallel_loop3A_584, %parallel_loop3A_585] {strides = array<i32>} : memref<4x50x128xf32, #tpu.memory_space<vmem>>, vector<1x1x16xf32>,
        %parallel_loop3A_587 = vector.shape_cast %parallel_loop3A_586 : vector<1x1x16xf32> to vector<16xf32>
        %parallel_loop3A_588 = vector.broadcast %squeeze3A : f32 to vector<16xf32>
        %parallel_loop3A_589 = arith.mulf %parallel_loop3A_587, %parallel_loop3A_588 : vector<16xf32>
        %parallel_loop3A_590 = arith.constant 3 : i32
        %parallel_loop3A_591 = arith.index_cast %parallel_loop3A_590 : i32 to index
        %parallel_loop3A_592 = arith.index_cast %parallel_loop3A_191 : i32 to index
        %parallel_loop3A_593 = arith.constant 32 : index
        %parallel_loop3A_594 = tpu.vector_load %arg8[%parallel_loop3A_591, %parallel_loop3A_592, %parallel_loop3A_593] {strides = array<i32>} : memref<4x50x128xf32, #tpu.memory_space<vmem>>, vector<1x1x16xf32>,
        %parallel_loop3A_595 = vector.shape_cast %parallel_loop3A_594 : vector<1x1x16xf32> to vector<16xf32>
        %parallel_loop3A_596 = vector.shape_cast %parallel_loop3A_589 : vector<16xf32> to vector<1x1x16xf32>
        tpu.vector_store %arg8[%parallel_loop3A_591, %parallel_loop3A_592, %parallel_loop3A_593], %parallel_loop3A_596 {strides = array<i32>} : memref<4x50x128xf32, #tpu.memory_space<vmem>>, vector<1x1x16xf32>,
        %parallel_loop3A_597 = arith.constant 3 : i32
        %parallel_loop3A_598 = arith.index_cast %parallel_loop3A_597 : i32 to index
        %parallel_loop3A_599 = arith.index_cast %parallel_loop3A_191 : i32 to index
        %parallel_loop3A_600 = arith.constant 48 : index
        %parallel_loop3A_601 = tpu.vector_load %arg8[%parallel_loop3A_598, %parallel_loop3A_599, %parallel_loop3A_600] {strides = array<i32>} : memref<4x50x128xf32, #tpu.memory_space<vmem>>, vector<1x1x16xf32>,
        %parallel_loop3A_602 = vector.shape_cast %parallel_loop3A_601 : vector<1x1x16xf32> to vector<16xf32>
        %parallel_loop3A_603 = vector.broadcast %squeeze3A : f32 to vector<16xf32>
        %parallel_loop3A_604 = arith.mulf %parallel_loop3A_602, %parallel_loop3A_603 : vector<16xf32>
        %parallel_loop3A_605 = arith.constant 3 : i32
        %parallel_loop3A_606 = arith.index_cast %parallel_loop3A_605 : i32 to index
        %parallel_loop3A_607 = arith.index_cast %parallel_loop3A_191 : i32 to index
        %parallel_loop3A_608 = arith.constant 48 : index
        %parallel_loop3A_609 = tpu.vector_load %arg8[%parallel_loop3A_606, %parallel_loop3A_607, %parallel_loop3A_608] {strides = array<i32>} : memref<4x50x128xf32, #tpu.memory_space<vmem>>, vector<1x1x16xf32>,
        %parallel_loop3A_610 = vector.shape_cast %parallel_loop3A_609 : vector<1x1x16xf32> to vector<16xf32>
        %parallel_loop3A_611 = vector.shape_cast %parallel_loop3A_604 : vector<16xf32> to vector<1x1x16xf32>
        tpu.vector_store %arg8[%parallel_loop3A_606, %parallel_loop3A_607, %parallel_loop3A_608], %parallel_loop3A_611 {strides = array<i32>} : memref<4x50x128xf32, #tpu.memory_space<vmem>>, vector<1x1x16xf32>,
        %parallel_loop3A_612 = arith.constant 3 : i32
        %parallel_loop3A_613 = arith.index_cast %parallel_loop3A_612 : i32 to index
        %parallel_loop3A_614 = arith.index_cast %parallel_loop3A_191 : i32 to index
        %parallel_loop3A_615 = arith.constant 64 : index
        %parallel_loop3A_616 = tpu.vector_load %arg8[%parallel_loop3A_613, %parallel_loop3A_614, %parallel_loop3A_615] {strides = array<i32>} : memref<4x50x128xf32, #tpu.memory_space<vmem>>, vector<1x1x16xf32>,
        %parallel_loop3A_617 = vector.shape_cast %parallel_loop3A_616 : vector<1x1x16xf32> to vector<16xf32>
        %parallel_loop3A_618 = vector.broadcast %squeeze3A : f32 to vector<16xf32>
        %parallel_loop3A_619 = arith.mulf %parallel_loop3A_617, %parallel_loop3A_618 : vector<16xf32>
        %parallel_loop3A_620 = arith.constant 3 : i32
        %parallel_loop3A_621 = arith.index_cast %parallel_loop3A_620 : i32 to index
        %parallel_loop3A_622 = arith.index_cast %parallel_loop3A_191 : i32 to index
        %parallel_loop3A_623 = arith.constant 64 : index
        %parallel_loop3A_624 = tpu.vector_load %arg8[%parallel_loop3A_621, %parallel_loop3A_622, %parallel_loop3A_623] {strides = array<i32>} : memref<4x50x128xf32, #tpu.memory_space<vmem>>, vector<1x1x16xf32>,
        %parallel_loop3A_625 = vector.shape_cast %parallel_loop3A_624 : vector<1x1x16xf32> to vector<16xf32>
        %parallel_loop3A_626 = vector.shape_cast %parallel_loop3A_619 : vector<16xf32> to vector<1x1x16xf32>
        tpu.vector_store %arg8[%parallel_loop3A_621, %parallel_loop3A_622, %parallel_loop3A_623], %parallel_loop3A_626 {strides = array<i32>} : memref<4x50x128xf32, #tpu.memory_space<vmem>>, vector<1x1x16xf32>,
        %parallel_loop3A_627 = arith.constant 3 : i32
        %parallel_loop3A_628 = arith.index_cast %parallel_loop3A_627 : i32 to index
        %parallel_loop3A_629 = arith.index_cast %parallel_loop3A_191 : i32 to index
        %parallel_loop3A_630 = arith.constant 80 : index
        %parallel_loop3A_631 = tpu.vector_load %arg8[%parallel_loop3A_628, %parallel_loop3A_629, %parallel_loop3A_630] {strides = array<i32>} : memref<4x50x128xf32, #tpu.memory_space<vmem>>, vector<1x1x16xf32>,
        %parallel_loop3A_632 = vector.shape_cast %parallel_loop3A_631 : vector<1x1x16xf32> to vector<16xf32>
        %parallel_loop3A_633 = vector.broadcast %squeeze3A : f32 to vector<16xf32>
        %parallel_loop3A_634 = arith.mulf %parallel_loop3A_632, %parallel_loop3A_633 : vector<16xf32>
        %parallel_loop3A_635 = arith.constant 3 : i32
        %parallel_loop3A_636 = arith.index_cast %parallel_loop3A_635 : i32 to index
        %parallel_loop3A_637 = arith.index_cast %parallel_loop3A_191 : i32 to index
        %parallel_loop3A_638 = arith.constant 80 : index
        %parallel_loop3A_639 = tpu.vector_load %arg8[%parallel_loop3A_636, %parallel_loop3A_637, %parallel_loop3A_638] {strides = array<i32>} : memref<4x50x128xf32, #tpu.memory_space<vmem>>, vector<1x1x16xf32>,
        %parallel_loop3A_640 = vector.shape_cast %parallel_loop3A_639 : vector<1x1x16xf32> to vector<16xf32>
        %parallel_loop3A_641 = vector.shape_cast %parallel_loop3A_634 : vector<16xf32> to vector<1x1x16xf32>
        tpu.vector_store %arg8[%parallel_loop3A_636, %parallel_loop3A_637, %parallel_loop3A_638], %parallel_loop3A_641 {strides = array<i32>} : memref<4x50x128xf32, #tpu.memory_space<vmem>>, vector<1x1x16xf32>,
        %parallel_loop3A_642 = arith.constant 3 : i32
        %parallel_loop3A_643 = arith.index_cast %parallel_loop3A_642 : i32 to index
        %parallel_loop3A_644 = arith.index_cast %parallel_loop3A_191 : i32 to index
        %parallel_loop3A_645 = arith.constant 96 : index
        %parallel_loop3A_646 = tpu.vector_load %arg8[%parallel_loop3A_643, %parallel_loop3A_644, %parallel_loop3A_645] {strides = array<i32>} : memref<4x50x128xf32, #tpu.memory_space<vmem>>, vector<1x1x16xf32>,
        %parallel_loop3A_647 = vector.shape_cast %parallel_loop3A_646 : vector<1x1x16xf32> to vector<16xf32>
        %parallel_loop3A_648 = vector.broadcast %squeeze3A : f32 to vector<16xf32>
        %parallel_loop3A_649 = arith.mulf %parallel_loop3A_647, %parallel_loop3A_648 : vector<16xf32>
        %parallel_loop3A_650 = arith.constant 3 : i32
        %parallel_loop3A_651 = arith.index_cast %parallel_loop3A_650 : i32 to index
        %parallel_loop3A_652 = arith.index_cast %parallel_loop3A_191 : i32 to index
        %parallel_loop3A_653 = arith.constant 96 : index
        %parallel_loop3A_654 = tpu.vector_load %arg8[%parallel_loop3A_651, %parallel_loop3A_652, %parallel_loop3A_653] {strides = array<i32>} : memref<4x50x128xf32, #tpu.memory_space<vmem>>, vector<1x1x16xf32>,
        %parallel_loop3A_655 = vector.shape_cast %parallel_loop3A_654 : vector<1x1x16xf32> to vector<16xf32>
        %parallel_loop3A_656 = vector.shape_cast %parallel_loop3A_649 : vector<16xf32> to vector<1x1x16xf32>
        tpu.vector_store %arg8[%parallel_loop3A_651, %parallel_loop3A_652, %parallel_loop3A_653], %parallel_loop3A_656 {strides = array<i32>} : memref<4x50x128xf32, #tpu.memory_space<vmem>>, vector<1x1x16xf32>,
        %parallel_loop3A_657 = arith.constant 3 : i32
        %parallel_loop3A_658 = arith.index_cast %parallel_loop3A_657 : i32 to index
        %parallel_loop3A_659 = arith.index_cast %parallel_loop3A_191 : i32 to index
        %parallel_loop3A_660 = arith.constant 112 : index
        %parallel_loop3A_661 = tpu.vector_load %arg8[%parallel_loop3A_658, %parallel_loop3A_659, %parallel_loop3A_660] {strides = array<i32>} : memref<4x50x128xf32, #tpu.memory_space<vmem>>, vector<1x1x16xf32>,
        %parallel_loop3A_662 = vector.shape_cast %parallel_loop3A_661 : vector<1x1x16xf32> to vector<16xf32>
        %parallel_loop3A_663 = vector.broadcast %squeeze3A : f32 to vector<16xf32>
        %parallel_loop3A_664 = arith.mulf %parallel_loop3A_662, %parallel_loop3A_663 : vector<16xf32>
        %parallel_loop3A_665 = arith.constant 3 : i32
        %parallel_loop3A_666 = arith.index_cast %parallel_loop3A_665 : i32 to index
        %parallel_loop3A_667 = arith.index_cast %parallel_loop3A_191 : i32 to index
        %parallel_loop3A_668 = arith.constant 112 : index
        %parallel_loop3A_669 = tpu.vector_load %arg8[%parallel_loop3A_666, %parallel_loop3A_667, %parallel_loop3A_668] {strides = array<i32>} : memref<4x50x128xf32, #tpu.memory_space<vmem>>, vector<1x1x16xf32>,
        %parallel_loop3A_670 = vector.shape_cast %parallel_loop3A_669 : vector<1x1x16xf32> to vector<16xf32>
        %parallel_loop3A_671 = vector.shape_cast %parallel_loop3A_664 : vector<16xf32> to vector<1x1x16xf32>
        tpu.vector_store %arg8[%parallel_loop3A_666, %parallel_loop3A_667, %parallel_loop3A_668], %parallel_loop3A_671 {strides = array<i32>} : memref<4x50x128xf32, #tpu.memory_space<vmem>>, vector<1x1x16xf32>,
      } {sc.loop_unroll_factor = 2 : i64, sc.parallel_access}
      %add3A_165 = arith.constant 1 : i32
      %add3A_166 = arith.addi %mul3A_59, %add3A_165 : i32
      %mul3A_167 = arith.constant 4 : i32
      %mul3A_168 = arith.muli %add3A_166, %mul3A_167 : i32
      %add3A_169 = arith.addi %mul3A_4, %mul3A_168 : i32
      %add3A_170 = arith.constant 0 : i32
      %add3A_171 = arith.addi %add3A_169, %add3A_170 : i32
      %run_scoped3A_172 = arith.constant 0 : i32
      "tpu.region"() ({
        %run_scoped3A_191 = tpu.sem_alloc : memref<!tpu.dma_semaphore, #tpu.memory_space<semaphore_mem>>
        %dma_start3A_192 = arith.constant 0 : i32
        %dma_start3A_193 = arith.constant 0 : i32
        %dma_start3A_194 = tpu.memref_slice %arg8[%run_scoped3A_172, %dma_start3A_192, %dma_start3A_193] : memref<4x50x128xf32, #tpu.memory_space<vmem>> -> memref<1x50x128xf32, #tpu.memory_space<vmem>>
        %dma_start3A_195 = tpu.memref_squeeze %dma_start3A_194 : memref<1x50x128xf32, #tpu.memory_space<vmem>> -> memref<50x128xf32, #tpu.memory_space<vmem>>
        %dma_start3A_196 = arith.constant 0 : i32
        %dma_start3A_197 = arith.constant 0 : i32
        %dma_start3A_198 = tpu.memref_slice %arg5[%add3A_171, %dma_start3A_196, %dma_start3A_197] : memref<4096x50x128xf32, #tpu.memory_space<hbm>> -> memref<1x50x128xf32, #tpu.memory_space<hbm>>
        %dma_start3A_199 = tpu.memref_squeeze %dma_start3A_198 : memref<1x50x128xf32, #tpu.memory_space<hbm>> -> memref<50x128xf32, #tpu.memory_space<hbm>>
        %dma_start3A_200 = arith.constant 0 : i32
        %dma_start3A_201 = arith.constant 0 : i32
        %dma_start3A_202 = tpu.memref_slice %arg5[%add3A_171, %dma_start3A_200, %dma_start3A_201] : memref<4096x50x128xf32, #tpu.memory_space<hbm>> -> memref<1x50x128xf32, #tpu.memory_space<hbm>>
        %dma_start3A_203 = tpu.memref_squeeze %dma_start3A_202 : memref<1x50x128xf32, #tpu.memory_space<hbm>> -> memref<50x128xf32, #tpu.memory_space<hbm>>
        %dma_start3A_204 = arith.constant 0 : i32
        %dma_start3A_205 = arith.constant 0 : i32
        %dma_start3A_206 = tpu.memref_slice %arg8[%run_scoped3A_172, %dma_start3A_204, %dma_start3A_205] : memref<4x50x128xf32, #tpu.memory_space<vmem>> -> memref<1x50x128xf32, #tpu.memory_space<vmem>>
        %dma_start3A_207 = tpu.memref_squeeze %dma_start3A_206 : memref<1x50x128xf32, #tpu.memory_space<vmem>> -> memref<50x128xf32, #tpu.memory_space<vmem>>
        tpu.enqueue_dma source(%dma_start3A_207 : memref<50x128xf32, #tpu.memory_space<vmem>>) target(%dma_start3A_203 : memref<50x128xf32, #tpu.memory_space<hbm>>) target_semaphore(%run_scoped3A_191 : memref<!tpu.dma_semaphore, #tpu.memory_space<semaphore_mem>>)
        %dma_wait3A_208 = arith.constant 0 : i32
        %dma_wait3A_209 = arith.constant 0 : i32
        %dma_wait3A_210 = tpu.memref_slice %arg8[%run_scoped3A_172, %dma_wait3A_208, %dma_wait3A_209] : memref<4x50x128xf32, #tpu.memory_space<vmem>> -> memref<1x50x128xf32, #tpu.memory_space<vmem>>
        %dma_wait3A_211 = tpu.memref_squeeze %dma_wait3A_210 : memref<1x50x128xf32, #tpu.memory_space<vmem>> -> memref<50x128xf32, #tpu.memory_space<vmem>>
        %dma_wait3A_212 = arith.constant 0 : i32
        %dma_wait3A_213 = arith.constant 0 : i32
        %dma_wait3A_214 = tpu.memref_slice %arg5[%add3A_171, %dma_wait3A_212, %dma_wait3A_213] : memref<4096x50x128xf32, #tpu.memory_space<hbm>> -> memref<1x50x128xf32, #tpu.memory_space<hbm>>
        %dma_wait3A_215 = tpu.memref_squeeze %dma_wait3A_214 : memref<1x50x128xf32, #tpu.memory_space<hbm>> -> memref<50x128xf32, #tpu.memory_space<hbm>>
        %dma_wait3A_216 = arith.constant 0 : i32
        %dma_wait3A_217 = arith.constant 0 : i32
        %dma_wait3A_218 = tpu.memref_slice %arg5[%add3A_171, %dma_wait3A_216, %dma_wait3A_217] : memref<4096x50x128xf32, #tpu.memory_space<hbm>> -> memref<1x50x128xf32, #tpu.memory_space<hbm>>
        %dma_wait3A_219 = tpu.memref_squeeze %dma_wait3A_218 : memref<1x50x128xf32, #tpu.memory_space<hbm>> -> memref<50x128xf32, #tpu.memory_space<hbm>>
        %dma_wait3A_220 = arith.constant 0 : i32
        %dma_wait3A_221 = arith.constant 0 : i32
        %dma_wait3A_222 = tpu.memref_slice %arg8[%run_scoped3A_172, %dma_wait3A_220, %dma_wait3A_221] : memref<4x50x128xf32, #tpu.memory_space<vmem>> -> memref<1x50x128xf32, #tpu.memory_space<vmem>>
        %dma_wait3A_223 = tpu.memref_squeeze %dma_wait3A_222 : memref<1x50x128xf32, #tpu.memory_space<vmem>> -> memref<50x128xf32, #tpu.memory_space<vmem>>
        tpu.wait_dma2 semaphore(%run_scoped3A_191 : memref<!tpu.dma_semaphore, #tpu.memory_space<semaphore_mem>>) src(%dma_wait3A_223 : memref<50x128xf32, #tpu.memory_space<vmem>>) dst(%dma_wait3A_219 : memref<50x128xf32, #tpu.memory_space<hbm>>)
        tpu.yield
      }) : () -> ()
      %mul3A_173 = arith.constant 4 : i32
      %mul3A_174 = arith.muli %add3A_166, %mul3A_173 : i32
      %add3A_175 = arith.addi %mul3A_4, %mul3A_174 : i32
      %add3A_176 = arith.constant 1 : i32
      %add3A_177 = arith.addi %add3A_175, %add3A_176 : i32
      %run_scoped3A_178 = arith.constant 1 : i32
      "tpu.region"() ({
        %run_scoped3A_191 = tpu.sem_alloc : memref<!tpu.dma_semaphore, #tpu.memory_space<semaphore_mem>>
        %dma_start3A_192 = arith.constant 0 : i32
        %dma_start3A_193 = arith.constant 0 : i32
        %dma_start3A_194 = tpu.memref_slice %arg8[%run_scoped3A_178, %dma_start3A_192, %dma_start3A_193] : memref<4x50x128xf32, #tpu.memory_space<vmem>> -> memref<1x50x128xf32, #tpu.memory_space<vmem>>
        %dma_start3A_195 = tpu.memref_squeeze %dma_start3A_194 : memref<1x50x128xf32, #tpu.memory_space<vmem>> -> memref<50x128xf32, #tpu.memory_space<vmem>>
        %dma_start3A_196 = arith.constant 0 : i32
        %dma_start3A_197 = arith.constant 0 : i32
        %dma_start3A_198 = tpu.memref_slice %arg5[%add3A_177, %dma_start3A_196, %dma_start3A_197] : memref<4096x50x128xf32, #tpu.memory_space<hbm>> -> memref<1x50x128xf32, #tpu.memory_space<hbm>>
        %dma_start3A_199 = tpu.memref_squeeze %dma_start3A_198 : memref<1x50x128xf32, #tpu.memory_space<hbm>> -> memref<50x128xf32, #tpu.memory_space<hbm>>
        %dma_start3A_200 = arith.constant 0 : i32
        %dma_start3A_201 = arith.constant 0 : i32
        %dma_start3A_202 = tpu.memref_slice %arg5[%add3A_177, %dma_start3A_200, %dma_start3A_201] : memref<4096x50x128xf32, #tpu.memory_space<hbm>> -> memref<1x50x128xf32, #tpu.memory_space<hbm>>
        %dma_start3A_203 = tpu.memref_squeeze %dma_start3A_202 : memref<1x50x128xf32, #tpu.memory_space<hbm>> -> memref<50x128xf32, #tpu.memory_space<hbm>>
        %dma_start3A_204 = arith.constant 0 : i32
        %dma_start3A_205 = arith.constant 0 : i32
        %dma_start3A_206 = tpu.memref_slice %arg8[%run_scoped3A_178, %dma_start3A_204, %dma_start3A_205] : memref<4x50x128xf32, #tpu.memory_space<vmem>> -> memref<1x50x128xf32, #tpu.memory_space<vmem>>
        %dma_start3A_207 = tpu.memref_squeeze %dma_start3A_206 : memref<1x50x128xf32, #tpu.memory_space<vmem>> -> memref<50x128xf32, #tpu.memory_space<vmem>>
        tpu.enqueue_dma source(%dma_start3A_207 : memref<50x128xf32, #tpu.memory_space<vmem>>) target(%dma_start3A_203 : memref<50x128xf32, #tpu.memory_space<hbm>>) target_semaphore(%run_scoped3A_191 : memref<!tpu.dma_semaphore, #tpu.memory_space<semaphore_mem>>)
        %dma_wait3A_208 = arith.constant 0 : i32
        %dma_wait3A_209 = arith.constant 0 : i32
        %dma_wait3A_210 = tpu.memref_slice %arg8[%run_scoped3A_178, %dma_wait3A_208, %dma_wait3A_209] : memref<4x50x128xf32, #tpu.memory_space<vmem>> -> memref<1x50x128xf32, #tpu.memory_space<vmem>>
        %dma_wait3A_211 = tpu.memref_squeeze %dma_wait3A_210 : memref<1x50x128xf32, #tpu.memory_space<vmem>> -> memref<50x128xf32, #tpu.memory_space<vmem>>
        %dma_wait3A_212 = arith.constant 0 : i32
        %dma_wait3A_213 = arith.constant 0 : i32
        %dma_wait3A_214 = tpu.memref_slice %arg5[%add3A_177, %dma_wait3A_212, %dma_wait3A_213] : memref<4096x50x128xf32, #tpu.memory_space<hbm>> -> memref<1x50x128xf32, #tpu.memory_space<hbm>>
        %dma_wait3A_215 = tpu.memref_squeeze %dma_wait3A_214 : memref<1x50x128xf32, #tpu.memory_space<hbm>> -> memref<50x128xf32, #tpu.memory_space<hbm>>
        %dma_wait3A_216 = arith.constant 0 : i32
        %dma_wait3A_217 = arith.constant 0 : i32
        %dma_wait3A_218 = tpu.memref_slice %arg5[%add3A_177, %dma_wait3A_216, %dma_wait3A_217] : memref<4096x50x128xf32, #tpu.memory_space<hbm>> -> memref<1x50x128xf32, #tpu.memory_space<hbm>>
        %dma_wait3A_219 = tpu.memref_squeeze %dma_wait3A_218 : memref<1x50x128xf32, #tpu.memory_space<hbm>> -> memref<50x128xf32, #tpu.memory_space<hbm>>
        %dma_wait3A_220 = arith.constant 0 : i32
        %dma_wait3A_221 = arith.constant 0 : i32
        %dma_wait3A_222 = tpu.memref_slice %arg8[%run_scoped3A_178, %dma_wait3A_220, %dma_wait3A_221] : memref<4x50x128xf32, #tpu.memory_space<vmem>> -> memref<1x50x128xf32, #tpu.memory_space<vmem>>
        %dma_wait3A_223 = tpu.memref_squeeze %dma_wait3A_222 : memref<1x50x128xf32, #tpu.memory_space<vmem>> -> memref<50x128xf32, #tpu.memory_space<vmem>>
        tpu.wait_dma2 semaphore(%run_scoped3A_191 : memref<!tpu.dma_semaphore, #tpu.memory_space<semaphore_mem>>) src(%dma_wait3A_223 : memref<50x128xf32, #tpu.memory_space<vmem>>) dst(%dma_wait3A_219 : memref<50x128xf32, #tpu.memory_space<hbm>>)
        tpu.yield
      }) : () -> ()
      %mul3A_179 = arith.constant 4 : i32
      %mul3A_180 = arith.muli %add3A_166, %mul3A_179 : i32
      %add3A_181 = arith.addi %mul3A_4, %mul3A_180 : i32
      %add3A_182 = arith.constant 2 : i32
      %add3A_183 = arith.addi %add3A_181, %add3A_182 : i32
      %run_scoped3A_184 = arith.constant 2 : i32
      "tpu.region"() ({
        %run_scoped3A_191 = tpu.sem_alloc : memref<!tpu.dma_semaphore, #tpu.memory_space<semaphore_mem>>
        %dma_start3A_192 = arith.constant 0 : i32
        %dma_start3A_193 = arith.constant 0 : i32
        %dma_start3A_194 = tpu.memref_slice %arg8[%run_scoped3A_184, %dma_start3A_192, %dma_start3A_193] : memref<4x50x128xf32, #tpu.memory_space<vmem>> -> memref<1x50x128xf32, #tpu.memory_space<vmem>>
        %dma_start3A_195 = tpu.memref_squeeze %dma_start3A_194 : memref<1x50x128xf32, #tpu.memory_space<vmem>> -> memref<50x128xf32, #tpu.memory_space<vmem>>
        %dma_start3A_196 = arith.constant 0 : i32
        %dma_start3A_197 = arith.constant 0 : i32
        %dma_start3A_198 = tpu.memref_slice %arg5[%add3A_183, %dma_start3A_196, %dma_start3A_197] : memref<4096x50x128xf32, #tpu.memory_space<hbm>> -> memref<1x50x128xf32, #tpu.memory_space<hbm>>
        %dma_start3A_199 = tpu.memref_squeeze %dma_start3A_198 : memref<1x50x128xf32, #tpu.memory_space<hbm>> -> memref<50x128xf32, #tpu.memory_space<hbm>>
        %dma_start3A_200 = arith.constant 0 : i32
        %dma_start3A_201 = arith.constant 0 : i32
        %dma_start3A_202 = tpu.memref_slice %arg5[%add3A_183, %dma_start3A_200, %dma_start3A_201] : memref<4096x50x128xf32, #tpu.memory_space<hbm>> -> memref<1x50x128xf32, #tpu.memory_space<hbm>>
        %dma_start3A_203 = tpu.memref_squeeze %dma_start3A_202 : memref<1x50x128xf32, #tpu.memory_space<hbm>> -> memref<50x128xf32, #tpu.memory_space<hbm>>
        %dma_start3A_204 = arith.constant 0 : i32
        %dma_start3A_205 = arith.constant 0 : i32
        %dma_start3A_206 = tpu.memref_slice %arg8[%run_scoped3A_184, %dma_start3A_204, %dma_start3A_205] : memref<4x50x128xf32, #tpu.memory_space<vmem>> -> memref<1x50x128xf32, #tpu.memory_space<vmem>>
        %dma_start3A_207 = tpu.memref_squeeze %dma_start3A_206 : memref<1x50x128xf32, #tpu.memory_space<vmem>> -> memref<50x128xf32, #tpu.memory_space<vmem>>
        tpu.enqueue_dma source(%dma_start3A_207 : memref<50x128xf32, #tpu.memory_space<vmem>>) target(%dma_start3A_203 : memref<50x128xf32, #tpu.memory_space<hbm>>) target_semaphore(%run_scoped3A_191 : memref<!tpu.dma_semaphore, #tpu.memory_space<semaphore_mem>>)
        %dma_wait3A_208 = arith.constant 0 : i32
        %dma_wait3A_209 = arith.constant 0 : i32
        %dma_wait3A_210 = tpu.memref_slice %arg8[%run_scoped3A_184, %dma_wait3A_208, %dma_wait3A_209] : memref<4x50x128xf32, #tpu.memory_space<vmem>> -> memref<1x50x128xf32, #tpu.memory_space<vmem>>
        %dma_wait3A_211 = tpu.memref_squeeze %dma_wait3A_210 : memref<1x50x128xf32, #tpu.memory_space<vmem>> -> memref<50x128xf32, #tpu.memory_space<vmem>>
        %dma_wait3A_212 = arith.constant 0 : i32
        %dma_wait3A_213 = arith.constant 0 : i32
        %dma_wait3A_214 = tpu.memref_slice %arg5[%add3A_183, %dma_wait3A_212, %dma_wait3A_213] : memref<4096x50x128xf32, #tpu.memory_space<hbm>> -> memref<1x50x128xf32, #tpu.memory_space<hbm>>
        %dma_wait3A_215 = tpu.memref_squeeze %dma_wait3A_214 : memref<1x50x128xf32, #tpu.memory_space<hbm>> -> memref<50x128xf32, #tpu.memory_space<hbm>>
        %dma_wait3A_216 = arith.constant 0 : i32
        %dma_wait3A_217 = arith.constant 0 : i32
        %dma_wait3A_218 = tpu.memref_slice %arg5[%add3A_183, %dma_wait3A_216, %dma_wait3A_217] : memref<4096x50x128xf32, #tpu.memory_space<hbm>> -> memref<1x50x128xf32, #tpu.memory_space<hbm>>
        %dma_wait3A_219 = tpu.memref_squeeze %dma_wait3A_218 : memref<1x50x128xf32, #tpu.memory_space<hbm>> -> memref<50x128xf32, #tpu.memory_space<hbm>>
        %dma_wait3A_220 = arith.constant 0 : i32
        %dma_wait3A_221 = arith.constant 0 : i32
        %dma_wait3A_222 = tpu.memref_slice %arg8[%run_scoped3A_184, %dma_wait3A_220, %dma_wait3A_221] : memref<4x50x128xf32, #tpu.memory_space<vmem>> -> memref<1x50x128xf32, #tpu.memory_space<vmem>>
        %dma_wait3A_223 = tpu.memref_squeeze %dma_wait3A_222 : memref<1x50x128xf32, #tpu.memory_space<vmem>> -> memref<50x128xf32, #tpu.memory_space<vmem>>
        tpu.wait_dma2 semaphore(%run_scoped3A_191 : memref<!tpu.dma_semaphore, #tpu.memory_space<semaphore_mem>>) src(%dma_wait3A_223 : memref<50x128xf32, #tpu.memory_space<vmem>>) dst(%dma_wait3A_219 : memref<50x128xf32, #tpu.memory_space<hbm>>)
        tpu.yield
      }) : () -> ()
      %mul3A_185 = arith.constant 4 : i32
      %mul3A_186 = arith.muli %add3A_166, %mul3A_185 : i32
      %add3A_187 = arith.addi %mul3A_4, %mul3A_186 : i32
      %add3A_188 = arith.constant 3 : i32
      %add3A_189 = arith.addi %add3A_187, %add3A_188 : i32
      %run_scoped3A_190 = arith.constant 3 : i32
      "tpu.region"() ({
        %run_scoped3A_191 = tpu.sem_alloc : memref<!tpu.dma_semaphore, #tpu.memory_space<semaphore_mem>>
        %dma_start3A_192 = arith.constant 0 : i32
        %dma_start3A_193 = arith.constant 0 : i32
        %dma_start3A_194 = tpu.memref_slice %arg8[%run_scoped3A_190, %dma_start3A_192, %dma_start3A_193] : memref<4x50x128xf32, #tpu.memory_space<vmem>> -> memref<1x50x128xf32, #tpu.memory_space<vmem>>
        %dma_start3A_195 = tpu.memref_squeeze %dma_start3A_194 : memref<1x50x128xf32, #tpu.memory_space<vmem>> -> memref<50x128xf32, #tpu.memory_space<vmem>>
        %dma_start3A_196 = arith.constant 0 : i32
        %dma_start3A_197 = arith.constant 0 : i32
        %dma_start3A_198 = tpu.memref_slice %arg5[%add3A_189, %dma_start3A_196, %dma_start3A_197] : memref<4096x50x128xf32, #tpu.memory_space<hbm>> -> memref<1x50x128xf32, #tpu.memory_space<hbm>>
        %dma_start3A_199 = tpu.memref_squeeze %dma_start3A_198 : memref<1x50x128xf32, #tpu.memory_space<hbm>> -> memref<50x128xf32, #tpu.memory_space<hbm>>
        %dma_start3A_200 = arith.constant 0 : i32
        %dma_start3A_201 = arith.constant 0 : i32
        %dma_start3A_202 = tpu.memref_slice %arg5[%add3A_189, %dma_start3A_200, %dma_start3A_201] : memref<4096x50x128xf32, #tpu.memory_space<hbm>> -> memref<1x50x128xf32, #tpu.memory_space<hbm>>
        %dma_start3A_203 = tpu.memref_squeeze %dma_start3A_202 : memref<1x50x128xf32, #tpu.memory_space<hbm>> -> memref<50x128xf32, #tpu.memory_space<hbm>>
        %dma_start3A_204 = arith.constant 0 : i32
        %dma_start3A_205 = arith.constant 0 : i32
        %dma_start3A_206 = tpu.memref_slice %arg8[%run_scoped3A_190, %dma_start3A_204, %dma_start3A_205] : memref<4x50x128xf32, #tpu.memory_space<vmem>> -> memref<1x50x128xf32, #tpu.memory_space<vmem>>
        %dma_start3A_207 = tpu.memref_squeeze %dma_start3A_206 : memref<1x50x128xf32, #tpu.memory_space<vmem>> -> memref<50x128xf32, #tpu.memory_space<vmem>>
        tpu.enqueue_dma source(%dma_start3A_207 : memref<50x128xf32, #tpu.memory_space<vmem>>) target(%dma_start3A_203 : memref<50x128xf32, #tpu.memory_space<hbm>>) target_semaphore(%run_scoped3A_191 : memref<!tpu.dma_semaphore, #tpu.memory_space<semaphore_mem>>)
        %dma_wait3A_208 = arith.constant 0 : i32
        %dma_wait3A_209 = arith.constant 0 : i32
        %dma_wait3A_210 = tpu.memref_slice %arg8[%run_scoped3A_190, %dma_wait3A_208, %dma_wait3A_209] : memref<4x50x128xf32, #tpu.memory_space<vmem>> -> memref<1x50x128xf32, #tpu.memory_space<vmem>>
        %dma_wait3A_211 = tpu.memref_squeeze %dma_wait3A_210 : memref<1x50x128xf32, #tpu.memory_space<vmem>> -> memref<50x128xf32, #tpu.memory_space<vmem>>
        %dma_wait3A_212 = arith.constant 0 : i32
        %dma_wait3A_213 = arith.constant 0 : i32
        %dma_wait3A_214 = tpu.memref_slice %arg5[%add3A_189, %dma_wait3A_212, %dma_wait3A_213] : memref<4096x50x128xf32, #tpu.memory_space<hbm>> -> memref<1x50x128xf32, #tpu.memory_space<hbm>>
        %dma_wait3A_215 = tpu.memref_squeeze %dma_wait3A_214 : memref<1x50x128xf32, #tpu.memory_space<hbm>> -> memref<50x128xf32, #tpu.memory_space<hbm>>
        %dma_wait3A_216 = arith.constant 0 : i32
        %dma_wait3A_217 = arith.constant 0 : i32
        %dma_wait3A_218 = tpu.memref_slice %arg5[%add3A_189, %dma_wait3A_216, %dma_wait3A_217] : memref<4096x50x128xf32, #tpu.memory_space<hbm>> -> memref<1x50x128xf32, #tpu.memory_space<hbm>>
        %dma_wait3A_219 = tpu.memref_squeeze %dma_wait3A_218 : memref<1x50x128xf32, #tpu.memory_space<hbm>> -> memref<50x128xf32, #tpu.memory_space<hbm>>
        %dma_wait3A_220 = arith.constant 0 : i32
        %dma_wait3A_221 = arith.constant 0 : i32
        %dma_wait3A_222 = tpu.memref_slice %arg8[%run_scoped3A_190, %dma_wait3A_220, %dma_wait3A_221] : memref<4x50x128xf32, #tpu.memory_space<vmem>> -> memref<1x50x128xf32, #tpu.memory_space<vmem>>
        %dma_wait3A_223 = tpu.memref_squeeze %dma_wait3A_222 : memref<1x50x128xf32, #tpu.memory_space<vmem>> -> memref<50x128xf32, #tpu.memory_space<vmem>>
        tpu.wait_dma2 semaphore(%run_scoped3A_191 : memref<!tpu.dma_semaphore, #tpu.memory_space<semaphore_mem>>) src(%dma_wait3A_223 : memref<50x128xf32, #tpu.memory_space<vmem>>) dst(%dma_wait3A_219 : memref<50x128xf32, #tpu.memory_space<hbm>>)
        tpu.yield
      }) : () -> ()
    }
    %scan3A_56 = arith.constant 16 : i32
    return
  }
}

</mosaic_0001>

<sc_bundles>
// kernel: kernel.3.cloned.1.call-start
scs
__scs_entry_jumppad:
0x0: {  	(pc) =	sbr.rel $0x88, $3  }
0x1: {  	(tag) =	ssettag $0x0;
	lr =	simm.s32 $0x1  }
0x2: {  	[smem:$0x3F9F] =	sst lr;
	_ =	strace $0xD0000000  }
0x3: {  	_ = 	snop  }
0x4: {  	_ = 	snop  }
0x5: {  	_ = 	snop  }
0x6: {  	_ = 	snop  }
0x7: {  	_ = 	snop  }
__scs_overlays_trampoline_lowered:
0x8: {  	[smem:$0x3FAE] =	sst s0  }
0x9: {  	[smem:$0x3FAF] =	sst s1  }
0xa: {  	[smem:$0x3FB0] =	sst s2  }
0xb: {  	[smem:$0x3FB1] =	sst s3  }
0xc: {  	[smem:$0x3FB2] =	sst s4  }
0xd: {  	[smem:$0x3FB3] =	sst s5  }
0xe: {  	[smem:$0x3FB4] =	sst s6  }
0xf: {  	[smem:$0x3FB5] =	sst s7  }
0x10: {  	[smem:$0x3FB6] =	sst s8  }
0x11: {  	[smem:$0x3FB7] =	sst s9;
	s0 =	simm.s32 @!p0 $0x0  }
0x12: {  	s1 =	sld [smem:$0x3F9D];
	s0 =	simm.s32 @p0 $0x1  }
0x13: {  	[smem:$0x3FB8] =	sst s0;
	s0 =	simm.s32 @!p1 $0x0  }
0x14: {  	s2 =	sld [smem:$0x3F9C];
	s0 =	simm.s32 @p1 $0x1  }
0x15: {  	[smem:$0x3FB9] =	sst s0;
	s0 =	simm.s32 @!p2 $0x0  }
0x16: {  	s3 =	sld [smem:$0x3FDB];
	s0 =	simm.s32 @p2 $0x1  }
0x17: {  	s4 =	simm.s32 $0x1BF5;
	[smem:$0x3FBB] =	sst s0  }
0x18: {  	s0 =	sld [smem:$0x3F9E];
	_ =	swait.ge [sflag:s4], $0x0  }
0x19: {  	s7 =	sld [smem:$0x3F9F]  }
0x1a: {  	s8 =	sadd.s32 $0xFFFFE003, lr  }
0x1b: {  	s9 =	sadd.s32 $0xFFFFFEF7, lr;
	s5 =	simm.s32 $0xFFFFFFFF;
	p2 =	slt.u32 s8, $0xFFFFF086  }
0x1c: {  	p1 =	slt.u32 s9, $0xF7A;
	s5 =	simm.s32 @!p2 $0x0  }
0x1d: {  	s5 =	simm.s32 @p1 $0x1;
	p0 =	seq.s32 s7, s2  }
0x1e: {  	s7 =	smul.u32 @!p0 $0xF7A, s2;
	p2 =	seq.s32 @!p0 s5, $0x0  }
0x1f: {  	s9 =	smul.u32 $0xF7A, s1;
	s8 =	simm.s32 @!p0 $0x1BF5;
	p2 =	por !p2, p0  }
0x20: {  	[sflag:s8] =	ssyncset.s32 @!p0 $0xFFFFF086;
	s6 =	sadd.s32 @!p0 s3, s7;
	s7 =	simm.s32 @!p0 $0x108  }
0x21: {  	s3 =	sadd.s32 s3, s9;
	s6 =	sadd.s32 @!p0 $0x88, s6;
	s7 =	simm.s32 @p2 $0x1082  }
0x22: {  	[simem:s7], [sflag:s8] =	dma.local @!p0 [hbm:s6], $0xF7A  }
0x23: {  	s9 =	sor.u32 $0xD0000000, s2;
	s6 =	simm.s32 $0x108;
	_ =	swait.ge @!p0 [sflag:s8], $0x0  }
0x24: {  	s3 =	sadd.s32 $0x88, s3;
	s6 =	simm.s32 @!p1 $0x1082;
	[sflag:s4] =	ssyncset.s32 $0xFFFFF086  }
0x25: {  	[simem:s6], [sflag:s4] =	dma.local [hbm:s3], $0xF7A  }
0x26: {  	[smem:$0x3F9F] =	sst s1;
	(tag) =	ssettag s2;
	_ =	strace s9  }
0x27: {  	s1 =	sld [smem:$0x3FAF]  }
0x28: {  	s2 =	sld [smem:$0x3FB0]  }
0x29: {  	s4 =	sld [smem:$0x3FB2]  }
0x2a: {  	p0 =	seq.s32 s5, $0x0;
	s5 =	sld [smem:$0x3FB3]  }
0x2b: {  	s6 =	sld [smem:$0x3FB4]  }
0x2c: {  	s7 =	sld [smem:$0x3FB5]  }
0x2d: {  	s3 =	simm.s32 $0x108;
	s8 =	sld [smem:$0x3FB6]  }
0x2e: {  	s3 =	simm.s32 @!p0 $0x1082;
	s9 =	sld [smem:$0x3FB7]  }
0x2f: {  	lr =	sadd.s32 s0, s3;
	s0 =	sld [smem:$0x3FAE]  }
0x30: {  	s3 =	sld [smem:$0x3FB1]  }
0x31: {  	[smem:$0x3FBA] =	sst s10  }
0x32: {  	s10 =	sld [smem:$0x3FB8];
	_ =	sdelay $0x3  }
0x33: {  	p0 =	seq.s32 s10, $0x1;
	s10 =	sld [smem:$0x3FBA];
	_ =	sdelay $0x3  }
0x34: {  	[smem:$0x3FBA] =	sst s10  }
0x35: {  	s10 =	sld [smem:$0x3FB9];
	_ =	sdelay $0x3  }
0x36: {  	p1 =	seq.s32 s10, $0x1;
	s10 =	sld [smem:$0x3FBA];
	_ =	sdelay $0x3  }
0x37: {  	[smem:$0x3FBA] =	sst s10  }
0x38: {  	s10 =	sld [smem:$0x3FBB]  }
0x39: {  	_ = 	snop;
	(pc) =	sbr.ind lr, $3  }
0x3a: {  	_ = 	snop  }
0x3b: {  	_ = 	snop  }
0x3c: {  	p2 =	seq.s32 s10, $0x1;
	s10 =	sld [smem:$0x3FBA]  }
0x3d: {  	_ =	shalt  }
0x3e: {  	_ =	shalt  }
0x3f: {  	_ =	shalt  }
0x40: {  	_ =	shalt  }
0x41: {  	_ =	shalt  }
0x42: {  	_ =	shalt  }
0x43: {  	_ =	shalt  }
0x44: {  	_ =	shalt  }
0x45: {  	_ =	shalt  }
0x46: {  	_ =	shalt  }
0x47: {  	_ =	shalt  }
0x48: {  	_ =	shalt  }
0x49: {  	_ =	shalt  }
0x4a: {  	_ =	shalt  }
0x4b: {  	_ =	shalt  }
0x4c: {  	_ =	shalt  }
0x4d: {  	_ =	shalt  }
0x4e: {  	_ =	shalt  }
0x4f: {  	_ =	shalt  }
0x50: {  	_ =	shalt  }
0x51: {  	_ =	shalt  }
0x52: {  	_ =	shalt  }
0x53: {  	_ =	shalt  }
0x54: {  	_ =	shalt  }
0x55: {  	_ =	shalt  }
0x56: {  	_ =	shalt  }
0x57: {  	_ =	shalt  }
0x58: {  	_ =	shalt  }
0x59: {  	_ =	shalt  }
0x5a: {  	_ =	shalt  }
0x5b: {  	_ =	shalt  }
0x5c: {  	_ =	shalt  }
0x5d: {  	_ =	shalt  }
0x5e: {  	_ =	shalt  }
0x5f: {  	_ =	shalt  }
0x60: {  	_ =	shalt  }
0x61: {  	_ =	shalt  }
0x62: {  	_ =	shalt  }
0x63: {  	_ =	shalt  }
0x64: {  	_ =	shalt  }
0x65: {  	_ =	shalt  }
0x66: {  	_ =	shalt  }
0x67: {  	_ =	shalt  }
0x68: {  	_ =	shalt  }
0x69: {  	_ =	shalt  }
0x6a: {  	_ =	shalt  }
0x6b: {  	_ =	shalt  }
0x6c: {  	_ =	shalt  }
0x6d: {  	_ =	shalt  }
0x6e: {  	_ =	shalt  }
0x6f: {  	_ =	shalt  }
0x70: {  	_ =	shalt  }
0x71: {  	_ =	shalt  }
0x72: {  	_ =	shalt  }
0x73: {  	_ =	shalt  }
0x74: {  	_ =	shalt  }
0x75: {  	_ =	shalt  }
0x76: {  	_ =	shalt  }
0x77: {  	_ =	shalt  }
0x78: {  	_ =	shalt  }
0x79: {  	_ =	shalt  }
0x7a: {  	_ =	shalt  }
0x7b: {  	_ =	shalt  }
0x7c: {  	_ =	shalt  }
0x7d: {  	_ =	shalt  }
0x7e: {  	_ =	shalt  }
0x7f: {  	_ =	shalt  }
0x80: {  	_ =	shalt  }
0x81: {  	_ =	shalt  }
0x82: {  	_ =	shalt  }
0x83: {  	_ =	shalt  }
0x84: {  	_ =	shalt  }
0x85: {  	_ =	shalt  }
0x86: {  	_ =	shalt  }
0x87: {  	_ =	shalt  }
.Lfunc_end0:
.L_simem_size_0:
called_computation_lowered:
.L_overlay_start_0:
0x88: {  	s2 =	sld [smem:$0x3FD9]  }
0x89: {  	s3 =	sld [smem:$0x3FFE];
	_ =	sdelay $0x1  }
0x8a: {  	s1 =	srdreg.scid  }
0x8b: {  	s0 =	sand.u32 $0x1, s1  }
0x8c: {  	s17 =	sshll.u32 s0, $0xA;
	s2 =	sadd.s32 s3, s2  }
0x8d: {  	s2 =	sadd.s32 s2, s17  }
0x8e: {  	[smem:$0x3FC6] =	sst s2  }
0x8f: {  	_ = 	snop  }
0x90: {  	s2 =	sld [smem:$0x3FC8]  }
0x91: {  	s18 =	sld [smem:$0x3FD0];
	(tm) =	ssettm $0x1  }
0x92: {  	s4 =	sld [smem:$0x3FFB];
	_ =	sdelay $0x3  }
0x93: {  	_ =	strace s4  }
0x94: {  	s4 =	sld [smem:$0x3FFC];
	_ =	sdelay $0x3  }
0x95: {  	_ =	strace s4  }
0x96: {  	s4 =	sld [smem:$0x3FFD];
	_ =	sdelay $0x3  }
0x97: {  	_ =	strace s4  }
0x98: {  	_ =	strace $0x8FFFFFFF  }
0x99: {  	s19 =	sld [smem:$0x3FDB];
	_ =	sdelay $0x1  }
0x9a: {  	s5 =	simm.s32 $_scs_section_size  }
0x9b: {  	s6 =	simm.s32 $_size__tile_overlayer_lowered;
	s7 =	simm.s32 $_tile_overlayer_lowered  }
0x9c: {  	s22 =	simm.s32 $0x1BFF;
	s21 =	sshll.u32 s7, $0x1;
	s4 =	sadd.s32 s5, s19  }
0x9d: {  	s8 =	simm.s32 $0x0;
	s20 =	sshll.u32 s6, $0x1;
	s6 =	sadd.s32 s21, s4  }
0x9e: {  	[timem:s8], [sflag:s22] =	dma.local [hbm:s6], s20  }
0x9f: {  	_ =	swait.ge [sflag:s22], s20  }
0xa0: {  	s5 =	ssub.s32 $0x0, s20;
	[sflag:s22] =	ssyncset.done $0x0  }
0xa1: {  	[sflag:s22] =	ssyncadd.s32 s5;
	_ =	sdelay $0x1  }
0xa2: {  	s23 =	simm.s32 $0x1B8B  }
0xa3: {  	_ =	swait.ge [sflag:s23], $0x1  }
0xa4: {  	[sflag:s23] =	ssyncset.done $0x0  }
0xa5: {  	s25 =	simm.s32 $0x1B8E;
	s24 =	sld [smem:$0x3FFE];
	[sflag:s23] =	ssyncadd.s32 $0xFFFFFFFF  }
0xa6: {  	s26 =	simm.s32 $execute0_lowered;
	[smem:$0x3FD2] =	sst s25  }
0xa7: {  	s6 =	sshll.u32 s26, $0x1;
	_ =	strace $0x80000046;
	[dreg:$0x1] =	wrdreg $0xFFFFFFFF  }
0xa8: {  	s28 =	simm.s32 $_size_execute0_lowered;
	s4 =	sadd.s32 s4, s6;
	[dreg:$0x0] =	wrdreg $0x0  }
0xa9: {  	s6 =	sshll.u32 s28, $0x1;
	[dreg:$0x2] =	wrdreg s4  }
0xaa: {  	[dreg:$0x3] =	wrdreg s6  }
0xab: {  	[dreg:$0x4] =	wrdreg $0xC0  }
0xac: {  	_ =	task [dreg:s8], $0x5FFFF  }
0xad: {  	[dreg:$0x1] =	wrdreg $0xFFFFFFFF  }
0xae: {  	[dreg:$0x0] =	wrdreg $0x60  }
0xaf: {  	[dreg:$0x2] =	wrdreg s18  }
0xb0: {  	[dreg:$0x3] =	wrdreg s2  }
0xb1: {  	[dreg:$0x4] =	wrdreg s24  }
0xb2: {  	[dreg:$0x5] =	wrdreg $0x9  }
0xb3: {  	_ =	task.clear_ibuf [dreg:s8], $0x6FFFF;
	_ =	strace $0x90000046  }
0xb4: {  	s29 =	simm.s32 $0x9;
	_ =	strace $0x80000048  }
0xb5: {  	_ =	swait.ge [sflag:s29], $0x1  }
0xb6: {  	[sflag:s29] =	ssyncadd.s32 $0xFFFFFFFF  }
0xb7: {  	_ =	strace $0x90000048  }
0xb8: {  	_ =	sfence  }
0xb9: {  	s30 =	sld [smem:$0x0];
	_ =	sdelay $0x2  }
0xba: {  	s31 =	sshll.u32 s1, $0xD;
	s1 =	sshrl.u32 s1, $0x2  }
0xbb: {  	s3 =	sand.u32 $0x4000, s31;
	s1 =	sadd.s32 s1, s30  }
0xbc: {  	s0 =	sor.u32 s3, s0;
	s1 =	sshll.u32 s1, $0x11  }
0xbd: {  	s0 =	sor.u32 s1, s0  }
0xbe: {  	s0 =	sadd.s32 $0x8F2B, s0  }
0xbf: {  	[sflag:s0] =	ssyncadd.remote.s32 $0x1  }
0xc0: {  	_ =	sfence.sel $0xFFFF  }
0xc1: {  	[dreg:$0x0] =	wrdreg $0xFFFFFFFF;
	(pc) =	sbr.abs _section_cstart, $3  }
0xc2: {  	[dreg:$0x1] =	wrdreg $0xFFFFFFFF  }
0xc3: {  	_ =	task.clear_ibuf [dreg:s8], $0x2FFFF;
	_ =	strace $0x9FFFFFFF  }
0xc4: {  	(tm) =	ssettm $0x7FFFFFFF  }
0xc5: {  	_ =	shalt  }
tec
execute0_lowered:
.L_overlay_start_1:
0x0: {  	(tag) =	ssettag $0x1  }
0x1: {  	s0 =	rddreg [dreg:$0x0]  }
0x2: {  	s1 =	rddreg [dreg:$0x1]  }
0x3: {  	s2 =	rddreg [dreg:$0x2];
	s3 =	simm.s32 $0x0  }
0x4: {  	s4 =	srdreg.scid;
	s6 =	stileid.u32;
	s11 =	simm.s32 $0x3  }
0x5: {  	s12 =	simm.s32 $0x32;
	s13 =	simm.s32 $0x4000;
	s14 =	simm.s32 $0x80  }
0x6: {  	s15 =	simm.s32 $0x5C00;
	s16 =	simm.s32 $0x100;
	s17 =	simm.s32 $0x7800  }
0x7: {  	s18 =	simm.s32 $0x180;
	s19 =	simm.s32 $0x9400;
	s20 =	simm.s32 $0xB000  }
0x8: {  	s21 =	simm.s32 $0xCC00;
	s22 =	simm.s32 $0xE800;
	s23 =	simm.s32 $0x10400  }
0x9: {  	s24 =	simm.s32 $0x1;
	s25 =	simm.s32 $0x2;
	s26 =	simm.s32 $0x0  }
0xa: {  	[smem:$0x7FF] =	sst s3;
	s5 =	sand.u32 $0x1, s4;
	s6 =	sshll.u32 s6, $0x8  }
0xb: {  	s4 =	sadd.s32 $0x400, s2;
	s7 =	sshll.u32 s5, $0x7;
	s8 =	ssub.s32 $0x2, s5  }
0xc: {  	_ =	strace $0x80000047;
	s5 =	sor.u32 s7, s6;
	s31 =	sshrl.u32 s8, $0x1  }
0xd: {  	s6 =	sadd.s32 $0x600, s2;
	s9 =	sshll.u32 s5, $0x4;
	s10 =	ssub.s32 s8, s31  }
0xe: {  	s8 =	sadd.s32 $0x980, s2;
	s7 =	sadd.s32 s0, s9;
	s9 =	smax.u32 s10, $0x1  }
.LBB2_1:
0xf: {  	s0 =	simm.s32 $0x12000  }
0x10: {  	[tilespmem:s0], [sflag:$0x3] =	stream.linear.gather [hbm4b:s4+s3], $0x1, $0x38;
	[tilespmem:$0x12080] =	vst v63  }
0x11: {  	_ =	swait.ge [sflag:s11], $0x1  }
0x12: {  	[sflag:s11] =	ssyncset.done $0x0  }
0x13: {  	[sflag:s11] =	ssyncadd.s32 $0xFFFFFFFF  }
0x14: {  	v0 =	vld.msk [tilespmem:$0x12000 ss:$0x0], $0xffff;
	[tilespmem:s3], [sflag:$0x3] =	stream.linear.gather [hbm4b:s7+s3], $0x4000, $0x38  }
0x15: {  	_ =	swait.ge [sflag:s11], $0x4000  }
0x16: {  	[sflag:s11] =	ssyncset.done $0x0  }
0x17: {  	[sflag:s11] =	ssyncadd.s32 $0xFFFFC000  }
0x18: {  	[tilespmem:s13], [sflag:$0x1] =	stream.indirect.gather [hbm4b:s1+s12], $0x80, s3, s12, $0xb8;
	[tilespmem:$0x12080] =	vst v63  }
0x19: {  	_ = 	snop  }
0x1a: {  	[tilespmem:s15], [sflag:$0x1] =	stream.indirect.gather [hbm4b:s1+s12], $0x80, s14, s12, $0xb8;
	[tilespmem:$0x12080] =	vst v63  }
0x1b: {  	_ = 	snop  }
0x1c: {  	[tilespmem:s17], [sflag:$0x1] =	stream.indirect.gather [hbm4b:s1+s12], $0x80, s16, s12, $0xb8;
	[tilespmem:$0x12080] =	vst v63  }
0x1d: {  	s28 =	simm.s32 $0x0  }
0x1e: {  	[tilespmem:s19], [sflag:$0x1] =	stream.indirect.gather [hbm4b:s1+s12], $0x80, s18, s12, $0xb8;
	[tilespmem:$0x12080] =	vst v63  }
.LBB2_2:
0x1f: {  	s31 =	sshll.u32 s28, $0x3  }
0x20: {  	s29 =	sor.u32 $0x4, s31  }
0x21: {  	s10 =	sshll.u32 s28, $0xA;
	s0 =	sshll.u32 s29, $0x7  }
0x22: {  	s30 =	sand.u32 $0x3FFFFC00, s10;
	s0 =	sand.u32 $0x3FFFFE00, s0  }
0x23: {  	[tilespmem:s20], [sflag:$0x2] =	stream.indirect.gather [hbm4b:s1+s12], $0x80, s0, s12, $0xb8;
	[tilespmem:$0x12080] =	vst v63  }
0x24: {  	s0 =	sor.u32 $0x280, s30  }
0x25: {  	[tilespmem:s21], [sflag:$0x2] =	stream.indirect.gather [hbm4b:s1+s12], $0x80, s0, s12, $0xb8;
	[tilespmem:$0x12080] =	vst v63  }
0x26: {  	s2 =	sor.u32 $0x300, s30  }
0x27: {  	[tilespmem:s22], [sflag:$0x2] =	stream.indirect.gather [hbm4b:s1+s12], $0x80, s2, s12, $0xb8;
	[tilespmem:$0x12080] =	vst v63  }
0x28: {  	s10 =	sor.u32 $0x380, s30  }
0x29: {  	[tilespmem:s23], [sflag:$0x2] =	stream.indirect.gather [hbm4b:s1+s12], $0x80, s10, s12, $0xb8;
	[tilespmem:$0x12080] =	vst v63  }
0x2a: {  	_ =	swait.ge [sflag:s24], $0x6400  }
0x2b: {  	[sflag:s24] =	ssyncset.done $0x0  }
0x2c: {  	s0 =	simm.s32 $0x4000;
	[sflag:s24] =	ssyncadd.s32 $0xFFFF9C00  }
0x2d: {  	v1 =	vld [tilespmem:s0+$0x10]  }
0x2e: {  	v2 =	vld [tilespmem:s0+$0x20]  }
0x2f: {  	v3 =	vld [tilespmem:s0+$0x30]  }
0x30: {  	v4 =	vld [tilespmem:s0+$0x40]  }
0x31: {  	v5 =	vld [tilespmem:s0+$0x50]  }
0x32: {  	v6 =	vld [tilespmem:s0+$0x60];
	v1 =	vmul.f32 v1, v0  }
0x33: {  	v7 =	vld [tilespmem:s0+$0x70];
	v2 =	vmul.f32 v2, v0  }
0x34: {  	v9 =	vld [tilespmem:s0+$0x90];
	v3 =	vmul.f32 v3, v0;
	[tilespmem:s0+$0x10] =	vst v1  }
0x35: {  	v10 =	vld [tilespmem:s0+$0xA0];
	v4 =	vmul.f32 v4, v0;
	[tilespmem:s0+$0x20] =	vst v2  }
0x36: {  	v11 =	vld [tilespmem:s0+$0xB0];
	v5 =	vmul.f32 v5, v0;
	[tilespmem:s0+$0x30] =	vst v3  }
0x37: {  	v12 =	vld [tilespmem:s0+$0xC0];
	v6 =	vmul.f32 v6, v0;
	[tilespmem:s0+$0x40] =	vst v4  }
0x38: {  	v13 =	vld [tilespmem:s0+$0xD0];
	v7 =	vmul.f32 v7, v0;
	[tilespmem:s0+$0x50] =	vst v5  }
0x39: {  	v8 =	vld [tilespmem:s0+$0x54F0];
	v9 =	vmul.f32 v9, v0;
	[tilespmem:s0+$0x60] =	vst v6  }
0x3a: {  	v49 =	vld [tilespmem:s0+$0x1C70];
	v10 =	vmul.f32 v10, v0;
	[tilespmem:s0+$0x70] =	vst v7  }
0x3b: {  	v50 =	vld [tilespmem:s0+$0x3800];
	v11 =	vmul.f32 v11, v0;
	[tilespmem:s0+$0x90] =	vst v9  }
0x3c: {  	v51 =	vld [tilespmem:s0+$0x3810];
	v12 =	vmul.f32 v12, v0;
	[tilespmem:s0+$0xA0] =	vst v10  }
0x3d: {  	v52 =	vld [tilespmem:s0+$0x3820];
	v13 =	vmul.f32 v13, v0;
	[tilespmem:s0+$0xB0] =	vst v11  }
0x3e: {  	v53 =	vld [tilespmem:s0+$0x3830];
	v5 =	vmul.f32 v8, v0;
	[tilespmem:s0+$0xC0] =	vst v12  }
0x3f: {  	v54 =	vld [tilespmem:s0+$0x1CE0];
	[tilespmem:s0+$0xD0] =	vst v13;
	v9 =	vmul.f32 v49, v0  }
0x40: {  	v55 =	vld [tilespmem:s0+$0x1CF0];
	v10 =	vmul.f32 v50, v0;
	[tilespmem:s0+$0x54F0] =	vst v5  }
0x41: {  	v56 =	vld [tilespmem:s0+$0x3880];
	v11 =	vmul.f32 v51, v0;
	[tilespmem:s0+$0x1C70] =	vst v9  }
0x42: {  	v57 =	vld [tilespmem:s0+$0x3890];
	v12 =	vmul.f32 v52, v0;
	[tilespmem:s0+$0x3800] =	vst v10  }
0x43: {  	v58 =	vld [tilespmem:s0+$0x38A0];
	v13 =	vmul.f32 v53, v0;
	[tilespmem:s0+$0x3810] =	vst v11  }
0x44: {  	v6 =	vld [tilespmem:s0+$0x80];
	[tilespmem:s0+$0x3820] =	vst v12;
	v9 =	vmul.f32 v54, v0  }
0x45: {  	v1 =	vld [tilespmem:s0+$0x1C00];
	[tilespmem:s0+$0x3830] =	vst v13;
	v10 =	vmul.f32 v55, v0  }
0x46: {  	v2 =	vld [tilespmem:s0+$0x1C10];
	v11 =	vmul.f32 v56, v0;
	[tilespmem:s0+$0x1CE0] =	vst v9  }
0x47: {  	v3 =	vld [tilespmem:s0+$0x1C20];
	v12 =	vmul.f32 v57, v0;
	[tilespmem:s0+$0x1CF0] =	vst v10  }
0x48: {  	v4 =	vld [tilespmem:s0+$0x1C30];
	v13 =	vmul.f32 v58, v0;
	[tilespmem:s0+$0x3880] =	vst v11  }
0x49: {  	v8 =	vld [tilespmem:s0+$0x1C40];
	[tilespmem:s0+$0x3890] =	vst v12;
	v6 =	vmul.f32 v6, v0  }
0x4a: {  	v7 =	vld [tilespmem:s0+$0xE0];
	[tilespmem:s0+$0x38A0] =	vst v13;
	v1 =	vmul.f32 v1, v0  }
0x4b: {  	v5 =	vld [tilespmem:s0+$0x1C50];
	v2 =	vmul.f32 v2, v0;
	[tilespmem:s0+$0x80] =	vst v6  }
0x4c: {  	v3 =	vmul.f32 v3, v0;
	v6 =	vld [tilespmem:s0+$0x1C60];
	[tilespmem:s0+$0x1C00] =	vst v1  }
0x4d: {  	v4 =	vmul.f32 v4, v0;
	v1 =	vld [tilespmem:s0+$0xF0];
	[tilespmem:s0+$0x1C10] =	vst v2  }
0x4e: {  	v8 =	vmul.f32 v8, v0;
	v2 =	vld [tilespmem:s0+$0x1C80];
	[tilespmem:s0+$0x1C20] =	vst v3  }
0x4f: {  	v7 =	vmul.f32 v7, v0;
	v3 =	vld [tilespmem:s0+$0x1C90];
	[tilespmem:s0+$0x1C30] =	vst v4  }
0x50: {  	v4 =	vld [tilespmem:s0+$0x1CA0];
	v5 =	vmul.f32 v5, v0;
	[tilespmem:s0+$0x1C40] =	vst v8  }
0x51: {  	v8 =	vld [tilespmem:s0+$0x1CB0];
	[tilespmem:s0+$0xE0] =	vst v7;
	v6 =	vmul.f32 v6, v0  }
0x52: {  	v7 =	vld [tilespmem:s0+$0x3840];
	[tilespmem:s0+$0x1C50] =	vst v5;
	v1 =	vmul.f32 v1, v0  }
0x53: {  	v5 =	vld [tilespmem:s0+$0x1CC0];
	v2 =	vmul.f32 v2, v0;
	[tilespmem:s0+$0x1C60] =	vst v6  }
0x54: {  	v3 =	vmul.f32 v3, v0;
	v6 =	vld [tilespmem:s0+$0x1CD0];
	[tilespmem:s0+$0xF0] =	vst v1  }
0x55: {  	v4 =	vmul.f32 v4, v0;
	v1 =	vld [tilespmem:s0+$0x3850];
	[tilespmem:s0+$0x1C80] =	vst v2  }
0x56: {  	v8 =	vmul.f32 v8, v0;
	v2 =	vld [tilespmem:s0+$0x3860];
	[tilespmem:s0+$0x1C90] =	vst v3  }
0x57: {  	v7 =	vmul.f32 v7, v0;
	v3 =	vld [tilespmem:s0+$0x3870];
	[tilespmem:s0+$0x1CA0] =	vst v4  }
0x58: {  	v4 =	vld [tilespmem:s0+$0x5400];
	[tilespmem:s0+$0x1CB0] =	vst v8;
	v5 =	vmul.f32 v5, v0  }
0x59: {  	[tilespmem:s0+$0x3840] =	vst v7;
	v7 =	vld [tilespmem:s0+$0x38B0];
	v6 =	vmul.f32 v6, v0  }
0x5a: {  	v8 =	vld [tilespmem:s0+$0x5410];
	[tilespmem:s0+$0x1CC0] =	vst v5;
	v1 =	vmul.f32 v1, v0  }
0x5b: {  	v59 =	vld [tilespmem:s0+$0x5440];
	v2 =	vmul.f32 v2, v0;
	[tilespmem:s0+$0x1CD0] =	vst v6  }
0x5c: {  	v5 =	vld [tilespmem:s0+$0x5420];
	v3 =	vmul.f32 v3, v0;
	[tilespmem:s0+$0x3850] =	vst v1  }
0x5d: {  	v61 =	vld [tilespmem:s0+$0x5460];
	v4 =	vmul.f32 v4, v0;
	[tilespmem:s0+$0x3860] =	vst v2  }
0x5e: {  	v7 =	vmul.f32 v7, v0;
	v6 =	vld [tilespmem:s0+$0x5430];
	[tilespmem:s0+$0x3870] =	vst v3  }
0x5f: {  	v8 =	vmul.f32 v8, v0;
	v1 =	vld [tilespmem:s0+$0x38C0];
	[tilespmem:s0+$0x5400] =	vst v4  }
0x60: {  	v2 =	vld [tilespmem:s0+$0x38D0];
	[tilespmem:s0+$0x38B0] =	vst v7;
	v7 =	vmul.f32 v59, v0  }
0x61: {  	v3 =	vld [tilespmem:s0+$0x38E0];
	v5 =	vmul.f32 v5, v0;
	[tilespmem:s0+$0x5410] =	vst v8  }
0x62: {  	v60 =	vld [tilespmem:s0+$0x5450];
	[tilespmem:s0+$0x5440] =	vst v7;
	v7 =	vmul.f32 v61, v0  }
0x63: {  	v4 =	vld [tilespmem:s0+$0x38F0];
	[tilespmem:s0+$0x5420] =	vst v5;
	v6 =	vmul.f32 v6, v0  }
0x64: {  	v62 =	vld [tilespmem:s0+$0x5470];
	[tilespmem:s0+$0x5460] =	vst v7;
	v1 =	vmul.f32 v1, v0  }
0x65: {  	v8 =	vld [tilespmem:s0+$0x5480];
	v2 =	vmul.f32 v2, v0;
	[tilespmem:s0+$0x5430] =	vst v6  }
0x66: {  	v5 =	vld [tilespmem:s0+$0x5490];
	v3 =	vmul.f32 v3, v0;
	[tilespmem:s0+$0x38C0] =	vst v1  }
0x67: {  	v63 =	vld [tilespmem:s0+$0x54A0];
	v6 =	vmul.f32 v60, v0;
	[tilespmem:s0+$0x38D0] =	vst v2  }
0x68: {  	v4 =	vmul.f32 v4, v0;
	v1 =	vld [tilespmem:s0+$0x54B0];
	[tilespmem:s0+$0x38E0] =	vst v3  }
0x69: {  	v2 =	vld [tilespmem:s0+$0x54C0];
	[tilespmem:s0+$0x5450] =	vst v6;
	v6 =	vmul.f32 v62, v0  }
0x6a: {  	v7 =	vmul.f32 v8, v0;
	v3 =	vld [tilespmem:s0+$0x54D0];
	[tilespmem:s0+$0x38F0] =	vst v4  }
0x6b: {  	v4 =	vld [tilespmem:s0+$0x54E0];
	[tilespmem:s0+$0x5470] =	vst v6;
	v6 =	vmul.f32 v5, v0  }
0x6c: {  	s2 =	simm.s32 $0x0;
	s10 =	simm.s32 $0x4100;
	[tilespmem:s0+$0x5480] =	vst v7;
	v7 =	vmul.f32 v63, v0;
	v5 =	vld [tilespmem:s0+$0x0]  }
.LBB2_3:
0x6d: {  	v8 =	vld [tilespmem:s10+$0x54F0];
	s2 =	sadd.s32 $0x2, s2;
	[tilespmem:s0+$0x5490] =	vst v6;
	v1 =	vmul.f32 v1, v0  }
0x6e: {  	v6 =	vld [tilespmem:s10+$0x10];
	p0 =	slt.u32 s2, $0x30;
	[tilespmem:s0+$0x54A0] =	vst v7;
	v2 =	vmul.f32 v2, v0  }
0x6f: {  	v7 =	vld [tilespmem:s10+$0x20];
	[tilespmem:s0+$0x54B0] =	vst v1;
	v1 =	vmul.f32 v3, v0  }
0x70: {  	v3 =	vld [tilespmem:s10+$0x30];
	[tilespmem:s0+$0x54C0] =	vst v2;
	v2 =	vmul.f32 v4, v0  }
0x71: {  	v4 =	vld [tilespmem:s10+$0x40];
	v5 =	vmul.f32 v5, v0;
	[tilespmem:s0+$0x54D0] =	vst v1  }
0x72: {  	v1 =	vld [tilespmem:s10+$0x50];
	v8 =	vmul.f32 v8, v0;
	[tilespmem:s0+$0x54E0] =	vst v2  }
0x73: {  	v2 =	vmul.f32 v6, v0;
	v6 =	vld [tilespmem:s10+$0x60];
	[tilespmem:s0+$0x0] =	vst v5;
	s0 =	smov.u32 s10  }
0x74: {  	v5 =	vmul.f32 v7, v0;
	v7 =	vld [tilespmem:s10+$0x70];
	[tilespmem:s10+$0x54F0] =	vst v8  }
0x75: {  	[tilespmem:s10+$0x10] =	vst v2;
	v2 =	vmul.f32 v3, v0;
	v3 =	vld [tilespmem:s10+$0x1C00]  }
0x76: {  	[tilespmem:s10+$0x20] =	vst v5;
	v4 =	vmul.f32 v4, v0;
	v5 =	vld [tilespmem:s10+$0x1C10]  }
0x77: {  	[tilespmem:s10+$0x30] =	vst v2;
	v1 =	vmul.f32 v1, v0;
	v2 =	vld [tilespmem:s10+$0x1C20]  }
0x78: {  	[tilespmem:s10+$0x40] =	vst v4;
	v4 =	vmul.f32 v6, v0;
	v6 =	vld [tilespmem:s10+$0x1C30]  }
0x79: {  	[tilespmem:s10+$0x50] =	vst v1;
	v1 =	vmul.f32 v7, v0;
	v7 =	vld [tilespmem:s10+$0x1C40]  }
0x7a: {  	[tilespmem:s10+$0x60] =	vst v4;
	v3 =	vmul.f32 v3, v0;
	v4 =	vld [tilespmem:s10+$0x1C50]  }
0x7b: {  	[tilespmem:s10+$0x70] =	vst v1;
	v1 =	vmul.f32 v5, v0;
	v5 =	vld [tilespmem:s10+$0x1C60]  }
0x7c: {  	[tilespmem:s10+$0x1C00] =	vst v3;
	v2 =	vmul.f32 v2, v0;
	v3 =	vld [tilespmem:s10+$0x1C70]  }
0x7d: {  	[tilespmem:s10+$0x1C10] =	vst v1;
	v1 =	vmul.f32 v6, v0;
	v6 =	vld [tilespmem:s10+$0x3800]  }
0x7e: {  	[tilespmem:s10+$0x1C20] =	vst v2;
	v2 =	vmul.f32 v7, v0;
	v7 =	vld [tilespmem:s10+$0x3810]  }
0x7f: {  	[tilespmem:s10+$0x1C30] =	vst v1;
	v1 =	vmul.f32 v4, v0;
	v4 =	vld [tilespmem:s10+$0x3820]  }
0x80: {  	[tilespmem:s10+$0x1C40] =	vst v2;
	v2 =	vmul.f32 v5, v0;
	v5 =	vld [tilespmem:s10+$0x3830]  }
0x81: {  	[tilespmem:s10+$0x1C50] =	vst v1;
	v1 =	vmul.f32 v3, v0;
	v3 =	vld [tilespmem:s10+$0x3840]  }
0x82: {  	[tilespmem:s10+$0x1C60] =	vst v2;
	v2 =	vmul.f32 v6, v0;
	v6 =	vld [tilespmem:s10+$0x3850]  }
0x83: {  	[tilespmem:s10+$0x1C70] =	vst v1;
	v1 =	vmul.f32 v7, v0;
	v7 =	vld [tilespmem:s10+$0x3860]  }
0x84: {  	[tilespmem:s10+$0x3800] =	vst v2;
	v2 =	vmul.f32 v4, v0;
	v4 =	vld [tilespmem:s10+$0x3870]  }
0x85: {  	[tilespmem:s10+$0x3810] =	vst v1;
	v1 =	vmul.f32 v5, v0;
	v5 =	vld [tilespmem:s10+$0x5400]  }
0x86: {  	[tilespmem:s10+$0x3820] =	vst v2;
	v2 =	vmul.f32 v3, v0;
	v3 =	vld [tilespmem:s10+$0x5410]  }
0x87: {  	[tilespmem:s10+$0x3830] =	vst v1;
	v1 =	vmul.f32 v6, v0;
	v6 =	vld [tilespmem:s10+$0x5420]  }
0x88: {  	[tilespmem:s10+$0x3840] =	vst v2;
	v2 =	vmul.f32 v7, v0;
	v7 =	vld [tilespmem:s10+$0x5430]  }
0x89: {  	[tilespmem:s10+$0x3850] =	vst v1;
	v1 =	vmul.f32 v4, v0;
	v4 =	vld [tilespmem:s10+$0x5440]  }
0x8a: {  	[tilespmem:s10+$0x3860] =	vst v2;
	v2 =	vmul.f32 v5, v0;
	v5 =	vld [tilespmem:s10+$0x5450]  }
0x8b: {  	[tilespmem:s10+$0x3870] =	vst v1;
	v1 =	vmul.f32 v3, v0;
	v3 =	vld [tilespmem:s10+$0x5460]  }
0x8c: {  	[tilespmem:s10+$0x5400] =	vst v2;
	v2 =	vmul.f32 v6, v0;
	v6 =	vld [tilespmem:s10+$0x5470]  }
0x8d: {  	[tilespmem:s10+$0x5410] =	vst v1;
	v1 =	vmul.f32 v7, v0;
	v7 =	vld [tilespmem:s10+$0x80]  }
0x8e: {  	[tilespmem:s10+$0x5420] =	vst v2;
	v2 =	vmul.f32 v4, v0;
	v4 =	vld [tilespmem:s10+$0x90]  }
0x8f: {  	[tilespmem:s10+$0x5430] =	vst v1;
	v1 =	vmul.f32 v5, v0;
	v5 =	vld [tilespmem:s10+$0xA0]  }
0x90: {  	[tilespmem:s10+$0x5440] =	vst v2;
	v2 =	vmul.f32 v3, v0;
	v3 =	vld [tilespmem:s10+$0xB0]  }
0x91: {  	[tilespmem:s10+$0x5450] =	vst v1;
	v1 =	vmul.f32 v6, v0;
	v6 =	vld [tilespmem:s10+$0xC0]  }
0x92: {  	[tilespmem:s10+$0x5460] =	vst v2;
	v2 =	vmul.f32 v7, v0;
	v7 =	vld [tilespmem:s10+$0xD0]  }
0x93: {  	[tilespmem:s10+$0x5470] =	vst v1;
	v1 =	vmul.f32 v4, v0;
	v4 =	vld [tilespmem:s10+$0xE0]  }
0x94: {  	[tilespmem:s10+$0x80] =	vst v2;
	v2 =	vmul.f32 v5, v0;
	v5 =	vld [tilespmem:s10+$0xF0]  }
0x95: {  	[tilespmem:s10+$0x90] =	vst v1;
	v1 =	vmul.f32 v3, v0;
	v3 =	vld [tilespmem:s10+$0x1C80]  }
0x96: {  	[tilespmem:s10+$0xA0] =	vst v2;
	v2 =	vmul.f32 v6, v0;
	v6 =	vld [tilespmem:s10+$0x1C90]  }
0x97: {  	[tilespmem:s10+$0xB0] =	vst v1;
	v1 =	vmul.f32 v7, v0;
	v7 =	vld [tilespmem:s10+$0x1CA0]  }
0x98: {  	[tilespmem:s10+$0xC0] =	vst v2;
	v2 =	vmul.f32 v4, v0;
	v4 =	vld [tilespmem:s10+$0x1CB0]  }
0x99: {  	[tilespmem:s10+$0xD0] =	vst v1;
	v1 =	vmul.f32 v5, v0;
	v5 =	vld [tilespmem:s10+$0x1CC0]  }
0x9a: {  	[tilespmem:s10+$0xE0] =	vst v2;
	v2 =	vmul.f32 v3, v0;
	v3 =	vld [tilespmem:s10+$0x1CD0]  }
0x9b: {  	[tilespmem:s10+$0xF0] =	vst v1;
	v1 =	vmul.f32 v6, v0;
	v6 =	vld [tilespmem:s10+$0x1CE0]  }
0x9c: {  	[tilespmem:s10+$0x1C80] =	vst v2;
	v2 =	vmul.f32 v7, v0;
	v7 =	vld [tilespmem:s10+$0x1CF0]  }
0x9d: {  	[tilespmem:s10+$0x1C90] =	vst v1;
	v1 =	vmul.f32 v4, v0;
	v4 =	vld [tilespmem:s10+$0x3880]  }
0x9e: {  	[tilespmem:s10+$0x1CA0] =	vst v2;
	v2 =	vmul.f32 v5, v0;
	v5 =	vld [tilespmem:s10+$0x3890]  }
0x9f: {  	[tilespmem:s10+$0x1CB0] =	vst v1;
	v1 =	vmul.f32 v3, v0;
	v3 =	vld [tilespmem:s10+$0x38A0]  }
0xa0: {  	[tilespmem:s10+$0x1CC0] =	vst v2;
	v2 =	vmul.f32 v6, v0;
	v6 =	vld [tilespmem:s10+$0x38B0]  }
0xa1: {  	[tilespmem:s10+$0x1CD0] =	vst v1;
	v1 =	vmul.f32 v7, v0;
	v7 =	vld [tilespmem:s10+$0x38C0]  }
0xa2: {  	[tilespmem:s10+$0x1CE0] =	vst v2;
	v2 =	vmul.f32 v4, v0;
	v4 =	vld [tilespmem:s10+$0x38D0]  }
0xa3: {  	[tilespmem:s10+$0x1CF0] =	vst v1;
	v1 =	vmul.f32 v5, v0;
	v5 =	vld [tilespmem:s10+$0x38E0]  }
0xa4: {  	[tilespmem:s10+$0x3880] =	vst v2;
	v2 =	vmul.f32 v3, v0;
	v3 =	vld [tilespmem:s10+$0x38F0]  }
0xa5: {  	[tilespmem:s10+$0x3890] =	vst v1;
	v1 =	vmul.f32 v6, v0;
	v6 =	vld [tilespmem:s10+$0x5480]  }
0xa6: {  	[tilespmem:s10+$0x38A0] =	vst v2;
	v2 =	vmul.f32 v7, v0;
	v7 =	vld [tilespmem:s10+$0x5490]  }
0xa7: {  	[tilespmem:s10+$0x38B0] =	vst v1;
	v4 =	vmul.f32 v4, v0;
	v8 =	vld [tilespmem:s10+$0x54A0]  }
.Ltmp0:
0xa8: {  	[tilespmem:s10+$0x38C0] =	vst v2;
	v5 =	vmul.f32 v5, v0;
	v1 =	vld [tilespmem:s10+$0x54B0];
	(pc) =	sbr.rel @p0 .LBB2_3-.Ltmp0, $4  }
0xa9: {  	[tilespmem:s10+$0x38D0] =	vst v4;
	v4 =	vmul.f32 v3, v0;
	v2 =	vld [tilespmem:s10+$0x54C0]  }
0xaa: {  	[tilespmem:s10+$0x38E0] =	vst v5;
	v9 =	vmul.f32 v6, v0;
	v3 =	vld [tilespmem:s10+$0x54D0]  }
0xab: {  	[tilespmem:s10+$0x38F0] =	vst v4;
	v6 =	vmul.f32 v7, v0;
	v4 =	vld [tilespmem:s10+$0x54E0]  }
0xac: {  	s10 =	sadd.s32 $0x100, s10;
	v5 =	vld [tilespmem:s0+$0x0];
	[tilespmem:s0+$0x5480] =	vst v9;
	v7 =	vmul.f32 v8, v0  }
0xad: {  	[tilespmem:s0+$0x5490] =	vst v6;
	v1 =	vmul.f32 v1, v0  }
0xae: {  	[tilespmem:s0+$0x54A0] =	vst v7;
	v2 =	vmul.f32 v2, v0  }
0xaf: {  	[tilespmem:s0+$0x54B0] =	vst v1;
	v1 =	vmul.f32 v3, v0  }
0xb0: {  	s2 =	sor.u32 s5, s31;
	[tilespmem:s0+$0x54C0] =	vst v2;
	v2 =	vmul.f32 v4, v0  }
0xb1: {  	s10 =	smul.u32 $0x380, s2;
	v3 =	vmul.f32 v5, v0;
	[tilespmem:s0+$0x54D0] =	vst v1  }
0xb2: {  	[tilespmem:s0+$0x54E0] =	vst v2  }
0xb3: {  	s31 =	sadd.s32 s6, s10;
	[tilespmem:s0+$0x0] =	vst v3  }
0xb4: {  	[hbm4b:s31+s3] =	stream.linear.scatter [tilespmem:s13], [sflag:$0x3], $0x1900, $0x38;
	[tilespmem:$0x12080] =	vst v63  }
0xb5: {  	_ =	swait.ge [sflag:s11], $0x1900  }
0xb6: {  	[sflag:s11] =	ssyncset.done $0x0  }
0xb7: {  	s2 =	smul.u32 $0x1C00, s2;
	s31 =	sadd.s32 s10, s8;
	[sflag:s11] =	ssyncadd.s32 $0xFFFFE700  }
0xb8: {  	[hbm4b:s31+s3] =	stream.linear.scatter [tilespmem:s15], [sflag:$0x3], $0x1900, $0x38;
	[tilespmem:$0x12080] =	vst v63  }
0xb9: {  	s10 =	sshrl.u32 s2, $0x3;
	_ =	swait.ge [sflag:s11], $0x1900  }
0xba: {  	s0 =	sadd.s32 s6, s10;
	[sflag:s11] =	ssyncset.done $0x0  }
0xbb: {  	s31 =	sadd.s32 $0x700, s0;
	[sflag:s11] =	ssyncadd.s32 $0xFFFFE700  }
0xbc: {  	[hbm4b:s31+s3] =	stream.linear.scatter [tilespmem:s17], [sflag:$0x3], $0x1900, $0x38;
	[tilespmem:$0x12080] =	vst v63  }
0xbd: {  	_ =	swait.ge [sflag:s11], $0x1900  }
0xbe: {  	[sflag:s11] =	ssyncset.done $0x0  }
0xbf: {  	s0 =	sadd.s32 $0xA80, s0;
	[sflag:s11] =	ssyncadd.s32 $0xFFFFE700  }
0xc0: {  	[hbm4b:s0+s3] =	stream.linear.scatter [tilespmem:s19], [sflag:$0x3], $0x1900, $0x38;
	[tilespmem:$0x12080] =	vst v63  }
0xc1: {  	p0 =	seq.s32 s28, $0xF;
	_ =	swait.ge [sflag:s11], $0x1900  }
0xc2: {  	s2 =	simm.s32 @!p0 $0x32;
	[sflag:s11] =	ssyncset.done $0x0  }
0xc3: {  	s10 =	simm.s32 @!p0 $0x4000;
	s0 =	sadd.s32 @!p0 $0x400, s30;
	[sflag:s11] =	ssyncadd.s32 $0xFFFFE700  }
0xc4: {  	[tilespmem:s10], [sflag:$0x1] =	stream.indirect.gather @!p0 [hbm4b:s1+s2], $0x80, s0, s2, $0xb8;
	[tilespmem:$0x12080] =	vst v63  }
0xc5: {  	s0 =	sadd.s32 @!p0 $0x480, s30;
	s10 =	simm.s32 @!p0 $0x5C00  }
0xc6: {  	[tilespmem:s10], [sflag:$0x1] =	stream.indirect.gather @!p0 [hbm4b:s1+s2], $0x80, s0, s2, $0xb8;
	[tilespmem:$0x12080] =	vst v63  }
0xc7: {  	s0 =	sadd.s32 @!p0 $0x500, s30;
	s10 =	simm.s32 @!p0 $0x7800  }
0xc8: {  	[tilespmem:s10], [sflag:$0x1] =	stream.indirect.gather @!p0 [hbm4b:s1+s2], $0x80, s0, s2, $0xb8;
	[tilespmem:$0x12080] =	vst v63  }
0xc9: {  	s0 =	sadd.s32 @!p0 $0x580, s30;
	s10 =	simm.s32 @!p0 $0x9400  }
0xca: {  	[tilespmem:s10], [sflag:$0x1] =	stream.indirect.gather @!p0 [hbm4b:s1+s2], $0x80, s0, s2, $0xb8;
	[tilespmem:$0x12080] =	vst v63  }
0xcb: {  	_ =	swait.ge [sflag:s25], $0x6400  }
0xcc: {  	[sflag:s25] =	ssyncset.done $0x0  }
0xcd: {  	s0 =	simm.s32 $0xB000;
	[sflag:s25] =	ssyncadd.s32 $0xFFFF9C00  }
0xce: {  	v1 =	vld [tilespmem:s0+$0x10]  }
0xcf: {  	v2 =	vld [tilespmem:s0+$0x20]  }
0xd0: {  	v3 =	vld [tilespmem:s0+$0x30]  }
0xd1: {  	v4 =	vld [tilespmem:s0+$0x40]  }
0xd2: {  	v5 =	vld [tilespmem:s0+$0x50]  }
0xd3: {  	v6 =	vld [tilespmem:s0+$0x60];
	v1 =	vmul.f32 v1, v0  }
0xd4: {  	v7 =	vld [tilespmem:s0+$0x70];
	v2 =	vmul.f32 v2, v0  }
0xd5: {  	v9 =	vld [tilespmem:s0+$0x90];
	v3 =	vmul.f32 v3, v0;
	[tilespmem:s0+$0x10] =	vst v1  }
0xd6: {  	v10 =	vld [tilespmem:s0+$0xA0];
	v4 =	vmul.f32 v4, v0;
	[tilespmem:s0+$0x20] =	vst v2  }
0xd7: {  	v11 =	vld [tilespmem:s0+$0xB0];
	v5 =	vmul.f32 v5, v0;
	[tilespmem:s0+$0x30] =	vst v3  }
0xd8: {  	v12 =	vld [tilespmem:s0+$0xC0];
	v6 =	vmul.f32 v6, v0;
	[tilespmem:s0+$0x40] =	vst v4  }
0xd9: {  	v13 =	vld [tilespmem:s0+$0xD0];
	v7 =	vmul.f32 v7, v0;
	[tilespmem:s0+$0x50] =	vst v5  }
0xda: {  	v8 =	vld [tilespmem:s0+$0x54F0];
	v9 =	vmul.f32 v9, v0;
	[tilespmem:s0+$0x60] =	vst v6  }
0xdb: {  	v49 =	vld [tilespmem:s0+$0x1C70];
	v10 =	vmul.f32 v10, v0;
	[tilespmem:s0+$0x70] =	vst v7  }
0xdc: {  	v50 =	vld [tilespmem:s0+$0x3800];
	v11 =	vmul.f32 v11, v0;
	[tilespmem:s0+$0x90] =	vst v9  }
0xdd: {  	v51 =	vld [tilespmem:s0+$0x3810];
	v12 =	vmul.f32 v12, v0;
	[tilespmem:s0+$0xA0] =	vst v10  }
0xde: {  	v52 =	vld [tilespmem:s0+$0x3820];
	v13 =	vmul.f32 v13, v0;
	[tilespmem:s0+$0xB0] =	vst v11  }
0xdf: {  	v53 =	vld [tilespmem:s0+$0x3830];
	v5 =	vmul.f32 v8, v0;
	[tilespmem:s0+$0xC0] =	vst v12  }
0xe0: {  	v54 =	vld [tilespmem:s0+$0x1CE0];
	[tilespmem:s0+$0xD0] =	vst v13;
	v9 =	vmul.f32 v49, v0  }
0xe1: {  	v55 =	vld [tilespmem:s0+$0x1CF0];
	v10 =	vmul.f32 v50, v0;
	[tilespmem:s0+$0x54F0] =	vst v5  }
0xe2: {  	v56 =	vld [tilespmem:s0+$0x3880];
	v11 =	vmul.f32 v51, v0;
	[tilespmem:s0+$0x1C70] =	vst v9  }
0xe3: {  	v57 =	vld [tilespmem:s0+$0x3890];
	v12 =	vmul.f32 v52, v0;
	[tilespmem:s0+$0x3800] =	vst v10  }
0xe4: {  	v58 =	vld [tilespmem:s0+$0x38A0];
	v13 =	vmul.f32 v53, v0;
	[tilespmem:s0+$0x3810] =	vst v11  }
0xe5: {  	v6 =	vld [tilespmem:s0+$0x80];
	[tilespmem:s0+$0x3820] =	vst v12;
	v9 =	vmul.f32 v54, v0  }
0xe6: {  	v1 =	vld [tilespmem:s0+$0x1C00];
	[tilespmem:s0+$0x3830] =	vst v13;
	v10 =	vmul.f32 v55, v0  }
0xe7: {  	v2 =	vld [tilespmem:s0+$0x1C10];
	v11 =	vmul.f32 v56, v0;
	[tilespmem:s0+$0x1CE0] =	vst v9  }
0xe8: {  	v3 =	vld [tilespmem:s0+$0x1C20];
	v12 =	vmul.f32 v57, v0;
	[tilespmem:s0+$0x1CF0] =	vst v10  }
0xe9: {  	v4 =	vld [tilespmem:s0+$0x1C30];
	v13 =	vmul.f32 v58, v0;
	[tilespmem:s0+$0x3880] =	vst v11  }
0xea: {  	v8 =	vld [tilespmem:s0+$0x1C40];
	[tilespmem:s0+$0x3890] =	vst v12;
	v6 =	vmul.f32 v6, v0  }
0xeb: {  	v7 =	vld [tilespmem:s0+$0xE0];
	[tilespmem:s0+$0x38A0] =	vst v13;
	v1 =	vmul.f32 v1, v0  }
0xec: {  	v5 =	vld [tilespmem:s0+$0x1C50];
	v2 =	vmul.f32 v2, v0;
	[tilespmem:s0+$0x80] =	vst v6  }
0xed: {  	v3 =	vmul.f32 v3, v0;
	v6 =	vld [tilespmem:s0+$0x1C60];
	[tilespmem:s0+$0x1C00] =	vst v1  }
0xee: {  	v4 =	vmul.f32 v4, v0;
	v1 =	vld [tilespmem:s0+$0xF0];
	[tilespmem:s0+$0x1C10] =	vst v2  }
0xef: {  	v8 =	vmul.f32 v8, v0;
	v2 =	vld [tilespmem:s0+$0x1C80];
	[tilespmem:s0+$0x1C20] =	vst v3  }
0xf0: {  	v7 =	vmul.f32 v7, v0;
	v3 =	vld [tilespmem:s0+$0x1C90];
	[tilespmem:s0+$0x1C30] =	vst v4  }
0xf1: {  	v4 =	vld [tilespmem:s0+$0x1CA0];
	v5 =	vmul.f32 v5, v0;
	[tilespmem:s0+$0x1C40] =	vst v8  }
0xf2: {  	v8 =	vld [tilespmem:s0+$0x1CB0];
	[tilespmem:s0+$0xE0] =	vst v7;
	v6 =	vmul.f32 v6, v0  }
0xf3: {  	v7 =	vld [tilespmem:s0+$0x3840];
	[tilespmem:s0+$0x1C50] =	vst v5;
	v1 =	vmul.f32 v1, v0  }
0xf4: {  	v5 =	vld [tilespmem:s0+$0x1CC0];
	v2 =	vmul.f32 v2, v0;
	[tilespmem:s0+$0x1C60] =	vst v6  }
0xf5: {  	v3 =	vmul.f32 v3, v0;
	v6 =	vld [tilespmem:s0+$0x1CD0];
	[tilespmem:s0+$0xF0] =	vst v1  }
0xf6: {  	v4 =	vmul.f32 v4, v0;
	v1 =	vld [tilespmem:s0+$0x3850];
	[tilespmem:s0+$0x1C80] =	vst v2  }
0xf7: {  	v8 =	vmul.f32 v8, v0;
	v2 =	vld [tilespmem:s0+$0x3860];
	[tilespmem:s0+$0x1C90] =	vst v3  }
0xf8: {  	v7 =	vmul.f32 v7, v0;
	v3 =	vld [tilespmem:s0+$0x3870];
	[tilespmem:s0+$0x1CA0] =	vst v4  }
0xf9: {  	v4 =	vld [tilespmem:s0+$0x5400];
	[tilespmem:s0+$0x1CB0] =	vst v8;
	v5 =	vmul.f32 v5, v0  }
0xfa: {  	[tilespmem:s0+$0x3840] =	vst v7;
	v7 =	vld [tilespmem:s0+$0x38B0];
	v6 =	vmul.f32 v6, v0  }
0xfb: {  	v8 =	vld [tilespmem:s0+$0x5410];
	[tilespmem:s0+$0x1CC0] =	vst v5;
	v1 =	vmul.f32 v1, v0  }
0xfc: {  	v59 =	vld [tilespmem:s0+$0x5440];
	v2 =	vmul.f32 v2, v0;
	[tilespmem:s0+$0x1CD0] =	vst v6  }
0xfd: {  	v5 =	vld [tilespmem:s0+$0x5420];
	v3 =	vmul.f32 v3, v0;
	[tilespmem:s0+$0x3850] =	vst v1  }
0xfe: {  	v61 =	vld [tilespmem:s0+$0x5460];
	v4 =	vmul.f32 v4, v0;
	[tilespmem:s0+$0x3860] =	vst v2  }
0xff: {  	v7 =	vmul.f32 v7, v0;
	v6 =	vld [tilespmem:s0+$0x5430];
	[tilespmem:s0+$0x3870] =	vst v3  }
0x100: {  	v8 =	vmul.f32 v8, v0;
	v1 =	vld [tilespmem:s0+$0x38C0];
	[tilespmem:s0+$0x5400] =	vst v4  }
0x101: {  	v2 =	vld [tilespmem:s0+$0x38D0];
	[tilespmem:s0+$0x38B0] =	vst v7;
	v7 =	vmul.f32 v59, v0  }
0x102: {  	v3 =	vld [tilespmem:s0+$0x38E0];
	v5 =	vmul.f32 v5, v0;
	[tilespmem:s0+$0x5410] =	vst v8  }
0x103: {  	v60 =	vld [tilespmem:s0+$0x5450];
	[tilespmem:s0+$0x5440] =	vst v7;
	v7 =	vmul.f32 v61, v0  }
0x104: {  	v4 =	vld [tilespmem:s0+$0x38F0];
	[tilespmem:s0+$0x5420] =	vst v5;
	v6 =	vmul.f32 v6, v0  }
0x105: {  	v62 =	vld [tilespmem:s0+$0x5470];
	[tilespmem:s0+$0x5460] =	vst v7;
	v1 =	vmul.f32 v1, v0  }
0x106: {  	v8 =	vld [tilespmem:s0+$0x5480];
	v2 =	vmul.f32 v2, v0;
	[tilespmem:s0+$0x5430] =	vst v6  }
0x107: {  	v5 =	vld [tilespmem:s0+$0x5490];
	v3 =	vmul.f32 v3, v0;
	[tilespmem:s0+$0x38C0] =	vst v1  }
0x108: {  	v63 =	vld [tilespmem:s0+$0x54A0];
	v6 =	vmul.f32 v60, v0;
	[tilespmem:s0+$0x38D0] =	vst v2  }
0x109: {  	v4 =	vmul.f32 v4, v0;
	v1 =	vld [tilespmem:s0+$0x54B0];
	[tilespmem:s0+$0x38E0] =	vst v3  }
0x10a: {  	v2 =	vld [tilespmem:s0+$0x54C0];
	[tilespmem:s0+$0x5450] =	vst v6;
	v6 =	vmul.f32 v62, v0  }
0x10b: {  	v7 =	vmul.f32 v8, v0;
	v3 =	vld [tilespmem:s0+$0x54D0];
	[tilespmem:s0+$0x38F0] =	vst v4  }
0x10c: {  	v4 =	vld [tilespmem:s0+$0x54E0];
	[tilespmem:s0+$0x5470] =	vst v6;
	v6 =	vmul.f32 v5, v0  }
0x10d: {  	s2 =	simm.s32 $0x0;
	s10 =	simm.s32 $0xB100;
	[tilespmem:s0+$0x5480] =	vst v7;
	v7 =	vmul.f32 v63, v0;
	v5 =	vld [tilespmem:s0+$0x0]  }
.LBB2_5:
0x10e: {  	v8 =	vld [tilespmem:s10+$0x54F0];
	s2 =	sadd.s32 $0x2, s2;
	[tilespmem:s0+$0x5490] =	vst v6;
	v1 =	vmul.f32 v1, v0  }
0x10f: {  	v6 =	vld [tilespmem:s10+$0x10];
	p0 =	slt.u32 s2, $0x30;
	[tilespmem:s0+$0x54A0] =	vst v7;
	v2 =	vmul.f32 v2, v0  }
0x110: {  	v7 =	vld [tilespmem:s10+$0x20];
	[tilespmem:s0+$0x54B0] =	vst v1;
	v1 =	vmul.f32 v3, v0  }
0x111: {  	v3 =	vld [tilespmem:s10+$0x30];
	[tilespmem:s0+$0x54C0] =	vst v2;
	v2 =	vmul.f32 v4, v0  }
0x112: {  	v4 =	vld [tilespmem:s10+$0x40];
	v5 =	vmul.f32 v5, v0;
	[tilespmem:s0+$0x54D0] =	vst v1  }
0x113: {  	v1 =	vld [tilespmem:s10+$0x50];
	v8 =	vmul.f32 v8, v0;
	[tilespmem:s0+$0x54E0] =	vst v2  }
0x114: {  	v2 =	vmul.f32 v6, v0;
	v6 =	vld [tilespmem:s10+$0x60];
	[tilespmem:s0+$0x0] =	vst v5;
	s0 =	smov.u32 s10  }
0x115: {  	v5 =	vmul.f32 v7, v0;
	v7 =	vld [tilespmem:s10+$0x70];
	[tilespmem:s10+$0x54F0] =	vst v8  }
0x116: {  	[tilespmem:s10+$0x10] =	vst v2;
	v2 =	vmul.f32 v3, v0;
	v3 =	vld [tilespmem:s10+$0x1C00]  }
0x117: {  	[tilespmem:s10+$0x20] =	vst v5;
	v4 =	vmul.f32 v4, v0;
	v5 =	vld [tilespmem:s10+$0x1C10]  }
0x118: {  	[tilespmem:s10+$0x30] =	vst v2;
	v1 =	vmul.f32 v1, v0;
	v2 =	vld [tilespmem:s10+$0x1C20]  }
0x119: {  	[tilespmem:s10+$0x40] =	vst v4;
	v4 =	vmul.f32 v6, v0;
	v6 =	vld [tilespmem:s10+$0x1C30]  }
0x11a: {  	[tilespmem:s10+$0x50] =	vst v1;
	v1 =	vmul.f32 v7, v0;
	v7 =	vld [tilespmem:s10+$0x1C40]  }
0x11b: {  	[tilespmem:s10+$0x60] =	vst v4;
	v3 =	vmul.f32 v3, v0;
	v4 =	vld [tilespmem:s10+$0x1C50]  }
0x11c: {  	[tilespmem:s10+$0x70] =	vst v1;
	v1 =	vmul.f32 v5, v0;
	v5 =	vld [tilespmem:s10+$0x1C60]  }
0x11d: {  	[tilespmem:s10+$0x1C00] =	vst v3;
	v2 =	vmul.f32 v2, v0;
	v3 =	vld [tilespmem:s10+$0x1C70]  }
0x11e: {  	[tilespmem:s10+$0x1C10] =	vst v1;
	v1 =	vmul.f32 v6, v0;
	v6 =	vld [tilespmem:s10+$0x3800]  }
0x11f: {  	[tilespmem:s10+$0x1C20] =	vst v2;
	v2 =	vmul.f32 v7, v0;
	v7 =	vld [tilespmem:s10+$0x3810]  }
0x120: {  	[tilespmem:s10+$0x1C30] =	vst v1;
	v1 =	vmul.f32 v4, v0;
	v4 =	vld [tilespmem:s10+$0x3820]  }
0x121: {  	[tilespmem:s10+$0x1C40] =	vst v2;
	v2 =	vmul.f32 v5, v0;
	v5 =	vld [tilespmem:s10+$0x3830]  }
0x122: {  	[tilespmem:s10+$0x1C50] =	vst v1;
	v1 =	vmul.f32 v3, v0;
	v3 =	vld [tilespmem:s10+$0x3840]  }
0x123: {  	[tilespmem:s10+$0x1C60] =	vst v2;
	v2 =	vmul.f32 v6, v0;
	v6 =	vld [tilespmem:s10+$0x3850]  }
0x124: {  	[tilespmem:s10+$0x1C70] =	vst v1;
	v1 =	vmul.f32 v7, v0;
	v7 =	vld [tilespmem:s10+$0x3860]  }
0x125: {  	[tilespmem:s10+$0x3800] =	vst v2;
	v2 =	vmul.f32 v4, v0;
	v4 =	vld [tilespmem:s10+$0x3870]  }
0x126: {  	[tilespmem:s10+$0x3810] =	vst v1;
	v1 =	vmul.f32 v5, v0;
	v5 =	vld [tilespmem:s10+$0x5400]  }
0x127: {  	[tilespmem:s10+$0x3820] =	vst v2;
	v2 =	vmul.f32 v3, v0;
	v3 =	vld [tilespmem:s10+$0x5410]  }
0x128: {  	[tilespmem:s10+$0x3830] =	vst v1;
	v1 =	vmul.f32 v6, v0;
	v6 =	vld [tilespmem:s10+$0x5420]  }
0x129: {  	[tilespmem:s10+$0x3840] =	vst v2;
	v2 =	vmul.f32 v7, v0;
	v7 =	vld [tilespmem:s10+$0x5430]  }
0x12a: {  	[tilespmem:s10+$0x3850] =	vst v1;
	v1 =	vmul.f32 v4, v0;
	v4 =	vld [tilespmem:s10+$0x5440]  }
0x12b: {  	[tilespmem:s10+$0x3860] =	vst v2;
	v2 =	vmul.f32 v5, v0;
	v5 =	vld [tilespmem:s10+$0x5450]  }
0x12c: {  	[tilespmem:s10+$0x3870] =	vst v1;
	v1 =	vmul.f32 v3, v0;
	v3 =	vld [tilespmem:s10+$0x5460]  }
0x12d: {  	[tilespmem:s10+$0x5400] =	vst v2;
	v2 =	vmul.f32 v6, v0;
	v6 =	vld [tilespmem:s10+$0x5470]  }
0x12e: {  	[tilespmem:s10+$0x5410] =	vst v1;
	v1 =	vmul.f32 v7, v0;
	v7 =	vld [tilespmem:s10+$0x80]  }
0x12f: {  	[tilespmem:s10+$0x5420] =	vst v2;
	v2 =	vmul.f32 v4, v0;
	v4 =	vld [tilespmem:s10+$0x90]  }
0x130: {  	[tilespmem:s10+$0x5430] =	vst v1;
	v1 =	vmul.f32 v5, v0;
	v5 =	vld [tilespmem:s10+$0xA0]  }
0x131: {  	[tilespmem:s10+$0x5440] =	vst v2;
	v2 =	vmul.f32 v3, v0;
	v3 =	vld [tilespmem:s10+$0xB0]  }
0x132: {  	[tilespmem:s10+$0x5450] =	vst v1;
	v1 =	vmul.f32 v6, v0;
	v6 =	vld [tilespmem:s10+$0xC0]  }
0x133: {  	[tilespmem:s10+$0x5460] =	vst v2;
	v2 =	vmul.f32 v7, v0;
	v7 =	vld [tilespmem:s10+$0xD0]  }
0x134: {  	[tilespmem:s10+$0x5470] =	vst v1;
	v1 =	vmul.f32 v4, v0;
	v4 =	vld [tilespmem:s10+$0xE0]  }
0x135: {  	[tilespmem:s10+$0x80] =	vst v2;
	v2 =	vmul.f32 v5, v0;
	v5 =	vld [tilespmem:s10+$0xF0]  }
0x136: {  	[tilespmem:s10+$0x90] =	vst v1;
	v1 =	vmul.f32 v3, v0;
	v3 =	vld [tilespmem:s10+$0x1C80]  }
0x137: {  	[tilespmem:s10+$0xA0] =	vst v2;
	v2 =	vmul.f32 v6, v0;
	v6 =	vld [tilespmem:s10+$0x1C90]  }
0x138: {  	[tilespmem:s10+$0xB0] =	vst v1;
	v1 =	vmul.f32 v7, v0;
	v7 =	vld [tilespmem:s10+$0x1CA0]  }
0x139: {  	[tilespmem:s10+$0xC0] =	vst v2;
	v2 =	vmul.f32 v4, v0;
	v4 =	vld [tilespmem:s10+$0x1CB0]  }
0x13a: {  	[tilespmem:s10+$0xD0] =	vst v1;
	v1 =	vmul.f32 v5, v0;
	v5 =	vld [tilespmem:s10+$0x1CC0]  }
0x13b: {  	[tilespmem:s10+$0xE0] =	vst v2;
	v2 =	vmul.f32 v3, v0;
	v3 =	vld [tilespmem:s10+$0x1CD0]  }
0x13c: {  	[tilespmem:s10+$0xF0] =	vst v1;
	v1 =	vmul.f32 v6, v0;
	v6 =	vld [tilespmem:s10+$0x1CE0]  }
0x13d: {  	[tilespmem:s10+$0x1C80] =	vst v2;
	v2 =	vmul.f32 v7, v0;
	v7 =	vld [tilespmem:s10+$0x1CF0]  }
0x13e: {  	[tilespmem:s10+$0x1C90] =	vst v1;
	v1 =	vmul.f32 v4, v0;
	v4 =	vld [tilespmem:s10+$0x3880]  }
0x13f: {  	[tilespmem:s10+$0x1CA0] =	vst v2;
	v2 =	vmul.f32 v5, v0;
	v5 =	vld [tilespmem:s10+$0x3890]  }
0x140: {  	[tilespmem:s10+$0x1CB0] =	vst v1;
	v1 =	vmul.f32 v3, v0;
	v3 =	vld [tilespmem:s10+$0x38A0]  }
0x141: {  	[tilespmem:s10+$0x1CC0] =	vst v2;
	v2 =	vmul.f32 v6, v0;
	v6 =	vld [tilespmem:s10+$0x38B0]  }
0x142: {  	[tilespmem:s10+$0x1CD0] =	vst v1;
	v1 =	vmul.f32 v7, v0;
	v7 =	vld [tilespmem:s10+$0x38C0]  }
0x143: {  	[tilespmem:s10+$0x1CE0] =	vst v2;
	v2 =	vmul.f32 v4, v0;
	v4 =	vld [tilespmem:s10+$0x38D0]  }
0x144: {  	[tilespmem:s10+$0x1CF0] =	vst v1;
	v1 =	vmul.f32 v5, v0;
	v5 =	vld [tilespmem:s10+$0x38E0]  }
0x145: {  	[tilespmem:s10+$0x3880] =	vst v2;
	v2 =	vmul.f32 v3, v0;
	v3 =	vld [tilespmem:s10+$0x38F0]  }
0x146: {  	[tilespmem:s10+$0x3890] =	vst v1;
	v1 =	vmul.f32 v6, v0;
	v6 =	vld [tilespmem:s10+$0x5480]  }
0x147: {  	[tilespmem:s10+$0x38A0] =	vst v2;
	v2 =	vmul.f32 v7, v0;
	v7 =	vld [tilespmem:s10+$0x5490]  }
0x148: {  	[tilespmem:s10+$0x38B0] =	vst v1;
	v4 =	vmul.f32 v4, v0;
	v8 =	vld [tilespmem:s10+$0x54A0]  }
.Ltmp1:
0x149: {  	[tilespmem:s10+$0x38C0] =	vst v2;
	v5 =	vmul.f32 v5, v0;
	v1 =	vld [tilespmem:s10+$0x54B0];
	(pc) =	sbr.rel @p0 .LBB2_5-.Ltmp1, $4  }
0x14a: {  	[tilespmem:s10+$0x38D0] =	vst v4;
	v4 =	vmul.f32 v3, v0;
	v2 =	vld [tilespmem:s10+$0x54C0]  }
0x14b: {  	[tilespmem:s10+$0x38E0] =	vst v5;
	v9 =	vmul.f32 v6, v0;
	v3 =	vld [tilespmem:s10+$0x54D0]  }
0x14c: {  	[tilespmem:s10+$0x38F0] =	vst v4;
	v6 =	vmul.f32 v7, v0;
	v4 =	vld [tilespmem:s10+$0x54E0]  }
0x14d: {  	s10 =	sadd.s32 $0x100, s10;
	v5 =	vld [tilespmem:s0+$0x0];
	[tilespmem:s0+$0x5480] =	vst v9;
	v7 =	vmul.f32 v8, v0  }
0x14e: {  	[tilespmem:s0+$0x5490] =	vst v6;
	v1 =	vmul.f32 v1, v0  }
0x14f: {  	[tilespmem:s0+$0x54A0] =	vst v7;
	v2 =	vmul.f32 v2, v0  }
0x150: {  	[tilespmem:s0+$0x54B0] =	vst v1;
	v1 =	vmul.f32 v3, v0  }
0x151: {  	s2 =	sor.u32 s5, s29;
	[tilespmem:s0+$0x54C0] =	vst v2;
	v2 =	vmul.f32 v4, v0  }
0x152: {  	s10 =	smul.u32 $0x380, s2;
	v3 =	vmul.f32 v5, v0;
	[tilespmem:s0+$0x54D0] =	vst v1  }
0x153: {  	[tilespmem:s0+$0x54E0] =	vst v2  }
0x154: {  	s2 =	smul.u32 $0x1C00, s2;
	s10 =	sadd.s32 s6, s10;
	[tilespmem:s0+$0x0] =	vst v3  }
0x155: {  	[hbm4b:s10+s3] =	stream.linear.scatter [tilespmem:s20], [sflag:$0x3], $0x1900, $0x38;
	[tilespmem:$0x12080] =	vst v63  }
0x156: {  	s29 =	sshrl.u32 s2, $0x3;
	_ =	swait.ge [sflag:s11], $0x1900  }
0x157: {  	s0 =	sadd.s32 s6, s29;
	[sflag:s11] =	ssyncset.done $0x0  }
0x158: {  	s30 =	sadd.s32 $0x380, s0;
	[sflag:s11] =	ssyncadd.s32 $0xFFFFE700  }
0x159: {  	[hbm4b:s30+s3] =	stream.linear.scatter [tilespmem:s21], [sflag:$0x3], $0x1900, $0x38;
	[tilespmem:$0x12080] =	vst v63  }
0x15a: {  	_ =	swait.ge [sflag:s11], $0x1900  }
0x15b: {  	[sflag:s11] =	ssyncset.done $0x0  }
0x15c: {  	s31 =	sadd.s32 $0x700, s0;
	[sflag:s11] =	ssyncadd.s32 $0xFFFFE700  }
0x15d: {  	[hbm4b:s31+s3] =	stream.linear.scatter [tilespmem:s22], [sflag:$0x3], $0x1900, $0x38;
	[tilespmem:$0x12080] =	vst v63  }
0x15e: {  	s28 =	sadd.s32 $0x1, s28;
	_ =	swait.ge [sflag:s11], $0x1900  }
0x15f: {  	p0 =	sne.s32 s28, $0x10;
	[sflag:s11] =	ssyncset.done $0x0  }
.Ltmp2:
0x160: {  	s0 =	sadd.s32 $0xA80, s0;
	[sflag:s11] =	ssyncadd.s32 $0xFFFFE700;
	(pc) =	sbr.rel @p0 .LBB2_2-.Ltmp2, $4  }
0x161: {  	[hbm4b:s0+s3] =	stream.linear.scatter [tilespmem:s23], [sflag:$0x3], $0x1900, $0x38;
	[tilespmem:$0x12080] =	vst v63  }
0x162: {  	_ =	swait.ge [sflag:s11], $0x1900  }
0x163: {  	[sflag:s11] =	ssyncset.done $0x0  }
0x164: {  	[sflag:s11] =	ssyncadd.s32 $0xFFFFE700  }
0x165: {  	s26 =	sadd.s32 $0x1, s26  }
0x166: {  	p0 =	sne.s32 s26, s9  }
.Ltmp3:
0x167: {  	_ = 	snop;
	(pc) =	sbr.rel @p0 .LBB2_1-.Ltmp3, $1  }
0x168: {  	_ =	sdelay $0x3  }
0x169: {  	_ =	sfence.sel $0x180000  }
0x16a: {  	[bflag:$0x0] =	sbarrier.arrive $0xFFFF  }
0x16b: {  	_ =	strace $0x90000047  }
0x16c: {  	s0 =	stileid.u32;
	[bflag:$0x2] =	sbarrier.arrive $0xFFFF  }
0x16d: {  	p0 =	sne.s32 s0, $0x0;
	s0 =	rddreg [dreg:$0x3]  }
0x16e: {  	s0 =	sadd.s32 @!p0 $0x100000, s0  }
0x16f: {  	[sflag:s0] =	ssyncadd.tile.s32 @!p0 $0x1;
	_ =	shalt  }
.Lfunc_end2:
_tile_overlayer_lowered:
.L_overlay_start_2:
0x170: {  	(tag) =	ssettag $0x2  }
0x171: {  	s0 =	rddreg [dreg:$0x0];
	s2 =	stileid.u32  }
0x172: {  	s1 =	rddreg [dreg:$0x1];
	p0 =	sne.s32 s2, $0x0  }
0x173: {  	s3 =	rddreg [dreg:$0x2];
	[bflag:$0x3] =	sbarrier.arrive $0xFFFF;
	s2 =	simm.s32 @!p0 $0x1C03  }
0x174: {  	[timem:s3], [sflag:s2] =	dma.local @!p0 [hbm:s0], s1  }
0x175: {  	s0 =	simm.s32 @!p0 $0x3  }
0x176: {  	_ =	swait.ge @!p0 [sflag:s0], s1  }
0x177: {  	s1 =	ssub.s32 @!p0 $0x0, s1;
	[sflag:s0] =	ssyncset.done @!p0 $0x0  }
0x178: {  	[sflag:s0] =	ssyncadd.s32 @!p0 s1  }
0x179: {  	[bflag:$0x3] =	sbarrier.arrive $0xFFFF  }
0x17a: {  	_ =	shalt  }

</sc_bundles>
